<compile_context>
chip_gen: v7x
topology: tpu7x:2x2x1
jax: 0.10.2.dev20260603
libtpu: 0.0.44.dev20260713+nightly
codegen_flags: <defaults>
</compile_context>

<pallas_src>
import functools

import jax
import jax.numpy as jnp
from jax import lax
from jax.experimental import pallas as pl
from jax.experimental.pallas import tpu as pltpu
from jax.experimental.pallas import tpu_sc as plsc

N = 10000
E = 320000
D = 128
H = 128
C = 7

NC = 2
NS = 16
NW = NC * NS

CHUNK = 128
NCH = E // CHUNK
CPW = 80
PADC = NW * CPW - NCH
NP = 10240
RPT = NP // NS
IB = 40
DEG_W = 128


def _zero_fill(ref, nrows, ncols):
    def row(i, _):
        for k in range(ncols // 16):
            ref[i, pl.ds(k * 16, 16)] = jnp.zeros((16,), jnp.float32)
        return 0
    lax.fori_loop(0, nrows, row, 0)


def _deg_body(ei_hbm, out_hbm, idx_v, ones_v, zero_v, acc_sh, dsem):
    c = lax.axis_index("c")
    s = lax.axis_index("s")
    wid = c * NS + s

    def ones_row(i, _):
        for k in range(DEG_W // 16):
            ones_v[i, pl.ds(k * 16, 16)] = jnp.full((16,), 1.0, jnp.float32)
        return 0
    lax.fori_loop(0, CHUNK, ones_row, 0)
    _zero_fill(zero_v, 64, DEG_W)

    def zero_acc(k, _):
        pltpu.sync_copy(zero_v, acc_sh.at[pl.ds(s * RPT + k * 64, 64)])
        return 0
    lax.fori_loop(0, RPT // 64, zero_acc, 0)
    plsc.subcore_barrier()

    pltpu.sync_copy(ei_hbm.at[1, pl.ds(wid * CPW, CPW), :], idx_v)

    def body(j, _):
        pltpu.async_copy(ones_v, acc_sh.at[idx_v.at[j]], dsem, add=True)
        return 0
    lax.fori_loop(0, CPW, body, 0)

    def drain(j, _):
        pltpu.make_async_copy(ones_v, acc_sh.at[idx_v.at[0]], dsem).wait()
        return 0
    lax.fori_loop(0, CPW, drain, 0)
    plsc.subcore_barrier()

    pltpu.sync_copy(acc_sh.at[pl.ds(s * RPT, RPT)],
                    out_hbm.at[c, pl.ds(s * RPT, RPT)])


def _agg_body(hs_hbm, src_hbm, dst_hbm, out_hbm,
              src_v, dst_v, rows0, rows1, acc_sh,
              gsem0, gsem1, ssem0, ssem1):
    c = lax.axis_index("c")
    s = lax.axis_index("s")
    wid = c * NS + s

    _zero_fill(rows0, CHUNK, H)

    def zero_acc(k, _):
        pltpu.sync_copy(rows0, acc_sh.at[pl.ds(s * RPT + k * CHUNK, CHUNK)])
        return 0
    lax.fori_loop(0, RPT // CHUNK, zero_acc, 0)
    plsc.subcore_barrier()

    rows = (rows0, rows1)
    gsems = (gsem0, gsem1)
    ssems = (ssem0, ssem1)

    def sidx(r):
        return src_v.at[r]

    def didx(r):
        return dst_v.at[r]

    for q in range(CPW // IB):
        pltpu.sync_copy(src_hbm.at[pl.ds(wid * CPW + q * IB, IB)], src_v)
        pltpu.sync_copy(dst_hbm.at[pl.ds(wid * CPW + q * IB, IB)], dst_v)
        for b in range(2):
            pltpu.async_copy(hs_hbm.at[sidx(b)], rows[b], gsems[b])

        def pair(p, _):
            for b in range(2):
                r = 2 * p + b
                pltpu.make_async_copy(hs_hbm.at[sidx(0)],
                                      rows[b], gsems[b]).wait()
                pltpu.async_copy(rows[b], acc_sh.at[didx(r)], ssems[b],
                                 add=True)
                nr = r + 2

                @pl.when(nr < IB)
                def _():
                    pltpu.make_async_copy(rows[b], acc_sh.at[didx(r)],
                                          ssems[b]).wait()
                    pltpu.async_copy(hs_hbm.at[sidx(nr)], rows[b], gsems[b])
            return 0
        lax.fori_loop(0, IB // 2, pair, 0)
        for b in range(2):
            pltpu.make_async_copy(rows[b], acc_sh.at[didx(0)],
                                  ssems[b]).wait()
    plsc.subcore_barrier()

    pltpu.sync_copy(acc_sh.at[pl.ds(s * RPT, RPT)],
                    out_hbm.at[c, pl.ds(s * RPT, RPT)])


@functools.cache
def _sc_kernels():
    mesh = plsc.VectorSubcoreMesh(core_axis_name="c", subcore_axis_name="s",
                                  num_cores=NC, num_subcores=NS)
    deg_k = pl.kernel(
        _deg_body,
        out_type=jax.ShapeDtypeStruct((NC, NP, DEG_W), jnp.float32),
        mesh=mesh,
        scratch_types=[
            pltpu.VMEM((CPW, CHUNK), jnp.int32),
            pltpu.VMEM((CHUNK, DEG_W), jnp.float32),
            pltpu.VMEM((64, DEG_W), jnp.float32),
            pltpu.VMEM_SHARED((NP, DEG_W), jnp.float32),
            pltpu.SemaphoreType.DMA,
        ],
    )
    agg_k = pl.kernel(
        _agg_body,
        out_type=jax.ShapeDtypeStruct((NC, NP, H), jnp.float32),
        mesh=mesh,
        scratch_types=[
            pltpu.VMEM((IB, CHUNK), jnp.int32),
            pltpu.VMEM((IB, CHUNK), jnp.int32),
            pltpu.VMEM((CHUNK, H), jnp.float32),
            pltpu.VMEM((CHUNK, H), jnp.float32),
            pltpu.VMEM_SHARED((NP, H), jnp.float32),
            pltpu.SemaphoreType.DMA,
            pltpu.SemaphoreType.DMA,
            pltpu.SemaphoreType.DMA,
            pltpu.SemaphoreType.DMA,
        ],
    )
    return deg_k, agg_k


BLK = 2048


def _k1_body(degtab_ref, x_ref, w1_ref, hs_ref, dinv_ref):
    deg = degtab_ref[0, :, 0:1] + degtab_ref[1, :, 0:1]
    dinv = lax.rsqrt(deg + 1.0)
    h = jnp.dot(x_ref[...], w1_ref[...], preferred_element_type=jnp.float32)
    hs_ref[...] = h * dinv
    dinv_ref[...] = dinv


def _k2_body(acc_ref, hs_ref, dinv_ref, b_ref, w_ref, out_ref):
    dinv = dinv_ref[...]
    z = jnp.maximum((acc_ref[0] + acc_ref[1] + hs_ref[...]) * dinv + b_ref[...],
                    0.0)
    h2 = jnp.dot(z, w_ref[...], preferred_element_type=jnp.float32)
    out_ref[...] = h2 * dinv


def _k3_body(acc_ref, hs_ref, dinv_ref, b_ref, w3_ref, b3_ref, out_ref):
    dinv = dinv_ref[...]
    z = jnp.maximum((acc_ref[0] + acc_ref[1] + hs_ref[...]) * dinv + b_ref[...],
                    0.0)
    logits = jnp.dot(z, w3_ref[...], preferred_element_type=jnp.float32)
    logits = logits + b3_ref[...]
    m = jnp.max(logits, axis=1, keepdims=True)
    e = jnp.exp(logits - m)
    sm = e / jnp.sum(e, axis=1, keepdims=True)
    out_ref[...] = sm[:, :8]


_row_spec = pl.BlockSpec((BLK, 128), lambda i: (i, 0))
_vec_spec = pl.BlockSpec((BLK, 1), lambda i: (i, 0))
_mat_spec = pl.BlockSpec((128, 128), lambda i: (0, 0))
_bias_spec = pl.BlockSpec((1, 128), lambda i: (0, 0))
_acc_spec = pl.BlockSpec((NC, BLK, 128), lambda i: (0, i, 0))

_k1 = pl.pallas_call(
    _k1_body,
    grid=(NP // BLK,),
    in_specs=[_acc_spec, _row_spec, _mat_spec],
    out_specs=[_row_spec, _vec_spec],
    out_shape=[jax.ShapeDtypeStruct((NP, H), jnp.float32),
               jax.ShapeDtypeStruct((NP, 1), jnp.float32)],
)

_k2 = pl.pallas_call(
    _k2_body,
    grid=(NP // BLK,),
    in_specs=[_acc_spec, _row_spec, _vec_spec, _bias_spec, _mat_spec],
    out_specs=_row_spec,
    out_shape=jax.ShapeDtypeStruct((NP, H), jnp.float32),
)

_k3 = pl.pallas_call(
    _k3_body,
    grid=(NP // BLK,),
    in_specs=[_acc_spec, _row_spec, _vec_spec, _bias_spec, _mat_spec,
              _bias_spec],
    out_specs=pl.BlockSpec((BLK, 8), lambda i: (i, 0)),
    out_shape=jax.ShapeDtypeStruct((NP, 8), jnp.float32),
)


def kernel(x, edge_index, W1, b1, W2, b2, W3, b3):
    ei3 = edge_index.reshape(2, NCH, CHUNK)
    pad_src = jnp.arange(PADC * CHUNK, dtype=jnp.int32) % N
    pad_dst = N + jnp.arange(PADC * CHUNK, dtype=jnp.int32) % (NP - N)
    pad3 = jnp.stack([pad_src.reshape(PADC, CHUNK),
                      pad_dst.reshape(PADC, CHUNK)])
    ei4 = jnp.concatenate([ei3, pad3], axis=1)
    x_p = jnp.pad(x, ((0, NP - N), (0, 0)))

    src4 = ei4[0]
    dst4 = ei4[1]

    _deg_kernel, _agg_kernel = _sc_kernels()
    degtab = _deg_kernel(ei4)

    hs1, dinv = _k1(degtab, x_p, W1)
    acc1 = _agg_kernel(hs1, src4, dst4)
    hs2 = _k2(acc1, hs1, dinv, b1.reshape(1, H), W2)
    acc2 = _agg_kernel(hs2, src4, dst4)

    w3p = jnp.pad(W3, ((0, 0), (0, 128 - C)))
    b3p = jnp.concatenate([b3, jnp.full((128 - C,), -1e30, jnp.float32)])
    out = _k3(acc2, hs2, dinv, b2.reshape(1, H), w3p, b3p.reshape(1, 128))
    return out[:N, :C]

# --- scband reference (transcript-rebuilt; emitter-appended) ---
"""Pipeline reference for scband-gcn-7129645711807 (READ-ONLY COPY).

The authoritative reference and input builder live on the scoring server;
editing this copy changes nothing except your own understanding.
"""

import jax, jax.numpy as jnp
import numpy as np

N = 10000
E = 320000
D = 128
H = 128
C = 7


def gcn_conv(x, src, dst, W, b):
    n = x.shape[0]
    loop = jnp.arange(n, dtype=src.dtype)
    s = jnp.concatenate([src, loop])
    d = jnp.concatenate([dst, loop])
    deg = jnp.zeros((n,), x.dtype).at[d].add(1.0)
    dinv = jax.lax.rsqrt(deg)
    norm = dinv[s] * dinv[d]
    h = x @ W
    out = jnp.zeros((n, W.shape[1]), x.dtype).at[d].add(h[s] * norm[:, None])
    return out + b


def setup_inputs(seed: int = 0) -> dict:
    key = jax.random.key(seed)
    ks = jax.random.split(key, 9)
    x = jax.random.normal(ks[0], (N, D), dtype=jnp.float32)
    edge_index = jax.random.randint(ks[1], (2, E), 0, N, dtype=jnp.int32)
    W1 = jax.random.normal(ks[2], (D, H), dtype=jnp.float32) * (1.0 / np.sqrt(D))
    b1 = jnp.zeros((H,), dtype=jnp.float32)
    W2 = jax.random.normal(ks[3], (H, H), dtype=jnp.float32) * (1.0 / np.sqrt(H))
    b2 = jnp.zeros((H,), dtype=jnp.float32)
    W3 = jax.random.normal(ks[4], (H, C), dtype=jnp.float32) * (1.0 / np.sqrt(H))
    b3 = jnp.zeros((C,), dtype=jnp.float32)
    return {"x": x, "edge_index": edge_index, "W1": W1, "b1": b1, "W2": W2, "b2": b2, "W3": W3, "b3": b3}


def reference(x, edge_index, W1, b1, W2, b2, W3, b3):
    src = edge_index[0]
    dst = edge_index[1]
    h = jax.nn.relu(gcn_conv(x, src, dst, W1, b1))
    # dropout p=0.5 is identity in eval mode
    h = jax.nn.relu(gcn_conv(h, src, dst, W2, b2))
    # dropout p=0.5 is identity in eval mode
    logits = h @ W3 + b3
    return jax.nn.softmax(logits, axis=1)

if __name__ == "__main__":
    import jax
    _d = setup_inputs()
    print(jax.jit(kernel)(*tuple(_d.values())))

</pallas_src>

<mosaic_0001>
#map = affine_map<(d0, d1) -> (0, 0, 0)>
module attributes {stable_mosaic.version = 14 : i64} {
  func.func @_deg_body(%arg0: i32, %arg1: i32, %arg2: memref<2x2560x128xi32, #tpu.memory_space<hbm>>, %arg3: memref<2x10240x128xf32, #tpu.memory_space<hbm>>, %arg4: memref<80x128xi32, #tpu.memory_space<vmem>>, %arg5: memref<128x128xf32, #tpu.memory_space<vmem>>, %arg6: memref<64x128xf32, #tpu.memory_space<vmem>>, %arg7: memref<10240x128xf32, #tpu.memory_space<vmem_shared>>, %arg8: memref<!tpu.dma_semaphore, #tpu.memory_space<semaphore_mem>>) attributes {dimension_semantics = [#tpu.dimension_semantics<core_parallel>, #tpu.dimension_semantics<subcore_parallel>], iteration_bounds = array<i64: 2, 16>, scalar_prefetch = 0 : i64, scratch_operands = 5 : i64, tpu.core_type = #tpu.core_type<sc_vector_subcore>, window_params = [{transform_indices = #map}, {transform_indices = #map}]} {
    %mul3A = arith.constant 16 : i32
    %mul3A_0 = arith.muli %arg0, %mul3A : i32
    %add3A = arith.addi %mul3A_0, %arg1 : i32
    %scan3A = arith.constant 0 : i32
    %scan3A_1 = arith.constant 0 : i32
    %scan3A_2 = arith.constant 128 : i32
    %scan3A_3 = arith.addi %scan3A_1, %scan3A_2 : i32
    %scan3A_4 = arith.constant 1 : i32
    %scan3A_5 = scf.for %scan3A_42 = %scan3A_1 to %scan3A_3 step %scan3A_4 iter_args(%scan3A_43 = %scan3A) -> (i32)  : i32 {
      %broadcast_in_dim3A = arith.constant 1.000000e+00 : f32
      %broadcast_in_dim3A_44 = vector.broadcast %broadcast_in_dim3A : f32 to vector<16xf32>
      %swap3A = arith.index_cast %scan3A_42 : i32 to index
      %swap3A_45 = arith.constant 0 : index
      %swap3A_46 = tpu.vector_load %arg5[%swap3A, %swap3A_45] {strides = array<i32>} : memref<128x128xf32, #tpu.memory_space<vmem>>, vector<1x16xf32>,
      %swap3A_47 = vector.shape_cast %swap3A_46 : vector<1x16xf32> to vector<16xf32>
      %swap3A_48 = vector.shape_cast %broadcast_in_dim3A_44 : vector<16xf32> to vector<1x16xf32>
      tpu.vector_store %arg5[%swap3A, %swap3A_45], %swap3A_48 {strides = array<i32>} : memref<128x128xf32, #tpu.memory_space<vmem>>, vector<1x16xf32>,
      %broadcast_in_dim3A_49 = arith.constant 1.000000e+00 : f32
      %broadcast_in_dim3A_50 = vector.broadcast %broadcast_in_dim3A_49 : f32 to vector<16xf32>
      %swap3A_51 = arith.index_cast %scan3A_42 : i32 to index
      %swap3A_52 = arith.constant 16 : index
      %swap3A_53 = tpu.vector_load %arg5[%swap3A_51, %swap3A_52] {strides = array<i32>} : memref<128x128xf32, #tpu.memory_space<vmem>>, vector<1x16xf32>,
      %swap3A_54 = vector.shape_cast %swap3A_53 : vector<1x16xf32> to vector<16xf32>
      %swap3A_55 = vector.shape_cast %broadcast_in_dim3A_50 : vector<16xf32> to vector<1x16xf32>
      tpu.vector_store %arg5[%swap3A_51, %swap3A_52], %swap3A_55 {strides = array<i32>} : memref<128x128xf32, #tpu.memory_space<vmem>>, vector<1x16xf32>,
      %broadcast_in_dim3A_56 = arith.constant 1.000000e+00 : f32
      %broadcast_in_dim3A_57 = vector.broadcast %broadcast_in_dim3A_56 : f32 to vector<16xf32>
      %swap3A_58 = arith.index_cast %scan3A_42 : i32 to index
      %swap3A_59 = arith.constant 32 : index
      %swap3A_60 = tpu.vector_load %arg5[%swap3A_58, %swap3A_59] {strides = array<i32>} : memref<128x128xf32, #tpu.memory_space<vmem>>, vector<1x16xf32>,
      %swap3A_61 = vector.shape_cast %swap3A_60 : vector<1x16xf32> to vector<16xf32>
      %swap3A_62 = vector.shape_cast %broadcast_in_dim3A_57 : vector<16xf32> to vector<1x16xf32>
      tpu.vector_store %arg5[%swap3A_58, %swap3A_59], %swap3A_62 {strides = array<i32>} : memref<128x128xf32, #tpu.memory_space<vmem>>, vector<1x16xf32>,
      %broadcast_in_dim3A_63 = arith.constant 1.000000e+00 : f32
      %broadcast_in_dim3A_64 = vector.broadcast %broadcast_in_dim3A_63 : f32 to vector<16xf32>
      %swap3A_65 = arith.index_cast %scan3A_42 : i32 to index
      %swap3A_66 = arith.constant 48 : index
      %swap3A_67 = tpu.vector_load %arg5[%swap3A_65, %swap3A_66] {strides = array<i32>} : memref<128x128xf32, #tpu.memory_space<vmem>>, vector<1x16xf32>,
      %swap3A_68 = vector.shape_cast %swap3A_67 : vector<1x16xf32> to vector<16xf32>
      %swap3A_69 = vector.shape_cast %broadcast_in_dim3A_64 : vector<16xf32> to vector<1x16xf32>
      tpu.vector_store %arg5[%swap3A_65, %swap3A_66], %swap3A_69 {strides = array<i32>} : memref<128x128xf32, #tpu.memory_space<vmem>>, vector<1x16xf32>,
      %broadcast_in_dim3A_70 = arith.constant 1.000000e+00 : f32
      %broadcast_in_dim3A_71 = vector.broadcast %broadcast_in_dim3A_70 : f32 to vector<16xf32>
      %swap3A_72 = arith.index_cast %scan3A_42 : i32 to index
      %swap3A_73 = arith.constant 64 : index
      %swap3A_74 = tpu.vector_load %arg5[%swap3A_72, %swap3A_73] {strides = array<i32>} : memref<128x128xf32, #tpu.memory_space<vmem>>, vector<1x16xf32>,
      %swap3A_75 = vector.shape_cast %swap3A_74 : vector<1x16xf32> to vector<16xf32>
      %swap3A_76 = vector.shape_cast %broadcast_in_dim3A_71 : vector<16xf32> to vector<1x16xf32>
      tpu.vector_store %arg5[%swap3A_72, %swap3A_73], %swap3A_76 {strides = array<i32>} : memref<128x128xf32, #tpu.memory_space<vmem>>, vector<1x16xf32>,
      %broadcast_in_dim3A_77 = arith.constant 1.000000e+00 : f32
      %broadcast_in_dim3A_78 = vector.broadcast %broadcast_in_dim3A_77 : f32 to vector<16xf32>
      %swap3A_79 = arith.index_cast %scan3A_42 : i32 to index
      %swap3A_80 = arith.constant 80 : index
      %swap3A_81 = tpu.vector_load %arg5[%swap3A_79, %swap3A_80] {strides = array<i32>} : memref<128x128xf32, #tpu.memory_space<vmem>>, vector<1x16xf32>,
      %swap3A_82 = vector.shape_cast %swap3A_81 : vector<1x16xf32> to vector<16xf32>
      %swap3A_83 = vector.shape_cast %broadcast_in_dim3A_78 : vector<16xf32> to vector<1x16xf32>
      tpu.vector_store %arg5[%swap3A_79, %swap3A_80], %swap3A_83 {strides = array<i32>} : memref<128x128xf32, #tpu.memory_space<vmem>>, vector<1x16xf32>,
      %broadcast_in_dim3A_84 = arith.constant 1.000000e+00 : f32
      %broadcast_in_dim3A_85 = vector.broadcast %broadcast_in_dim3A_84 : f32 to vector<16xf32>
      %swap3A_86 = arith.index_cast %scan3A_42 : i32 to index
      %swap3A_87 = arith.constant 96 : index
      %swap3A_88 = tpu.vector_load %arg5[%swap3A_86, %swap3A_87] {strides = array<i32>} : memref<128x128xf32, #tpu.memory_space<vmem>>, vector<1x16xf32>,
      %swap3A_89 = vector.shape_cast %swap3A_88 : vector<1x16xf32> to vector<16xf32>
      %swap3A_90 = vector.shape_cast %broadcast_in_dim3A_85 : vector<16xf32> to vector<1x16xf32>
      tpu.vector_store %arg5[%swap3A_86, %swap3A_87], %swap3A_90 {strides = array<i32>} : memref<128x128xf32, #tpu.memory_space<vmem>>, vector<1x16xf32>,
      %broadcast_in_dim3A_91 = arith.constant 1.000000e+00 : f32
      %broadcast_in_dim3A_92 = vector.broadcast %broadcast_in_dim3A_91 : f32 to vector<16xf32>
      %swap3A_93 = arith.index_cast %scan3A_42 : i32 to index
      %swap3A_94 = arith.constant 112 : index
      %swap3A_95 = tpu.vector_load %arg5[%swap3A_93, %swap3A_94] {strides = array<i32>} : memref<128x128xf32, #tpu.memory_space<vmem>>, vector<1x16xf32>,
      %swap3A_96 = vector.shape_cast %swap3A_95 : vector<1x16xf32> to vector<16xf32>
      %swap3A_97 = vector.shape_cast %broadcast_in_dim3A_92 : vector<16xf32> to vector<1x16xf32>
      tpu.vector_store %arg5[%swap3A_93, %swap3A_94], %swap3A_97 {strides = array<i32>} : memref<128x128xf32, #tpu.memory_space<vmem>>, vector<1x16xf32>,
      %scan3A_98 = arith.constant 0 : i32
      scf.yield %scan3A_98 : i32
    }
    %scan3A_6 = arith.constant 128 : i32
    %scan3A_7 = arith.constant 0 : i32
    %scan3A_8 = arith.constant 0 : i32
    %scan3A_9 = arith.constant 64 : i32
    %scan3A_10 = arith.addi %scan3A_8, %scan3A_9 : i32
    %scan3A_11 = arith.constant 1 : i32
    %scan3A_12 = scf.for %scan3A_42 = %scan3A_8 to %scan3A_10 step %scan3A_11 iter_args(%scan3A_43 = %scan3A_7) -> (i32)  : i32 {
      %broadcast_in_dim3A = arith.constant 0.000000e+00 : f32
      %broadcast_in_dim3A_44 = vector.broadcast %broadcast_in_dim3A : f32 to vector<16xf32>
      %swap3A = arith.index_cast %scan3A_42 : i32 to index
      %swap3A_45 = arith.constant 0 : index
      %swap3A_46 = tpu.vector_load %arg6[%swap3A, %swap3A_45] {strides = array<i32>} : memref<64x128xf32, #tpu.memory_space<vmem>>, vector<1x16xf32>,
      %swap3A_47 = vector.shape_cast %swap3A_46 : vector<1x16xf32> to vector<16xf32>
      %swap3A_48 = vector.shape_cast %broadcast_in_dim3A_44 : vector<16xf32> to vector<1x16xf32>
      tpu.vector_store %arg6[%swap3A, %swap3A_45], %swap3A_48 {strides = array<i32>} : memref<64x128xf32, #tpu.memory_space<vmem>>, vector<1x16xf32>,
      %broadcast_in_dim3A_49 = arith.constant 0.000000e+00 : f32
      %broadcast_in_dim3A_50 = vector.broadcast %broadcast_in_dim3A_49 : f32 to vector<16xf32>
      %swap3A_51 = arith.index_cast %scan3A_42 : i32 to index
      %swap3A_52 = arith.constant 16 : index
      %swap3A_53 = tpu.vector_load %arg6[%swap3A_51, %swap3A_52] {strides = array<i32>} : memref<64x128xf32, #tpu.memory_space<vmem>>, vector<1x16xf32>,
      %swap3A_54 = vector.shape_cast %swap3A_53 : vector<1x16xf32> to vector<16xf32>
      %swap3A_55 = vector.shape_cast %broadcast_in_dim3A_50 : vector<16xf32> to vector<1x16xf32>
      tpu.vector_store %arg6[%swap3A_51, %swap3A_52], %swap3A_55 {strides = array<i32>} : memref<64x128xf32, #tpu.memory_space<vmem>>, vector<1x16xf32>,
      %broadcast_in_dim3A_56 = arith.constant 0.000000e+00 : f32
      %broadcast_in_dim3A_57 = vector.broadcast %broadcast_in_dim3A_56 : f32 to vector<16xf32>
      %swap3A_58 = arith.index_cast %scan3A_42 : i32 to index
      %swap3A_59 = arith.constant 32 : index
      %swap3A_60 = tpu.vector_load %arg6[%swap3A_58, %swap3A_59] {strides = array<i32>} : memref<64x128xf32, #tpu.memory_space<vmem>>, vector<1x16xf32>,
      %swap3A_61 = vector.shape_cast %swap3A_60 : vector<1x16xf32> to vector<16xf32>
      %swap3A_62 = vector.shape_cast %broadcast_in_dim3A_57 : vector<16xf32> to vector<1x16xf32>
      tpu.vector_store %arg6[%swap3A_58, %swap3A_59], %swap3A_62 {strides = array<i32>} : memref<64x128xf32, #tpu.memory_space<vmem>>, vector<1x16xf32>,
      %broadcast_in_dim3A_63 = arith.constant 0.000000e+00 : f32
      %broadcast_in_dim3A_64 = vector.broadcast %broadcast_in_dim3A_63 : f32 to vector<16xf32>
      %swap3A_65 = arith.index_cast %scan3A_42 : i32 to index
      %swap3A_66 = arith.constant 48 : index
      %swap3A_67 = tpu.vector_load %arg6[%swap3A_65, %swap3A_66] {strides = array<i32>} : memref<64x128xf32, #tpu.memory_space<vmem>>, vector<1x16xf32>,
      %swap3A_68 = vector.shape_cast %swap3A_67 : vector<1x16xf32> to vector<16xf32>
      %swap3A_69 = vector.shape_cast %broadcast_in_dim3A_64 : vector<16xf32> to vector<1x16xf32>
      tpu.vector_store %arg6[%swap3A_65, %swap3A_66], %swap3A_69 {strides = array<i32>} : memref<64x128xf32, #tpu.memory_space<vmem>>, vector<1x16xf32>,
      %broadcast_in_dim3A_70 = arith.constant 0.000000e+00 : f32
      %broadcast_in_dim3A_71 = vector.broadcast %broadcast_in_dim3A_70 : f32 to vector<16xf32>
      %swap3A_72 = arith.index_cast %scan3A_42 : i32 to index
      %swap3A_73 = arith.constant 64 : index
      %swap3A_74 = tpu.vector_load %arg6[%swap3A_72, %swap3A_73] {strides = array<i32>} : memref<64x128xf32, #tpu.memory_space<vmem>>, vector<1x16xf32>,
      %swap3A_75 = vector.shape_cast %swap3A_74 : vector<1x16xf32> to vector<16xf32>
      %swap3A_76 = vector.shape_cast %broadcast_in_dim3A_71 : vector<16xf32> to vector<1x16xf32>
      tpu.vector_store %arg6[%swap3A_72, %swap3A_73], %swap3A_76 {strides = array<i32>} : memref<64x128xf32, #tpu.memory_space<vmem>>, vector<1x16xf32>,
      %broadcast_in_dim3A_77 = arith.constant 0.000000e+00 : f32
      %broadcast_in_dim3A_78 = vector.broadcast %broadcast_in_dim3A_77 : f32 to vector<16xf32>
      %swap3A_79 = arith.index_cast %scan3A_42 : i32 to index
      %swap3A_80 = arith.constant 80 : index
      %swap3A_81 = tpu.vector_load %arg6[%swap3A_79, %swap3A_80] {strides = array<i32>} : memref<64x128xf32, #tpu.memory_space<vmem>>, vector<1x16xf32>,
      %swap3A_82 = vector.shape_cast %swap3A_81 : vector<1x16xf32> to vector<16xf32>
      %swap3A_83 = vector.shape_cast %broadcast_in_dim3A_78 : vector<16xf32> to vector<1x16xf32>
      tpu.vector_store %arg6[%swap3A_79, %swap3A_80], %swap3A_83 {strides = array<i32>} : memref<64x128xf32, #tpu.memory_space<vmem>>, vector<1x16xf32>,
      %broadcast_in_dim3A_84 = arith.constant 0.000000e+00 : f32
      %broadcast_in_dim3A_85 = vector.broadcast %broadcast_in_dim3A_84 : f32 to vector<16xf32>
      %swap3A_86 = arith.index_cast %scan3A_42 : i32 to index
      %swap3A_87 = arith.constant 96 : index
      %swap3A_88 = tpu.vector_load %arg6[%swap3A_86, %swap3A_87] {strides = array<i32>} : memref<64x128xf32, #tpu.memory_space<vmem>>, vector<1x16xf32>,
      %swap3A_89 = vector.shape_cast %swap3A_88 : vector<1x16xf32> to vector<16xf32>
      %swap3A_90 = vector.shape_cast %broadcast_in_dim3A_85 : vector<16xf32> to vector<1x16xf32>
      tpu.vector_store %arg6[%swap3A_86, %swap3A_87], %swap3A_90 {strides = array<i32>} : memref<64x128xf32, #tpu.memory_space<vmem>>, vector<1x16xf32>,
      %broadcast_in_dim3A_91 = arith.constant 0.000000e+00 : f32
      %broadcast_in_dim3A_92 = vector.broadcast %broadcast_in_dim3A_91 : f32 to vector<16xf32>
      %swap3A_93 = arith.index_cast %scan3A_42 : i32 to index
      %swap3A_94 = arith.constant 112 : index
      %swap3A_95 = tpu.vector_load %arg6[%swap3A_93, %swap3A_94] {strides = array<i32>} : memref<64x128xf32, #tpu.memory_space<vmem>>, vector<1x16xf32>,
      %swap3A_96 = vector.shape_cast %swap3A_95 : vector<1x16xf32> to vector<16xf32>
      %swap3A_97 = vector.shape_cast %broadcast_in_dim3A_92 : vector<16xf32> to vector<1x16xf32>
      tpu.vector_store %arg6[%swap3A_93, %swap3A_94], %swap3A_97 {strides = array<i32>} : memref<64x128xf32, #tpu.memory_space<vmem>>, vector<1x16xf32>,
      %scan3A_98 = arith.constant 0 : i32
      scf.yield %scan3A_98 : i32
    }
    %scan3A_13 = arith.constant 64 : i32
    %scan3A_14 = arith.constant 0 : i32
    %scan3A_15 = arith.constant 0 : i32
    %scan3A_16 = arith.constant 10 : i32
    %scan3A_17 = arith.addi %scan3A_15, %scan3A_16 : i32
    %scan3A_18 = arith.constant 1 : i32
    %scan3A_19 = scf.for %scan3A_42 = %scan3A_15 to %scan3A_17 step %scan3A_18 iter_args(%scan3A_43 = %scan3A_14) -> (i32)  : i32 {
      %mul3A_44 = arith.constant 640 : i32
      %mul3A_45 = arith.muli %arg1, %mul3A_44 : i32
      %mul3A_46 = arith.constant 64 : i32
      %mul3A_47 = arith.muli %scan3A_42, %mul3A_46 : i32
      %add3A_48 = arith.addi %mul3A_45, %mul3A_47 : i32
      "tpu.region"() ({
        %run_scoped3A_50 = tpu.sem_alloc : memref<!tpu.dma_semaphore, #tpu.memory_space<semaphore_mem>>
        %dma_start3A = arith.constant 0 : i32
        %dma_start3A_51 = tpu.memref_slice %arg7[%add3A_48, %dma_start3A] : memref<10240x128xf32, #tpu.memory_space<vmem_shared>> -> memref<64x128xf32, #tpu.memory_space<vmem_shared>>
        %dma_start3A_52 = arith.constant 0 : i32
        %dma_start3A_53 = tpu.memref_slice %arg7[%add3A_48, %dma_start3A_52] : memref<10240x128xf32, #tpu.memory_space<vmem_shared>> -> memref<64x128xf32, #tpu.memory_space<vmem_shared>>
        tpu.enqueue_dma source(%arg6 : memref<64x128xf32, #tpu.memory_space<vmem>>) target(%dma_start3A_53 : memref<64x128xf32, #tpu.memory_space<vmem_shared>>) target_semaphore(%run_scoped3A_50 : memref<!tpu.dma_semaphore, #tpu.memory_space<semaphore_mem>>)
        %dma_wait3A = arith.constant 0 : i32
        %dma_wait3A_54 = tpu.memref_slice %arg7[%add3A_48, %dma_wait3A] : memref<10240x128xf32, #tpu.memory_space<vmem_shared>> -> memref<64x128xf32, #tpu.memory_space<vmem_shared>>
        %dma_wait3A_55 = arith.constant 0 : i32
        %dma_wait3A_56 = tpu.memref_slice %arg7[%add3A_48, %dma_wait3A_55] : memref<10240x128xf32, #tpu.memory_space<vmem_shared>> -> memref<64x128xf32, #tpu.memory_space<vmem_shared>>
        tpu.wait_dma2 semaphore(%run_scoped3A_50 : memref<!tpu.dma_semaphore, #tpu.memory_space<semaphore_mem>>) src(%arg6 : memref<64x128xf32, #tpu.memory_space<vmem>>) dst(%dma_wait3A_56 : memref<64x128xf32, #tpu.memory_space<vmem_shared>>)
        tpu.yield
      }) : () -> ()
      %scan3A_49 = arith.constant 0 : i32
      scf.yield %scan3A_49 : i32
    }
    %scan3A_20 = arith.constant 10 : i32
    %barrier3A = arith.constant 0 : index
    tpu.barrier barrier_id(%barrier3A)
    %mul3A_21 = arith.constant 80 : i32
    %mul3A_22 = arith.muli %add3A, %mul3A_21 : i32
    %run_scoped3A = arith.constant 1 : i32
    "tpu.region"() ({
      %run_scoped3A_42 = tpu.sem_alloc : memref<!tpu.dma_semaphore, #tpu.memory_space<semaphore_mem>>
      %dma_start3A = arith.constant 0 : i32
      %dma_start3A_43 = tpu.memref_slice %arg2[%run_scoped3A, %mul3A_22, %dma_start3A] : memref<2x2560x128xi32, #tpu.memory_space<hbm>> -> memref<1x80x128xi32, #tpu.memory_space<hbm>>
      %dma_start3A_44 = tpu.memref_squeeze %dma_start3A_43 : memref<1x80x128xi32, #tpu.memory_space<hbm>> -> memref<80x128xi32, #tpu.memory_space<hbm>>
      %dma_start3A_45 = arith.constant 0 : i32
      %dma_start3A_46 = tpu.memref_slice %arg2[%run_scoped3A, %mul3A_22, %dma_start3A_45] : memref<2x2560x128xi32, #tpu.memory_space<hbm>> -> memref<1x80x128xi32, #tpu.memory_space<hbm>>
      %dma_start3A_47 = tpu.memref_squeeze %dma_start3A_46 : memref<1x80x128xi32, #tpu.memory_space<hbm>> -> memref<80x128xi32, #tpu.memory_space<hbm>>
      tpu.enqueue_dma source(%dma_start3A_47 : memref<80x128xi32, #tpu.memory_space<hbm>>) target(%arg4 : memref<80x128xi32, #tpu.memory_space<vmem>>) target_semaphore(%run_scoped3A_42 : memref<!tpu.dma_semaphore, #tpu.memory_space<semaphore_mem>>)
      %dma_wait3A = arith.constant 0 : i32
      %dma_wait3A_48 = tpu.memref_slice %arg2[%run_scoped3A, %mul3A_22, %dma_wait3A] : memref<2x2560x128xi32, #tpu.memory_space<hbm>> -> memref<1x80x128xi32, #tpu.memory_space<hbm>>
      %dma_wait3A_49 = tpu.memref_squeeze %dma_wait3A_48 : memref<1x80x128xi32, #tpu.memory_space<hbm>> -> memref<80x128xi32, #tpu.memory_space<hbm>>
      %dma_wait3A_50 = arith.constant 0 : i32
      %dma_wait3A_51 = tpu.memref_slice %arg2[%run_scoped3A, %mul3A_22, %dma_wait3A_50] : memref<2x2560x128xi32, #tpu.memory_space<hbm>> -> memref<1x80x128xi32, #tpu.memory_space<hbm>>
      %dma_wait3A_52 = tpu.memref_squeeze %dma_wait3A_51 : memref<1x80x128xi32, #tpu.memory_space<hbm>> -> memref<80x128xi32, #tpu.memory_space<hbm>>
      tpu.wait_dma2 semaphore(%run_scoped3A_42 : memref<!tpu.dma_semaphore, #tpu.memory_space<semaphore_mem>>) src(%dma_wait3A_52 : memref<80x128xi32, #tpu.memory_space<hbm>>) dst(%arg4 : memref<80x128xi32, #tpu.memory_space<vmem>>)
      tpu.yield
    }) : () -> ()
    %scan3A_23 = arith.constant 0 : i32
    %scan3A_24 = arith.constant 0 : i32
    %scan3A_25 = arith.constant 80 : i32
    %scan3A_26 = arith.addi %scan3A_24, %scan3A_25 : i32
    %scan3A_27 = arith.constant 1 : i32
    %scan3A_28 = scf.for %scan3A_42 = %scan3A_24 to %scan3A_26 step %scan3A_27 iter_args(%scan3A_43 = %scan3A_23) -> (i32)  : i32 {
      %dma_start3A = arith.constant 0 : i32
      %dma_start3A_44 = tpu.memref_slice %arg4[%scan3A_42, %dma_start3A] : memref<80x128xi32, #tpu.memory_space<vmem>> -> memref<1x128xi32, #tpu.memory_space<vmem>>
      %dma_start3A_45 = tpu.memref_squeeze %dma_start3A_44 : memref<1x128xi32, #tpu.memory_space<vmem>> -> memref<128xi32, #tpu.memory_space<vmem>>
      %dma_start3A_46 = arith.constant 0 : i32
      %dma_start3A_47 = arith.constant 0 : i32
      %dma_start3A_48 = tpu.memref_slice %arg7[%dma_start3A_46, %dma_start3A_47] : memref<10240x128xf32, #tpu.memory_space<vmem_shared>> -> memref<10240x128xf32, #tpu.memory_space<vmem_shared>>
      tpu.enqueue_indirect_dma source(%arg5 : memref<128x128xf32, #tpu.memory_space<vmem>>) target(%dma_start3A_48 : memref<10240x128xf32, #tpu.memory_space<vmem_shared>>) offsets(%dma_start3A_45 : memref<128xi32, #tpu.memory_space<vmem>>) semaphore(%arg8 : memref<!tpu.dma_semaphore, #tpu.memory_space<semaphore_mem>>) {add = true}
      %scan3A_49 = arith.constant 0 : i32
      scf.yield %scan3A_49 : i32
    }
    %scan3A_29 = arith.constant 80 : i32
    %scan3A_30 = arith.constant 0 : i32
    %scan3A_31 = arith.constant 0 : i32
    %scan3A_32 = arith.constant 80 : i32
    %scan3A_33 = arith.addi %scan3A_31, %scan3A_32 : i32
    %scan3A_34 = arith.constant 1 : i32
    %scan3A_35 = scf.for %scan3A_42 = %scan3A_31 to %scan3A_33 step %scan3A_34 iter_args(%scan3A_43 = %scan3A_30) -> (i32)  : i32 {
      %dma_wait3A = arith.constant 0 : i32
      %dma_wait3A_44 = arith.constant 0 : i32
      %dma_wait3A_45 = tpu.memref_slice %arg4[%dma_wait3A, %dma_wait3A_44] : memref<80x128xi32, #tpu.memory_space<vmem>> -> memref<1x128xi32, #tpu.memory_space<vmem>>
      %dma_wait3A_46 = tpu.memref_squeeze %dma_wait3A_45 : memref<1x128xi32, #tpu.memory_space<vmem>> -> memref<128xi32, #tpu.memory_space<vmem>>
      %dma_wait3A_47 = arith.constant 0 : i32
      %dma_wait3A_48 = arith.constant 0 : i32
      %dma_wait3A_49 = tpu.memref_slice %arg7[%dma_wait3A_47, %dma_wait3A_48] : memref<10240x128xf32, #tpu.memory_space<vmem_shared>> -> memref<10240x128xf32, #tpu.memory_space<vmem_shared>>
      tpu.wait_indirect_dma semaphore(%arg8 : memref<!tpu.dma_semaphore, #tpu.memory_space<semaphore_mem>>) src(%arg5 : memref<128x128xf32, #tpu.memory_space<vmem>>) dst(%dma_wait3A_49 : memref<10240x128xf32, #tpu.memory_space<vmem_shared>>)
      %scan3A_50 = arith.constant 0 : i32
      scf.yield %scan3A_50 : i32
    }
    %scan3A_36 = arith.constant 80 : i32
    %barrier3A_37 = arith.constant 0 : index
    tpu.barrier barrier_id(%barrier3A_37)
    %mul3A_38 = arith.constant 640 : i32
    %mul3A_39 = arith.muli %arg1, %mul3A_38 : i32
    %mul3A_40 = arith.constant 640 : i32
    %mul3A_41 = arith.muli %arg1, %mul3A_40 : i32
    "tpu.region"() ({
      %run_scoped3A_42 = tpu.sem_alloc : memref<!tpu.dma_semaphore, #tpu.memory_space<semaphore_mem>>
      %dma_start3A = arith.constant 0 : i32
      %dma_start3A_43 = tpu.memref_slice %arg3[%arg0, %mul3A_41, %dma_start3A] : memref<2x10240x128xf32, #tpu.memory_space<hbm>> -> memref<1x640x128xf32, #tpu.memory_space<hbm>>
      %dma_start3A_44 = tpu.memref_squeeze %dma_start3A_43 : memref<1x640x128xf32, #tpu.memory_space<hbm>> -> memref<640x128xf32, #tpu.memory_space<hbm>>
      %dma_start3A_45 = arith.constant 0 : i32
      %dma_start3A_46 = tpu.memref_slice %arg7[%mul3A_39, %dma_start3A_45] : memref<10240x128xf32, #tpu.memory_space<vmem_shared>> -> memref<640x128xf32, #tpu.memory_space<vmem_shared>>
      tpu.enqueue_dma source(%dma_start3A_46 : memref<640x128xf32, #tpu.memory_space<vmem_shared>>) target(%dma_start3A_44 : memref<640x128xf32, #tpu.memory_space<hbm>>) target_semaphore(%run_scoped3A_42 : memref<!tpu.dma_semaphore, #tpu.memory_space<semaphore_mem>>)
      %dma_wait3A = arith.constant 0 : i32
      %dma_wait3A_47 = tpu.memref_slice %arg3[%arg0, %mul3A_41, %dma_wait3A] : memref<2x10240x128xf32, #tpu.memory_space<hbm>> -> memref<1x640x128xf32, #tpu.memory_space<hbm>>
      %dma_wait3A_48 = tpu.memref_squeeze %dma_wait3A_47 : memref<1x640x128xf32, #tpu.memory_space<hbm>> -> memref<640x128xf32, #tpu.memory_space<hbm>>
      %dma_wait3A_49 = arith.constant 0 : i32
      %dma_wait3A_50 = tpu.memref_slice %arg7[%mul3A_39, %dma_wait3A_49] : memref<10240x128xf32, #tpu.memory_space<vmem_shared>> -> memref<640x128xf32, #tpu.memory_space<vmem_shared>>
      tpu.wait_dma2 semaphore(%run_scoped3A_42 : memref<!tpu.dma_semaphore, #tpu.memory_space<semaphore_mem>>) src(%dma_wait3A_50 : memref<640x128xf32, #tpu.memory_space<vmem_shared>>) dst(%dma_wait3A_48 : memref<640x128xf32, #tpu.memory_space<hbm>>)
      tpu.yield
    }) : () -> ()
    return
  }
}

#map = affine_map<(d0, d1) -> (0, 0)>
#map1 = affine_map<(d0, d1) -> (0, 0, 0)>
module attributes {stable_mosaic.version = 14 : i64} {
  func.func @_agg_body(%arg0: i32, %arg1: i32, %arg2: memref<10240x128xf32, #tpu.memory_space<hbm>>, %arg3: memref<2560x128xi32, #tpu.memory_space<hbm>>, %arg4: memref<2560x128xi32, #tpu.memory_space<hbm>>, %arg5: memref<2x10240x128xf32, #tpu.memory_space<hbm>>, %arg6: memref<40x128xi32, #tpu.memory_space<vmem>>, %arg7: memref<40x128xi32, #tpu.memory_space<vmem>>, %arg8: memref<128x128xf32, #tpu.memory_space<vmem>>, %arg9: memref<128x128xf32, #tpu.memory_space<vmem>>, %arg10: memref<10240x128xf32, #tpu.memory_space<vmem_shared>>, %arg11: memref<!tpu.dma_semaphore, #tpu.memory_space<semaphore_mem>>, %arg12: memref<!tpu.dma_semaphore, #tpu.memory_space<semaphore_mem>>, %arg13: memref<!tpu.dma_semaphore, #tpu.memory_space<semaphore_mem>>, %arg14: memref<!tpu.dma_semaphore, #tpu.memory_space<semaphore_mem>>) attributes {dimension_semantics = [#tpu.dimension_semantics<core_parallel>, #tpu.dimension_semantics<subcore_parallel>], iteration_bounds = array<i64: 2, 16>, scalar_prefetch = 0 : i64, scratch_operands = 9 : i64, tpu.core_type = #tpu.core_type<sc_vector_subcore>, window_params = [{transform_indices = #map}, {transform_indices = #map}, {transform_indices = #map}, {transform_indices = #map1}]} {
    %mul3A = arith.constant 16 : i32
    %mul3A_0 = arith.muli %arg0, %mul3A : i32
    %add3A = arith.addi %mul3A_0, %arg1 : i32
    %scan3A = arith.constant 0 : i32
    %scan3A_1 = arith.constant 0 : i32
    %scan3A_2 = arith.constant 128 : i32
    %scan3A_3 = arith.addi %scan3A_1, %scan3A_2 : i32
    %scan3A_4 = arith.constant 1 : i32
    %scan3A_5 = scf.for %scan3A_103 = %scan3A_1 to %scan3A_3 step %scan3A_4 iter_args(%scan3A_104 = %scan3A) -> (i32)  : i32 {
      %broadcast_in_dim3A = arith.constant 0.000000e+00 : f32
      %broadcast_in_dim3A_105 = vector.broadcast %broadcast_in_dim3A : f32 to vector<16xf32>
      %swap3A = arith.index_cast %scan3A_103 : i32 to index
      %swap3A_106 = arith.constant 0 : index
      %swap3A_107 = tpu.vector_load %arg8[%swap3A, %swap3A_106] {strides = array<i32>} : memref<128x128xf32, #tpu.memory_space<vmem>>, vector<1x16xf32>,
      %swap3A_108 = vector.shape_cast %swap3A_107 : vector<1x16xf32> to vector<16xf32>
      %swap3A_109 = vector.shape_cast %broadcast_in_dim3A_105 : vector<16xf32> to vector<1x16xf32>
      tpu.vector_store %arg8[%swap3A, %swap3A_106], %swap3A_109 {strides = array<i32>} : memref<128x128xf32, #tpu.memory_space<vmem>>, vector<1x16xf32>,
      %broadcast_in_dim3A_110 = arith.constant 0.000000e+00 : f32
      %broadcast_in_dim3A_111 = vector.broadcast %broadcast_in_dim3A_110 : f32 to vector<16xf32>
      %swap3A_112 = arith.index_cast %scan3A_103 : i32 to index
      %swap3A_113 = arith.constant 16 : index
      %swap3A_114 = tpu.vector_load %arg8[%swap3A_112, %swap3A_113] {strides = array<i32>} : memref<128x128xf32, #tpu.memory_space<vmem>>, vector<1x16xf32>,
      %swap3A_115 = vector.shape_cast %swap3A_114 : vector<1x16xf32> to vector<16xf32>
      %swap3A_116 = vector.shape_cast %broadcast_in_dim3A_111 : vector<16xf32> to vector<1x16xf32>
      tpu.vector_store %arg8[%swap3A_112, %swap3A_113], %swap3A_116 {strides = array<i32>} : memref<128x128xf32, #tpu.memory_space<vmem>>, vector<1x16xf32>,
      %broadcast_in_dim3A_117 = arith.constant 0.000000e+00 : f32
      %broadcast_in_dim3A_118 = vector.broadcast %broadcast_in_dim3A_117 : f32 to vector<16xf32>
      %swap3A_119 = arith.index_cast %scan3A_103 : i32 to index
      %swap3A_120 = arith.constant 32 : index
      %swap3A_121 = tpu.vector_load %arg8[%swap3A_119, %swap3A_120] {strides = array<i32>} : memref<128x128xf32, #tpu.memory_space<vmem>>, vector<1x16xf32>,
      %swap3A_122 = vector.shape_cast %swap3A_121 : vector<1x16xf32> to vector<16xf32>
      %swap3A_123 = vector.shape_cast %broadcast_in_dim3A_118 : vector<16xf32> to vector<1x16xf32>
      tpu.vector_store %arg8[%swap3A_119, %swap3A_120], %swap3A_123 {strides = array<i32>} : memref<128x128xf32, #tpu.memory_space<vmem>>, vector<1x16xf32>,
      %broadcast_in_dim3A_124 = arith.constant 0.000000e+00 : f32
      %broadcast_in_dim3A_125 = vector.broadcast %broadcast_in_dim3A_124 : f32 to vector<16xf32>
      %swap3A_126 = arith.index_cast %scan3A_103 : i32 to index
      %swap3A_127 = arith.constant 48 : index
      %swap3A_128 = tpu.vector_load %arg8[%swap3A_126, %swap3A_127] {strides = array<i32>} : memref<128x128xf32, #tpu.memory_space<vmem>>, vector<1x16xf32>,
      %swap3A_129 = vector.shape_cast %swap3A_128 : vector<1x16xf32> to vector<16xf32>
      %swap3A_130 = vector.shape_cast %broadcast_in_dim3A_125 : vector<16xf32> to vector<1x16xf32>
      tpu.vector_store %arg8[%swap3A_126, %swap3A_127], %swap3A_130 {strides = array<i32>} : memref<128x128xf32, #tpu.memory_space<vmem>>, vector<1x16xf32>,
      %broadcast_in_dim3A_131 = arith.constant 0.000000e+00 : f32
      %broadcast_in_dim3A_132 = vector.broadcast %broadcast_in_dim3A_131 : f32 to vector<16xf32>
      %swap3A_133 = arith.index_cast %scan3A_103 : i32 to index
      %swap3A_134 = arith.constant 64 : index
      %swap3A_135 = tpu.vector_load %arg8[%swap3A_133, %swap3A_134] {strides = array<i32>} : memref<128x128xf32, #tpu.memory_space<vmem>>, vector<1x16xf32>,
      %swap3A_136 = vector.shape_cast %swap3A_135 : vector<1x16xf32> to vector<16xf32>
      %swap3A_137 = vector.shape_cast %broadcast_in_dim3A_132 : vector<16xf32> to vector<1x16xf32>
      tpu.vector_store %arg8[%swap3A_133, %swap3A_134], %swap3A_137 {strides = array<i32>} : memref<128x128xf32, #tpu.memory_space<vmem>>, vector<1x16xf32>,
      %broadcast_in_dim3A_138 = arith.constant 0.000000e+00 : f32
      %broadcast_in_dim3A_139 = vector.broadcast %broadcast_in_dim3A_138 : f32 to vector<16xf32>
      %swap3A_140 = arith.index_cast %scan3A_103 : i32 to index
      %swap3A_141 = arith.constant 80 : index
      %swap3A_142 = tpu.vector_load %arg8[%swap3A_140, %swap3A_141] {strides = array<i32>} : memref<128x128xf32, #tpu.memory_space<vmem>>, vector<1x16xf32>,
      %swap3A_143 = vector.shape_cast %swap3A_142 : vector<1x16xf32> to vector<16xf32>
      %swap3A_144 = vector.shape_cast %broadcast_in_dim3A_139 : vector<16xf32> to vector<1x16xf32>
      tpu.vector_store %arg8[%swap3A_140, %swap3A_141], %swap3A_144 {strides = array<i32>} : memref<128x128xf32, #tpu.memory_space<vmem>>, vector<1x16xf32>,
      %broadcast_in_dim3A_145 = arith.constant 0.000000e+00 : f32
      %broadcast_in_dim3A_146 = vector.broadcast %broadcast_in_dim3A_145 : f32 to vector<16xf32>
      %swap3A_147 = arith.index_cast %scan3A_103 : i32 to index
      %swap3A_148 = arith.constant 96 : index
      %swap3A_149 = tpu.vector_load %arg8[%swap3A_147, %swap3A_148] {strides = array<i32>} : memref<128x128xf32, #tpu.memory_space<vmem>>, vector<1x16xf32>,
      %swap3A_150 = vector.shape_cast %swap3A_149 : vector<1x16xf32> to vector<16xf32>
      %swap3A_151 = vector.shape_cast %broadcast_in_dim3A_146 : vector<16xf32> to vector<1x16xf32>
      tpu.vector_store %arg8[%swap3A_147, %swap3A_148], %swap3A_151 {strides = array<i32>} : memref<128x128xf32, #tpu.memory_space<vmem>>, vector<1x16xf32>,
      %broadcast_in_dim3A_152 = arith.constant 0.000000e+00 : f32
      %broadcast_in_dim3A_153 = vector.broadcast %broadcast_in_dim3A_152 : f32 to vector<16xf32>
      %swap3A_154 = arith.index_cast %scan3A_103 : i32 to index
      %swap3A_155 = arith.constant 112 : index
      %swap3A_156 = tpu.vector_load %arg8[%swap3A_154, %swap3A_155] {strides = array<i32>} : memref<128x128xf32, #tpu.memory_space<vmem>>, vector<1x16xf32>,
      %swap3A_157 = vector.shape_cast %swap3A_156 : vector<1x16xf32> to vector<16xf32>
      %swap3A_158 = vector.shape_cast %broadcast_in_dim3A_153 : vector<16xf32> to vector<1x16xf32>
      tpu.vector_store %arg8[%swap3A_154, %swap3A_155], %swap3A_158 {strides = array<i32>} : memref<128x128xf32, #tpu.memory_space<vmem>>, vector<1x16xf32>,
      %scan3A_159 = arith.constant 0 : i32
      scf.yield %scan3A_159 : i32
    }
    %scan3A_6 = arith.constant 128 : i32
    %scan3A_7 = arith.constant 0 : i32
    %scan3A_8 = arith.constant 0 : i32
    %scan3A_9 = arith.constant 5 : i32
    %scan3A_10 = arith.addi %scan3A_8, %scan3A_9 : i32
    %scan3A_11 = arith.constant 1 : i32
    %scan3A_12 = scf.for %scan3A_103 = %scan3A_8 to %scan3A_10 step %scan3A_11 iter_args(%scan3A_104 = %scan3A_7) -> (i32)  : i32 {
      %mul3A_105 = arith.constant 640 : i32
      %mul3A_106 = arith.muli %arg1, %mul3A_105 : i32
      %mul3A_107 = arith.constant 128 : i32
      %mul3A_108 = arith.muli %scan3A_103, %mul3A_107 : i32
      %add3A_109 = arith.addi %mul3A_106, %mul3A_108 : i32
      "tpu.region"() ({
        %run_scoped3A = tpu.sem_alloc : memref<!tpu.dma_semaphore, #tpu.memory_space<semaphore_mem>>
        %dma_start3A_111 = arith.constant 0 : i32
        %dma_start3A_112 = tpu.memref_slice %arg10[%add3A_109, %dma_start3A_111] : memref<10240x128xf32, #tpu.memory_space<vmem_shared>> -> memref<128x128xf32, #tpu.memory_space<vmem_shared>>
        %dma_start3A_113 = arith.constant 0 : i32
        %dma_start3A_114 = tpu.memref_slice %arg10[%add3A_109, %dma_start3A_113] : memref<10240x128xf32, #tpu.memory_space<vmem_shared>> -> memref<128x128xf32, #tpu.memory_space<vmem_shared>>
        tpu.enqueue_dma source(%arg8 : memref<128x128xf32, #tpu.memory_space<vmem>>) target(%dma_start3A_114 : memref<128x128xf32, #tpu.memory_space<vmem_shared>>) target_semaphore(%run_scoped3A : memref<!tpu.dma_semaphore, #tpu.memory_space<semaphore_mem>>)
        %dma_wait3A_115 = arith.constant 0 : i32
        %dma_wait3A_116 = tpu.memref_slice %arg10[%add3A_109, %dma_wait3A_115] : memref<10240x128xf32, #tpu.memory_space<vmem_shared>> -> memref<128x128xf32, #tpu.memory_space<vmem_shared>>
        %dma_wait3A_117 = arith.constant 0 : i32
        %dma_wait3A_118 = tpu.memref_slice %arg10[%add3A_109, %dma_wait3A_117] : memref<10240x128xf32, #tpu.memory_space<vmem_shared>> -> memref<128x128xf32, #tpu.memory_space<vmem_shared>>
        tpu.wait_dma2 semaphore(%run_scoped3A : memref<!tpu.dma_semaphore, #tpu.memory_space<semaphore_mem>>) src(%arg8 : memref<128x128xf32, #tpu.memory_space<vmem>>) dst(%dma_wait3A_118 : memref<128x128xf32, #tpu.memory_space<vmem_shared>>)
        tpu.yield
      }) : () -> ()
      %scan3A_110 = arith.constant 0 : i32
      scf.yield %scan3A_110 : i32
    }
    %scan3A_13 = arith.constant 5 : i32
    %barrier3A = arith.constant 0 : index
    tpu.barrier barrier_id(%barrier3A)
    %mul3A_14 = arith.constant 80 : i32
    %mul3A_15 = arith.muli %add3A, %mul3A_14 : i32
    %add3A_16 = arith.constant 0 : i32
    %add3A_17 = arith.addi %mul3A_15, %add3A_16 : i32
    "tpu.region"() ({
      %run_scoped3A = tpu.sem_alloc : memref<!tpu.dma_semaphore, #tpu.memory_space<semaphore_mem>>
      %dma_start3A_103 = arith.constant 0 : i32
      %dma_start3A_104 = tpu.memref_slice %arg3[%add3A_17, %dma_start3A_103] : memref<2560x128xi32, #tpu.memory_space<hbm>> -> memref<40x128xi32, #tpu.memory_space<hbm>>
      %dma_start3A_105 = arith.constant 0 : i32
      %dma_start3A_106 = tpu.memref_slice %arg3[%add3A_17, %dma_start3A_105] : memref<2560x128xi32, #tpu.memory_space<hbm>> -> memref<40x128xi32, #tpu.memory_space<hbm>>
      tpu.enqueue_dma source(%dma_start3A_106 : memref<40x128xi32, #tpu.memory_space<hbm>>) target(%arg6 : memref<40x128xi32, #tpu.memory_space<vmem>>) target_semaphore(%run_scoped3A : memref<!tpu.dma_semaphore, #tpu.memory_space<semaphore_mem>>)
      %dma_wait3A_107 = arith.constant 0 : i32
      %dma_wait3A_108 = tpu.memref_slice %arg3[%add3A_17, %dma_wait3A_107] : memref<2560x128xi32, #tpu.memory_space<hbm>> -> memref<40x128xi32, #tpu.memory_space<hbm>>
      %dma_wait3A_109 = arith.constant 0 : i32
      %dma_wait3A_110 = tpu.memref_slice %arg3[%add3A_17, %dma_wait3A_109] : memref<2560x128xi32, #tpu.memory_space<hbm>> -> memref<40x128xi32, #tpu.memory_space<hbm>>
      tpu.wait_dma2 semaphore(%run_scoped3A : memref<!tpu.dma_semaphore, #tpu.memory_space<semaphore_mem>>) src(%dma_wait3A_110 : memref<40x128xi32, #tpu.memory_space<hbm>>) dst(%arg6 : memref<40x128xi32, #tpu.memory_space<vmem>>)
      tpu.yield
    }) : () -> ()
    %mul3A_18 = arith.constant 80 : i32
    %mul3A_19 = arith.muli %add3A, %mul3A_18 : i32
    %add3A_20 = arith.constant 0 : i32
    %add3A_21 = arith.addi %mul3A_19, %add3A_20 : i32
    "tpu.region"() ({
      %run_scoped3A = tpu.sem_alloc : memref<!tpu.dma_semaphore, #tpu.memory_space<semaphore_mem>>
      %dma_start3A_103 = arith.constant 0 : i32
      %dma_start3A_104 = tpu.memref_slice %arg4[%add3A_21, %dma_start3A_103] : memref<2560x128xi32, #tpu.memory_space<hbm>> -> memref<40x128xi32, #tpu.memory_space<hbm>>
      %dma_start3A_105 = arith.constant 0 : i32
      %dma_start3A_106 = tpu.memref_slice %arg4[%add3A_21, %dma_start3A_105] : memref<2560x128xi32, #tpu.memory_space<hbm>> -> memref<40x128xi32, #tpu.memory_space<hbm>>
      tpu.enqueue_dma source(%dma_start3A_106 : memref<40x128xi32, #tpu.memory_space<hbm>>) target(%arg7 : memref<40x128xi32, #tpu.memory_space<vmem>>) target_semaphore(%run_scoped3A : memref<!tpu.dma_semaphore, #tpu.memory_space<semaphore_mem>>)
      %dma_wait3A_107 = arith.constant 0 : i32
      %dma_wait3A_108 = tpu.memref_slice %arg4[%add3A_21, %dma_wait3A_107] : memref<2560x128xi32, #tpu.memory_space<hbm>> -> memref<40x128xi32, #tpu.memory_space<hbm>>
      %dma_wait3A_109 = arith.constant 0 : i32
      %dma_wait3A_110 = tpu.memref_slice %arg4[%add3A_21, %dma_wait3A_109] : memref<2560x128xi32, #tpu.memory_space<hbm>> -> memref<40x128xi32, #tpu.memory_space<hbm>>
      tpu.wait_dma2 semaphore(%run_scoped3A : memref<!tpu.dma_semaphore, #tpu.memory_space<semaphore_mem>>) src(%dma_wait3A_110 : memref<40x128xi32, #tpu.memory_space<hbm>>) dst(%arg7 : memref<40x128xi32, #tpu.memory_space<vmem>>)
      tpu.yield
    }) : () -> ()
    %dma_start3A = arith.constant 0 : i32
    %dma_start3A_22 = arith.constant 0 : i32
    %dma_start3A_23 = tpu.memref_slice %arg6[%dma_start3A, %dma_start3A_22] : memref<40x128xi32, #tpu.memory_space<vmem>> -> memref<1x128xi32, #tpu.memory_space<vmem>>
    %dma_start3A_24 = tpu.memref_squeeze %dma_start3A_23 : memref<1x128xi32, #tpu.memory_space<vmem>> -> memref<128xi32, #tpu.memory_space<vmem>>
    %dma_start3A_25 = arith.constant 0 : i32
    %dma_start3A_26 = arith.constant 0 : i32
    %dma_start3A_27 = tpu.memref_slice %arg2[%dma_start3A_25, %dma_start3A_26] : memref<10240x128xf32, #tpu.memory_space<hbm>> -> memref<10240x128xf32, #tpu.memory_space<hbm>>
    tpu.enqueue_indirect_dma source(%dma_start3A_27 : memref<10240x128xf32, #tpu.memory_space<hbm>>) target(%arg8 : memref<128x128xf32, #tpu.memory_space<vmem>>) offsets(%dma_start3A_24 : memref<128xi32, #tpu.memory_space<vmem>>) semaphore(%arg11 : memref<!tpu.dma_semaphore, #tpu.memory_space<semaphore_mem>>)
    %dma_start3A_28 = arith.constant 1 : i32
    %dma_start3A_29 = arith.constant 0 : i32
    %dma_start3A_30 = tpu.memref_slice %arg6[%dma_start3A_28, %dma_start3A_29] : memref<40x128xi32, #tpu.memory_space<vmem>> -> memref<1x128xi32, #tpu.memory_space<vmem>>
    %dma_start3A_31 = tpu.memref_squeeze %dma_start3A_30 : memref<1x128xi32, #tpu.memory_space<vmem>> -> memref<128xi32, #tpu.memory_space<vmem>>
    %dma_start3A_32 = arith.constant 0 : i32
    %dma_start3A_33 = arith.constant 0 : i32
    %dma_start3A_34 = tpu.memref_slice %arg2[%dma_start3A_32, %dma_start3A_33] : memref<10240x128xf32, #tpu.memory_space<hbm>> -> memref<10240x128xf32, #tpu.memory_space<hbm>>
    tpu.enqueue_indirect_dma source(%dma_start3A_34 : memref<10240x128xf32, #tpu.memory_space<hbm>>) target(%arg9 : memref<128x128xf32, #tpu.memory_space<vmem>>) offsets(%dma_start3A_31 : memref<128xi32, #tpu.memory_space<vmem>>) semaphore(%arg12 : memref<!tpu.dma_semaphore, #tpu.memory_space<semaphore_mem>>)
    %scan3A_35 = arith.constant 0 : i32
    %scan3A_36 = arith.constant 0 : i32
    %scan3A_37 = arith.constant 20 : i32
    %scan3A_38 = arith.addi %scan3A_36, %scan3A_37 : i32
    %scan3A_39 = arith.constant 1 : i32
    %scan3A_40 = scf.for %scan3A_103 = %scan3A_36 to %scan3A_38 step %scan3A_39 iter_args(%scan3A_104 = %scan3A_35) -> (i32)  : i32 {
      %mul3A_105 = arith.constant 2 : i32
      %mul3A_106 = arith.muli %mul3A_105, %scan3A_103 : i32
      %add3A_107 = arith.constant 0 : i32
      %add3A_108 = arith.addi %mul3A_106, %add3A_107 : i32
      %dma_wait3A_109 = arith.constant 0 : i32
      %dma_wait3A_110 = arith.constant 0 : i32
      %dma_wait3A_111 = tpu.memref_slice %arg6[%dma_wait3A_109, %dma_wait3A_110] : memref<40x128xi32, #tpu.memory_space<vmem>> -> memref<1x128xi32, #tpu.memory_space<vmem>>
      %dma_wait3A_112 = tpu.memref_squeeze %dma_wait3A_111 : memref<1x128xi32, #tpu.memory_space<vmem>> -> memref<128xi32, #tpu.memory_space<vmem>>
      %dma_wait3A_113 = arith.constant 0 : i32
      %dma_wait3A_114 = arith.constant 0 : i32
      %dma_wait3A_115 = tpu.memref_slice %arg2[%dma_wait3A_113, %dma_wait3A_114] : memref<10240x128xf32, #tpu.memory_space<hbm>> -> memref<10240x128xf32, #tpu.memory_space<hbm>>
      tpu.wait_indirect_dma semaphore(%arg11 : memref<!tpu.dma_semaphore, #tpu.memory_space<semaphore_mem>>) src(%dma_wait3A_115 : memref<10240x128xf32, #tpu.memory_space<hbm>>) dst(%arg8 : memref<128x128xf32, #tpu.memory_space<vmem>>)
      %dma_start3A_116 = arith.constant 0 : i32
      %dma_start3A_117 = tpu.memref_slice %arg7[%add3A_108, %dma_start3A_116] : memref<40x128xi32, #tpu.memory_space<vmem>> -> memref<1x128xi32, #tpu.memory_space<vmem>>
      %dma_start3A_118 = tpu.memref_squeeze %dma_start3A_117 : memref<1x128xi32, #tpu.memory_space<vmem>> -> memref<128xi32, #tpu.memory_space<vmem>>
      %dma_start3A_119 = arith.constant 0 : i32
      %dma_start3A_120 = arith.constant 0 : i32
      %dma_start3A_121 = tpu.memref_slice %arg10[%dma_start3A_119, %dma_start3A_120] : memref<10240x128xf32, #tpu.memory_space<vmem_shared>> -> memref<10240x128xf32, #tpu.memory_space<vmem_shared>>
      tpu.enqueue_indirect_dma source(%arg8 : memref<128x128xf32, #tpu.memory_space<vmem>>) target(%dma_start3A_121 : memref<10240x128xf32, #tpu.memory_space<vmem_shared>>) offsets(%dma_start3A_118 : memref<128xi32, #tpu.memory_space<vmem>>) semaphore(%arg13 : memref<!tpu.dma_semaphore, #tpu.memory_space<semaphore_mem>>) {add = true}
      %add3A_122 = arith.constant 2 : i32
      %add3A_123 = arith.addi %add3A_108, %add3A_122 : i32
      %lt3A = arith.constant 40 : i32
      %lt3A_124 = arith.cmpi slt, %add3A_123, %lt3A : i32
      %convert_element_type3A = arith.extui %lt3A_124 : i1 to i32
      %cond3A = arith.constant 0 : i32
      %cond3A_125 = arith.cmpi ne, %convert_element_type3A, %cond3A : i32
      scf.if %cond3A_125 {
        %dma_wait3A_151 = arith.constant 0 : i32
        %dma_wait3A_152 = tpu.memref_slice %arg7[%add3A_108, %dma_wait3A_151] : memref<40x128xi32, #tpu.memory_space<vmem>> -> memref<1x128xi32, #tpu.memory_space<vmem>>
        %dma_wait3A_153 = tpu.memref_squeeze %dma_wait3A_152 : memref<1x128xi32, #tpu.memory_space<vmem>> -> memref<128xi32, #tpu.memory_space<vmem>>
        %dma_wait3A_154 = arith.constant 0 : i32
        %dma_wait3A_155 = arith.constant 0 : i32
        %dma_wait3A_156 = tpu.memref_slice %arg10[%dma_wait3A_154, %dma_wait3A_155] : memref<10240x128xf32, #tpu.memory_space<vmem_shared>> -> memref<10240x128xf32, #tpu.memory_space<vmem_shared>>
        tpu.wait_indirect_dma semaphore(%arg13 : memref<!tpu.dma_semaphore, #tpu.memory_space<semaphore_mem>>) src(%arg8 : memref<128x128xf32, #tpu.memory_space<vmem>>) dst(%dma_wait3A_156 : memref<10240x128xf32, #tpu.memory_space<vmem_shared>>)
        %dma_start3A_157 = arith.constant 0 : i32
        %dma_start3A_158 = tpu.memref_slice %arg6[%add3A_123, %dma_start3A_157] : memref<40x128xi32, #tpu.memory_space<vmem>> -> memref<1x128xi32, #tpu.memory_space<vmem>>
        %dma_start3A_159 = tpu.memref_squeeze %dma_start3A_158 : memref<1x128xi32, #tpu.memory_space<vmem>> -> memref<128xi32, #tpu.memory_space<vmem>>
        %dma_start3A_160 = arith.constant 0 : i32
        %dma_start3A_161 = arith.constant 0 : i32
        %dma_start3A_162 = tpu.memref_slice %arg2[%dma_start3A_160, %dma_start3A_161] : memref<10240x128xf32, #tpu.memory_space<hbm>> -> memref<10240x128xf32, #tpu.memory_space<hbm>>
        tpu.enqueue_indirect_dma source(%dma_start3A_162 : memref<10240x128xf32, #tpu.memory_space<hbm>>) target(%arg8 : memref<128x128xf32, #tpu.memory_space<vmem>>) offsets(%dma_start3A_159 : memref<128xi32, #tpu.memory_space<vmem>>) semaphore(%arg11 : memref<!tpu.dma_semaphore, #tpu.memory_space<semaphore_mem>>)
      } else {
      }
      %mul3A_126 = arith.constant 2 : i32
      %mul3A_127 = arith.muli %mul3A_126, %scan3A_103 : i32
      %add3A_128 = arith.constant 1 : i32
      %add3A_129 = arith.addi %mul3A_127, %add3A_128 : i32
      %dma_wait3A_130 = arith.constant 0 : i32
      %dma_wait3A_131 = arith.constant 0 : i32
      %dma_wait3A_132 = tpu.memref_slice %arg6[%dma_wait3A_130, %dma_wait3A_131] : memref<40x128xi32, #tpu.memory_space<vmem>> -> memref<1x128xi32, #tpu.memory_space<vmem>>
      %dma_wait3A_133 = tpu.memref_squeeze %dma_wait3A_132 : memref<1x128xi32, #tpu.memory_space<vmem>> -> memref<128xi32, #tpu.memory_space<vmem>>
      %dma_wait3A_134 = arith.constant 0 : i32
      %dma_wait3A_135 = arith.constant 0 : i32
      %dma_wait3A_136 = tpu.memref_slice %arg2[%dma_wait3A_134, %dma_wait3A_135] : memref<10240x128xf32, #tpu.memory_space<hbm>> -> memref<10240x128xf32, #tpu.memory_space<hbm>>
      tpu.wait_indirect_dma semaphore(%arg12 : memref<!tpu.dma_semaphore, #tpu.memory_space<semaphore_mem>>) src(%dma_wait3A_136 : memref<10240x128xf32, #tpu.memory_space<hbm>>) dst(%arg9 : memref<128x128xf32, #tpu.memory_space<vmem>>)
      %dma_start3A_137 = arith.constant 0 : i32
      %dma_start3A_138 = tpu.memref_slice %arg7[%add3A_129, %dma_start3A_137] : memref<40x128xi32, #tpu.memory_space<vmem>> -> memref<1x128xi32, #tpu.memory_space<vmem>>
      %dma_start3A_139 = tpu.memref_squeeze %dma_start3A_138 : memref<1x128xi32, #tpu.memory_space<vmem>> -> memref<128xi32, #tpu.memory_space<vmem>>
      %dma_start3A_140 = arith.constant 0 : i32
      %dma_start3A_141 = arith.constant 0 : i32
      %dma_start3A_142 = tpu.memref_slice %arg10[%dma_start3A_140, %dma_start3A_141] : memref<10240x128xf32, #tpu.memory_space<vmem_shared>> -> memref<10240x128xf32, #tpu.memory_space<vmem_shared>>
      tpu.enqueue_indirect_dma source(%arg9 : memref<128x128xf32, #tpu.memory_space<vmem>>) target(%dma_start3A_142 : memref<10240x128xf32, #tpu.memory_space<vmem_shared>>) offsets(%dma_start3A_139 : memref<128xi32, #tpu.memory_space<vmem>>) semaphore(%arg14 : memref<!tpu.dma_semaphore, #tpu.memory_space<semaphore_mem>>) {add = true}
      %add3A_143 = arith.constant 2 : i32
      %add3A_144 = arith.addi %add3A_129, %add3A_143 : i32
      %lt3A_145 = arith.constant 40 : i32
      %lt3A_146 = arith.cmpi slt, %add3A_144, %lt3A_145 : i32
      %convert_element_type3A_147 = arith.extui %lt3A_146 : i1 to i32
      %cond3A_148 = arith.constant 0 : i32
      %cond3A_149 = arith.cmpi ne, %convert_element_type3A_147, %cond3A_148 : i32
      scf.if %cond3A_149 {
        %dma_wait3A_151 = arith.constant 0 : i32
        %dma_wait3A_152 = tpu.memref_slice %arg7[%add3A_129, %dma_wait3A_151] : memref<40x128xi32, #tpu.memory_space<vmem>> -> memref<1x128xi32, #tpu.memory_space<vmem>>
        %dma_wait3A_153 = tpu.memref_squeeze %dma_wait3A_152 : memref<1x128xi32, #tpu.memory_space<vmem>> -> memref<128xi32, #tpu.memory_space<vmem>>
        %dma_wait3A_154 = arith.constant 0 : i32
        %dma_wait3A_155 = arith.constant 0 : i32
        %dma_wait3A_156 = tpu.memref_slice %arg10[%dma_wait3A_154, %dma_wait3A_155] : memref<10240x128xf32, #tpu.memory_space<vmem_shared>> -> memref<10240x128xf32, #tpu.memory_space<vmem_shared>>
        tpu.wait_indirect_dma semaphore(%arg14 : memref<!tpu.dma_semaphore, #tpu.memory_space<semaphore_mem>>) src(%arg9 : memref<128x128xf32, #tpu.memory_space<vmem>>) dst(%dma_wait3A_156 : memref<10240x128xf32, #tpu.memory_space<vmem_shared>>)
        %dma_start3A_157 = arith.constant 0 : i32
        %dma_start3A_158 = tpu.memref_slice %arg6[%add3A_144, %dma_start3A_157] : memref<40x128xi32, #tpu.memory_space<vmem>> -> memref<1x128xi32, #tpu.memory_space<vmem>>
        %dma_start3A_159 = tpu.memref_squeeze %dma_start3A_158 : memref<1x128xi32, #tpu.memory_space<vmem>> -> memref<128xi32, #tpu.memory_space<vmem>>
        %dma_start3A_160 = arith.constant 0 : i32
        %dma_start3A_161 = arith.constant 0 : i32
        %dma_start3A_162 = tpu.memref_slice %arg2[%dma_start3A_160, %dma_start3A_161] : memref<10240x128xf32, #tpu.memory_space<hbm>> -> memref<10240x128xf32, #tpu.memory_space<hbm>>
        tpu.enqueue_indirect_dma source(%dma_start3A_162 : memref<10240x128xf32, #tpu.memory_space<hbm>>) target(%arg9 : memref<128x128xf32, #tpu.memory_space<vmem>>) offsets(%dma_start3A_159 : memref<128xi32, #tpu.memory_space<vmem>>) semaphore(%arg12 : memref<!tpu.dma_semaphore, #tpu.memory_space<semaphore_mem>>)
      } else {
      }
      %scan3A_150 = arith.constant 0 : i32
      scf.yield %scan3A_150 : i32
    }
    %scan3A_41 = arith.constant 20 : i32
    %dma_wait3A = arith.constant 0 : i32
    %dma_wait3A_42 = arith.constant 0 : i32
    %dma_wait3A_43 = tpu.memref_slice %arg7[%dma_wait3A, %dma_wait3A_42] : memref<40x128xi32, #tpu.memory_space<vmem>> -> memref<1x128xi32, #tpu.memory_space<vmem>>
    %dma_wait3A_44 = tpu.memref_squeeze %dma_wait3A_43 : memref<1x128xi32, #tpu.memory_space<vmem>> -> memref<128xi32, #tpu.memory_space<vmem>>
    %dma_wait3A_45 = arith.constant 0 : i32
    %dma_wait3A_46 = arith.constant 0 : i32
    %dma_wait3A_47 = tpu.memref_slice %arg10[%dma_wait3A_45, %dma_wait3A_46] : memref<10240x128xf32, #tpu.memory_space<vmem_shared>> -> memref<10240x128xf32, #tpu.memory_space<vmem_shared>>
    tpu.wait_indirect_dma semaphore(%arg13 : memref<!tpu.dma_semaphore, #tpu.memory_space<semaphore_mem>>) src(%arg8 : memref<128x128xf32, #tpu.memory_space<vmem>>) dst(%dma_wait3A_47 : memref<10240x128xf32, #tpu.memory_space<vmem_shared>>)
    %dma_wait3A_48 = arith.constant 0 : i32
    %dma_wait3A_49 = arith.constant 0 : i32
    %dma_wait3A_50 = tpu.memref_slice %arg7[%dma_wait3A_48, %dma_wait3A_49] : memref<40x128xi32, #tpu.memory_space<vmem>> -> memref<1x128xi32, #tpu.memory_space<vmem>>
    %dma_wait3A_51 = tpu.memref_squeeze %dma_wait3A_50 : memref<1x128xi32, #tpu.memory_space<vmem>> -> memref<128xi32, #tpu.memory_space<vmem>>
    %dma_wait3A_52 = arith.constant 0 : i32
    %dma_wait3A_53 = arith.constant 0 : i32
    %dma_wait3A_54 = tpu.memref_slice %arg10[%dma_wait3A_52, %dma_wait3A_53] : memref<10240x128xf32, #tpu.memory_space<vmem_shared>> -> memref<10240x128xf32, #tpu.memory_space<vmem_shared>>
    tpu.wait_indirect_dma semaphore(%arg14 : memref<!tpu.dma_semaphore, #tpu.memory_space<semaphore_mem>>) src(%arg9 : memref<128x128xf32, #tpu.memory_space<vmem>>) dst(%dma_wait3A_54 : memref<10240x128xf32, #tpu.memory_space<vmem_shared>>)
    %mul3A_55 = arith.constant 80 : i32
    %mul3A_56 = arith.muli %add3A, %mul3A_55 : i32
    %add3A_57 = arith.constant 40 : i32
    %add3A_58 = arith.addi %mul3A_56, %add3A_57 : i32
    "tpu.region"() ({
      %run_scoped3A = tpu.sem_alloc : memref<!tpu.dma_semaphore, #tpu.memory_space<semaphore_mem>>
      %dma_start3A_103 = arith.constant 0 : i32
      %dma_start3A_104 = tpu.memref_slice %arg3[%add3A_58, %dma_start3A_103] : memref<2560x128xi32, #tpu.memory_space<hbm>> -> memref<40x128xi32, #tpu.memory_space<hbm>>
      %dma_start3A_105 = arith.constant 0 : i32
      %dma_start3A_106 = tpu.memref_slice %arg3[%add3A_58, %dma_start3A_105] : memref<2560x128xi32, #tpu.memory_space<hbm>> -> memref<40x128xi32, #tpu.memory_space<hbm>>
      tpu.enqueue_dma source(%dma_start3A_106 : memref<40x128xi32, #tpu.memory_space<hbm>>) target(%arg6 : memref<40x128xi32, #tpu.memory_space<vmem>>) target_semaphore(%run_scoped3A : memref<!tpu.dma_semaphore, #tpu.memory_space<semaphore_mem>>)
      %dma_wait3A_107 = arith.constant 0 : i32
      %dma_wait3A_108 = tpu.memref_slice %arg3[%add3A_58, %dma_wait3A_107] : memref<2560x128xi32, #tpu.memory_space<hbm>> -> memref<40x128xi32, #tpu.memory_space<hbm>>
      %dma_wait3A_109 = arith.constant 0 : i32
      %dma_wait3A_110 = tpu.memref_slice %arg3[%add3A_58, %dma_wait3A_109] : memref<2560x128xi32, #tpu.memory_space<hbm>> -> memref<40x128xi32, #tpu.memory_space<hbm>>
      tpu.wait_dma2 semaphore(%run_scoped3A : memref<!tpu.dma_semaphore, #tpu.memory_space<semaphore_mem>>) src(%dma_wait3A_110 : memref<40x128xi32, #tpu.memory_space<hbm>>) dst(%arg6 : memref<40x128xi32, #tpu.memory_space<vmem>>)
      tpu.yield
    }) : () -> ()
    %mul3A_59 = arith.constant 80 : i32
    %mul3A_60 = arith.muli %add3A, %mul3A_59 : i32
    %add3A_61 = arith.constant 40 : i32
    %add3A_62 = arith.addi %mul3A_60, %add3A_61 : i32
    "tpu.region"() ({
      %run_scoped3A = tpu.sem_alloc : memref<!tpu.dma_semaphore, #tpu.memory_space<semaphore_mem>>
      %dma_start3A_103 = arith.constant 0 : i32
      %dma_start3A_104 = tpu.memref_slice %arg4[%add3A_62, %dma_start3A_103] : memref<2560x128xi32, #tpu.memory_space<hbm>> -> memref<40x128xi32, #tpu.memory_space<hbm>>
      %dma_start3A_105 = arith.constant 0 : i32
      %dma_start3A_106 = tpu.memref_slice %arg4[%add3A_62, %dma_start3A_105] : memref<2560x128xi32, #tpu.memory_space<hbm>> -> memref<40x128xi32, #tpu.memory_space<hbm>>
      tpu.enqueue_dma source(%dma_start3A_106 : memref<40x128xi32, #tpu.memory_space<hbm>>) target(%arg7 : memref<40x128xi32, #tpu.memory_space<vmem>>) target_semaphore(%run_scoped3A : memref<!tpu.dma_semaphore, #tpu.memory_space<semaphore_mem>>)
      %dma_wait3A_107 = arith.constant 0 : i32
      %dma_wait3A_108 = tpu.memref_slice %arg4[%add3A_62, %dma_wait3A_107] : memref<2560x128xi32, #tpu.memory_space<hbm>> -> memref<40x128xi32, #tpu.memory_space<hbm>>
      %dma_wait3A_109 = arith.constant 0 : i32
      %dma_wait3A_110 = tpu.memref_slice %arg4[%add3A_62, %dma_wait3A_109] : memref<2560x128xi32, #tpu.memory_space<hbm>> -> memref<40x128xi32, #tpu.memory_space<hbm>>
      tpu.wait_dma2 semaphore(%run_scoped3A : memref<!tpu.dma_semaphore, #tpu.memory_space<semaphore_mem>>) src(%dma_wait3A_110 : memref<40x128xi32, #tpu.memory_space<hbm>>) dst(%arg7 : memref<40x128xi32, #tpu.memory_space<vmem>>)
      tpu.yield
    }) : () -> ()
    %dma_start3A_63 = arith.constant 0 : i32
    %dma_start3A_64 = arith.constant 0 : i32
    %dma_start3A_65 = tpu.memref_slice %arg6[%dma_start3A_63, %dma_start3A_64] : memref<40x128xi32, #tpu.memory_space<vmem>> -> memref<1x128xi32, #tpu.memory_space<vmem>>
    %dma_start3A_66 = tpu.memref_squeeze %dma_start3A_65 : memref<1x128xi32, #tpu.memory_space<vmem>> -> memref<128xi32, #tpu.memory_space<vmem>>
    %dma_start3A_67 = arith.constant 0 : i32
    %dma_start3A_68 = arith.constant 0 : i32
    %dma_start3A_69 = tpu.memref_slice %arg2[%dma_start3A_67, %dma_start3A_68] : memref<10240x128xf32, #tpu.memory_space<hbm>> -> memref<10240x128xf32, #tpu.memory_space<hbm>>
    tpu.enqueue_indirect_dma source(%dma_start3A_69 : memref<10240x128xf32, #tpu.memory_space<hbm>>) target(%arg8 : memref<128x128xf32, #tpu.memory_space<vmem>>) offsets(%dma_start3A_66 : memref<128xi32, #tpu.memory_space<vmem>>) semaphore(%arg11 : memref<!tpu.dma_semaphore, #tpu.memory_space<semaphore_mem>>)
    %dma_start3A_70 = arith.constant 1 : i32
    %dma_start3A_71 = arith.constant 0 : i32
    %dma_start3A_72 = tpu.memref_slice %arg6[%dma_start3A_70, %dma_start3A_71] : memref<40x128xi32, #tpu.memory_space<vmem>> -> memref<1x128xi32, #tpu.memory_space<vmem>>
    %dma_start3A_73 = tpu.memref_squeeze %dma_start3A_72 : memref<1x128xi32, #tpu.memory_space<vmem>> -> memref<128xi32, #tpu.memory_space<vmem>>
    %dma_start3A_74 = arith.constant 0 : i32
    %dma_start3A_75 = arith.constant 0 : i32
    %dma_start3A_76 = tpu.memref_slice %arg2[%dma_start3A_74, %dma_start3A_75] : memref<10240x128xf32, #tpu.memory_space<hbm>> -> memref<10240x128xf32, #tpu.memory_space<hbm>>
    tpu.enqueue_indirect_dma source(%dma_start3A_76 : memref<10240x128xf32, #tpu.memory_space<hbm>>) target(%arg9 : memref<128x128xf32, #tpu.memory_space<vmem>>) offsets(%dma_start3A_73 : memref<128xi32, #tpu.memory_space<vmem>>) semaphore(%arg12 : memref<!tpu.dma_semaphore, #tpu.memory_space<semaphore_mem>>)
    %scan3A_77 = arith.constant 0 : i32
    %scan3A_78 = arith.constant 0 : i32
    %scan3A_79 = arith.constant 20 : i32
    %scan3A_80 = arith.addi %scan3A_78, %scan3A_79 : i32
    %scan3A_81 = arith.constant 1 : i32
    %scan3A_82 = scf.for %scan3A_103 = %scan3A_78 to %scan3A_80 step %scan3A_81 iter_args(%scan3A_104 = %scan3A_77) -> (i32)  : i32 {
      %mul3A_105 = arith.constant 2 : i32
      %mul3A_106 = arith.muli %mul3A_105, %scan3A_103 : i32
      %add3A_107 = arith.constant 0 : i32
      %add3A_108 = arith.addi %mul3A_106, %add3A_107 : i32
      %dma_wait3A_109 = arith.constant 0 : i32
      %dma_wait3A_110 = arith.constant 0 : i32
      %dma_wait3A_111 = tpu.memref_slice %arg6[%dma_wait3A_109, %dma_wait3A_110] : memref<40x128xi32, #tpu.memory_space<vmem>> -> memref<1x128xi32, #tpu.memory_space<vmem>>
      %dma_wait3A_112 = tpu.memref_squeeze %dma_wait3A_111 : memref<1x128xi32, #tpu.memory_space<vmem>> -> memref<128xi32, #tpu.memory_space<vmem>>
      %dma_wait3A_113 = arith.constant 0 : i32
      %dma_wait3A_114 = arith.constant 0 : i32
      %dma_wait3A_115 = tpu.memref_slice %arg2[%dma_wait3A_113, %dma_wait3A_114] : memref<10240x128xf32, #tpu.memory_space<hbm>> -> memref<10240x128xf32, #tpu.memory_space<hbm>>
      tpu.wait_indirect_dma semaphore(%arg11 : memref<!tpu.dma_semaphore, #tpu.memory_space<semaphore_mem>>) src(%dma_wait3A_115 : memref<10240x128xf32, #tpu.memory_space<hbm>>) dst(%arg8 : memref<128x128xf32, #tpu.memory_space<vmem>>)
      %dma_start3A_116 = arith.constant 0 : i32
      %dma_start3A_117 = tpu.memref_slice %arg7[%add3A_108, %dma_start3A_116] : memref<40x128xi32, #tpu.memory_space<vmem>> -> memref<1x128xi32, #tpu.memory_space<vmem>>
      %dma_start3A_118 = tpu.memref_squeeze %dma_start3A_117 : memref<1x128xi32, #tpu.memory_space<vmem>> -> memref<128xi32, #tpu.memory_space<vmem>>
      %dma_start3A_119 = arith.constant 0 : i32
      %dma_start3A_120 = arith.constant 0 : i32
      %dma_start3A_121 = tpu.memref_slice %arg10[%dma_start3A_119, %dma_start3A_120] : memref<10240x128xf32, #tpu.memory_space<vmem_shared>> -> memref<10240x128xf32, #tpu.memory_space<vmem_shared>>
      tpu.enqueue_indirect_dma source(%arg8 : memref<128x128xf32, #tpu.memory_space<vmem>>) target(%dma_start3A_121 : memref<10240x128xf32, #tpu.memory_space<vmem_shared>>) offsets(%dma_start3A_118 : memref<128xi32, #tpu.memory_space<vmem>>) semaphore(%arg13 : memref<!tpu.dma_semaphore, #tpu.memory_space<semaphore_mem>>) {add = true}
      %add3A_122 = arith.constant 2 : i32
      %add3A_123 = arith.addi %add3A_108, %add3A_122 : i32
      %lt3A = arith.constant 40 : i32
      %lt3A_124 = arith.cmpi slt, %add3A_123, %lt3A : i32
      %convert_element_type3A = arith.extui %lt3A_124 : i1 to i32
      %cond3A = arith.constant 0 : i32
      %cond3A_125 = arith.cmpi ne, %convert_element_type3A, %cond3A : i32
      scf.if %cond3A_125 {
        %dma_wait3A_151 = arith.constant 0 : i32
        %dma_wait3A_152 = tpu.memref_slice %arg7[%add3A_108, %dma_wait3A_151] : memref<40x128xi32, #tpu.memory_space<vmem>> -> memref<1x128xi32, #tpu.memory_space<vmem>>
        %dma_wait3A_153 = tpu.memref_squeeze %dma_wait3A_152 : memref<1x128xi32, #tpu.memory_space<vmem>> -> memref<128xi32, #tpu.memory_space<vmem>>
        %dma_wait3A_154 = arith.constant 0 : i32
        %dma_wait3A_155 = arith.constant 0 : i32
        %dma_wait3A_156 = tpu.memref_slice %arg10[%dma_wait3A_154, %dma_wait3A_155] : memref<10240x128xf32, #tpu.memory_space<vmem_shared>> -> memref<10240x128xf32, #tpu.memory_space<vmem_shared>>
        tpu.wait_indirect_dma semaphore(%arg13 : memref<!tpu.dma_semaphore, #tpu.memory_space<semaphore_mem>>) src(%arg8 : memref<128x128xf32, #tpu.memory_space<vmem>>) dst(%dma_wait3A_156 : memref<10240x128xf32, #tpu.memory_space<vmem_shared>>)
        %dma_start3A_157 = arith.constant 0 : i32
        %dma_start3A_158 = tpu.memref_slice %arg6[%add3A_123, %dma_start3A_157] : memref<40x128xi32, #tpu.memory_space<vmem>> -> memref<1x128xi32, #tpu.memory_space<vmem>>
        %dma_start3A_159 = tpu.memref_squeeze %dma_start3A_158 : memref<1x128xi32, #tpu.memory_space<vmem>> -> memref<128xi32, #tpu.memory_space<vmem>>
        %dma_start3A_160 = arith.constant 0 : i32
        %dma_start3A_161 = arith.constant 0 : i32
        %dma_start3A_162 = tpu.memref_slice %arg2[%dma_start3A_160, %dma_start3A_161] : memref<10240x128xf32, #tpu.memory_space<hbm>> -> memref<10240x128xf32, #tpu.memory_space<hbm>>
        tpu.enqueue_indirect_dma source(%dma_start3A_162 : memref<10240x128xf32, #tpu.memory_space<hbm>>) target(%arg8 : memref<128x128xf32, #tpu.memory_space<vmem>>) offsets(%dma_start3A_159 : memref<128xi32, #tpu.memory_space<vmem>>) semaphore(%arg11 : memref<!tpu.dma_semaphore, #tpu.memory_space<semaphore_mem>>)
      } else {
      }
      %mul3A_126 = arith.constant 2 : i32
      %mul3A_127 = arith.muli %mul3A_126, %scan3A_103 : i32
      %add3A_128 = arith.constant 1 : i32
      %add3A_129 = arith.addi %mul3A_127, %add3A_128 : i32
      %dma_wait3A_130 = arith.constant 0 : i32
      %dma_wait3A_131 = arith.constant 0 : i32
      %dma_wait3A_132 = tpu.memref_slice %arg6[%dma_wait3A_130, %dma_wait3A_131] : memref<40x128xi32, #tpu.memory_space<vmem>> -> memref<1x128xi32, #tpu.memory_space<vmem>>
      %dma_wait3A_133 = tpu.memref_squeeze %dma_wait3A_132 : memref<1x128xi32, #tpu.memory_space<vmem>> -> memref<128xi32, #tpu.memory_space<vmem>>
      %dma_wait3A_134 = arith.constant 0 : i32
      %dma_wait3A_135 = arith.constant 0 : i32
      %dma_wait3A_136 = tpu.memref_slice %arg2[%dma_wait3A_134, %dma_wait3A_135] : memref<10240x128xf32, #tpu.memory_space<hbm>> -> memref<10240x128xf32, #tpu.memory_space<hbm>>
      tpu.wait_indirect_dma semaphore(%arg12 : memref<!tpu.dma_semaphore, #tpu.memory_space<semaphore_mem>>) src(%dma_wait3A_136 : memref<10240x128xf32, #tpu.memory_space<hbm>>) dst(%arg9 : memref<128x128xf32, #tpu.memory_space<vmem>>)
      %dma_start3A_137 = arith.constant 0 : i32
      %dma_start3A_138 = tpu.memref_slice %arg7[%add3A_129, %dma_start3A_137] : memref<40x128xi32, #tpu.memory_space<vmem>> -> memref<1x128xi32, #tpu.memory_space<vmem>>
      %dma_start3A_139 = tpu.memref_squeeze %dma_start3A_138 : memref<1x128xi32, #tpu.memory_space<vmem>> -> memref<128xi32, #tpu.memory_space<vmem>>
      %dma_start3A_140 = arith.constant 0 : i32
      %dma_start3A_141 = arith.constant 0 : i32
      %dma_start3A_142 = tpu.memref_slice %arg10[%dma_start3A_140, %dma_start3A_141] : memref<10240x128xf32, #tpu.memory_space<vmem_shared>> -> memref<10240x128xf32, #tpu.memory_space<vmem_shared>>
      tpu.enqueue_indirect_dma source(%arg9 : memref<128x128xf32, #tpu.memory_space<vmem>>) target(%dma_start3A_142 : memref<10240x128xf32, #tpu.memory_space<vmem_shared>>) offsets(%dma_start3A_139 : memref<128xi32, #tpu.memory_space<vmem>>) semaphore(%arg14 : memref<!tpu.dma_semaphore, #tpu.memory_space<semaphore_mem>>) {add = true}
      %add3A_143 = arith.constant 2 : i32
      %add3A_144 = arith.addi %add3A_129, %add3A_143 : i32
      %lt3A_145 = arith.constant 40 : i32
      %lt3A_146 = arith.cmpi slt, %add3A_144, %lt3A_145 : i32
      %convert_element_type3A_147 = arith.extui %lt3A_146 : i1 to i32
      %cond3A_148 = arith.constant 0 : i32
      %cond3A_149 = arith.cmpi ne, %convert_element_type3A_147, %cond3A_148 : i32
      scf.if %cond3A_149 {
        %dma_wait3A_151 = arith.constant 0 : i32
        %dma_wait3A_152 = tpu.memref_slice %arg7[%add3A_129, %dma_wait3A_151] : memref<40x128xi32, #tpu.memory_space<vmem>> -> memref<1x128xi32, #tpu.memory_space<vmem>>
        %dma_wait3A_153 = tpu.memref_squeeze %dma_wait3A_152 : memref<1x128xi32, #tpu.memory_space<vmem>> -> memref<128xi32, #tpu.memory_space<vmem>>
        %dma_wait3A_154 = arith.constant 0 : i32
        %dma_wait3A_155 = arith.constant 0 : i32
        %dma_wait3A_156 = tpu.memref_slice %arg10[%dma_wait3A_154, %dma_wait3A_155] : memref<10240x128xf32, #tpu.memory_space<vmem_shared>> -> memref<10240x128xf32, #tpu.memory_space<vmem_shared>>
        tpu.wait_indirect_dma semaphore(%arg14 : memref<!tpu.dma_semaphore, #tpu.memory_space<semaphore_mem>>) src(%arg9 : memref<128x128xf32, #tpu.memory_space<vmem>>) dst(%dma_wait3A_156 : memref<10240x128xf32, #tpu.memory_space<vmem_shared>>)
        %dma_start3A_157 = arith.constant 0 : i32
        %dma_start3A_158 = tpu.memref_slice %arg6[%add3A_144, %dma_start3A_157] : memref<40x128xi32, #tpu.memory_space<vmem>> -> memref<1x128xi32, #tpu.memory_space<vmem>>
        %dma_start3A_159 = tpu.memref_squeeze %dma_start3A_158 : memref<1x128xi32, #tpu.memory_space<vmem>> -> memref<128xi32, #tpu.memory_space<vmem>>
        %dma_start3A_160 = arith.constant 0 : i32
        %dma_start3A_161 = arith.constant 0 : i32
        %dma_start3A_162 = tpu.memref_slice %arg2[%dma_start3A_160, %dma_start3A_161] : memref<10240x128xf32, #tpu.memory_space<hbm>> -> memref<10240x128xf32, #tpu.memory_space<hbm>>
        tpu.enqueue_indirect_dma source(%dma_start3A_162 : memref<10240x128xf32, #tpu.memory_space<hbm>>) target(%arg9 : memref<128x128xf32, #tpu.memory_space<vmem>>) offsets(%dma_start3A_159 : memref<128xi32, #tpu.memory_space<vmem>>) semaphore(%arg12 : memref<!tpu.dma_semaphore, #tpu.memory_space<semaphore_mem>>)
      } else {
      }
      %scan3A_150 = arith.constant 0 : i32
      scf.yield %scan3A_150 : i32
    }
    %scan3A_83 = arith.constant 20 : i32
    %dma_wait3A_84 = arith.constant 0 : i32
    %dma_wait3A_85 = arith.constant 0 : i32
    %dma_wait3A_86 = tpu.memref_slice %arg7[%dma_wait3A_84, %dma_wait3A_85] : memref<40x128xi32, #tpu.memory_space<vmem>> -> memref<1x128xi32, #tpu.memory_space<vmem>>
    %dma_wait3A_87 = tpu.memref_squeeze %dma_wait3A_86 : memref<1x128xi32, #tpu.memory_space<vmem>> -> memref<128xi32, #tpu.memory_space<vmem>>
    %dma_wait3A_88 = arith.constant 0 : i32
    %dma_wait3A_89 = arith.constant 0 : i32
    %dma_wait3A_90 = tpu.memref_slice %arg10[%dma_wait3A_88, %dma_wait3A_89] : memref<10240x128xf32, #tpu.memory_space<vmem_shared>> -> memref<10240x128xf32, #tpu.memory_space<vmem_shared>>
    tpu.wait_indirect_dma semaphore(%arg13 : memref<!tpu.dma_semaphore, #tpu.memory_space<semaphore_mem>>) src(%arg8 : memref<128x128xf32, #tpu.memory_space<vmem>>) dst(%dma_wait3A_90 : memref<10240x128xf32, #tpu.memory_space<vmem_shared>>)
    %dma_wait3A_91 = arith.constant 0 : i32
    %dma_wait3A_92 = arith.constant 0 : i32
    %dma_wait3A_93 = tpu.memref_slice %arg7[%dma_wait3A_91, %dma_wait3A_92] : memref<40x128xi32, #tpu.memory_space<vmem>> -> memref<1x128xi32, #tpu.memory_space<vmem>>
    %dma_wait3A_94 = tpu.memref_squeeze %dma_wait3A_93 : memref<1x128xi32, #tpu.memory_space<vmem>> -> memref<128xi32, #tpu.memory_space<vmem>>
    %dma_wait3A_95 = arith.constant 0 : i32
    %dma_wait3A_96 = arith.constant 0 : i32
    %dma_wait3A_97 = tpu.memref_slice %arg10[%dma_wait3A_95, %dma_wait3A_96] : memref<10240x128xf32, #tpu.memory_space<vmem_shared>> -> memref<10240x128xf32, #tpu.memory_space<vmem_shared>>
    tpu.wait_indirect_dma semaphore(%arg14 : memref<!tpu.dma_semaphore, #tpu.memory_space<semaphore_mem>>) src(%arg9 : memref<128x128xf32, #tpu.memory_space<vmem>>) dst(%dma_wait3A_97 : memref<10240x128xf32, #tpu.memory_space<vmem_shared>>)
    %barrier3A_98 = arith.constant 0 : index
    tpu.barrier barrier_id(%barrier3A_98)
    %mul3A_99 = arith.constant 640 : i32
    %mul3A_100 = arith.muli %arg1, %mul3A_99 : i32
    %mul3A_101 = arith.constant 640 : i32
    %mul3A_102 = arith.muli %arg1, %mul3A_101 : i32
    "tpu.region"() ({
      %run_scoped3A = tpu.sem_alloc : memref<!tpu.dma_semaphore, #tpu.memory_space<semaphore_mem>>
      %dma_start3A_103 = arith.constant 0 : i32
      %dma_start3A_104 = tpu.memref_slice %arg5[%arg0, %mul3A_102, %dma_start3A_103] : memref<2x10240x128xf32, #tpu.memory_space<hbm>> -> memref<1x640x128xf32, #tpu.memory_space<hbm>>
      %dma_start3A_105 = tpu.memref_squeeze %dma_start3A_104 : memref<1x640x128xf32, #tpu.memory_space<hbm>> -> memref<640x128xf32, #tpu.memory_space<hbm>>
      %dma_start3A_106 = arith.constant 0 : i32
      %dma_start3A_107 = tpu.memref_slice %arg10[%mul3A_100, %dma_start3A_106] : memref<10240x128xf32, #tpu.memory_space<vmem_shared>> -> memref<640x128xf32, #tpu.memory_space<vmem_shared>>
      tpu.enqueue_dma source(%dma_start3A_107 : memref<640x128xf32, #tpu.memory_space<vmem_shared>>) target(%dma_start3A_105 : memref<640x128xf32, #tpu.memory_space<hbm>>) target_semaphore(%run_scoped3A : memref<!tpu.dma_semaphore, #tpu.memory_space<semaphore_mem>>)
      %dma_wait3A_108 = arith.constant 0 : i32
      %dma_wait3A_109 = tpu.memref_slice %arg5[%arg0, %mul3A_102, %dma_wait3A_108] : memref<2x10240x128xf32, #tpu.memory_space<hbm>> -> memref<1x640x128xf32, #tpu.memory_space<hbm>>
      %dma_wait3A_110 = tpu.memref_squeeze %dma_wait3A_109 : memref<1x640x128xf32, #tpu.memory_space<hbm>> -> memref<640x128xf32, #tpu.memory_space<hbm>>
      %dma_wait3A_111 = arith.constant 0 : i32
      %dma_wait3A_112 = tpu.memref_slice %arg10[%mul3A_100, %dma_wait3A_111] : memref<10240x128xf32, #tpu.memory_space<vmem_shared>> -> memref<640x128xf32, #tpu.memory_space<vmem_shared>>
      tpu.wait_dma2 semaphore(%run_scoped3A : memref<!tpu.dma_semaphore, #tpu.memory_space<semaphore_mem>>) src(%dma_wait3A_112 : memref<640x128xf32, #tpu.memory_space<vmem_shared>>) dst(%dma_wait3A_110 : memref<640x128xf32, #tpu.memory_space<hbm>>)
      tpu.yield
    }) : () -> ()
    return
  }
}

#map = affine_map<(d0, d1) -> (0, 0)>
#map1 = affine_map<(d0, d1) -> (0, 0, 0)>
module attributes {stable_mosaic.version = 14 : i64} {
  func.func @_agg_body(%arg0: i32, %arg1: i32, %arg2: memref<10240x128xf32, #tpu.memory_space<hbm>>, %arg3: memref<2560x128xi32, #tpu.memory_space<hbm>>, %arg4: memref<2560x128xi32, #tpu.memory_space<hbm>>, %arg5: memref<2x10240x128xf32, #tpu.memory_space<hbm>>, %arg6: memref<40x128xi32, #tpu.memory_space<vmem>>, %arg7: memref<40x128xi32, #tpu.memory_space<vmem>>, %arg8: memref<128x128xf32, #tpu.memory_space<vmem>>, %arg9: memref<128x128xf32, #tpu.memory_space<vmem>>, %arg10: memref<10240x128xf32, #tpu.memory_space<vmem_shared>>, %arg11: memref<!tpu.dma_semaphore, #tpu.memory_space<semaphore_mem>>, %arg12: memref<!tpu.dma_semaphore, #tpu.memory_space<semaphore_mem>>, %arg13: memref<!tpu.dma_semaphore, #tpu.memory_space<semaphore_mem>>, %arg14: memref<!tpu.dma_semaphore, #tpu.memory_space<semaphore_mem>>) attributes {dimension_semantics = [#tpu.dimension_semantics<core_parallel>, #tpu.dimension_semantics<subcore_parallel>], iteration_bounds = array<i64: 2, 16>, scalar_prefetch = 0 : i64, scratch_operands = 9 : i64, tpu.core_type = #tpu.core_type<sc_vector_subcore>, window_params = [{transform_indices = #map}, {transform_indices = #map}, {transform_indices = #map}, {transform_indices = #map1}]} {
    %mul3A = arith.constant 16 : i32
    %mul3A_0 = arith.muli %arg0, %mul3A : i32
    %add3A = arith.addi %mul3A_0, %arg1 : i32
    %scan3A = arith.constant 0 : i32
    %scan3A_1 = arith.constant 0 : i32
    %scan3A_2 = arith.constant 128 : i32
    %scan3A_3 = arith.addi %scan3A_1, %scan3A_2 : i32
    %scan3A_4 = arith.constant 1 : i32
    %scan3A_5 = scf.for %scan3A_103 = %scan3A_1 to %scan3A_3 step %scan3A_4 iter_args(%scan3A_104 = %scan3A) -> (i32)  : i32 {
      %broadcast_in_dim3A = arith.constant 0.000000e+00 : f32
      %broadcast_in_dim3A_105 = vector.broadcast %broadcast_in_dim3A : f32 to vector<16xf32>
      %swap3A = arith.index_cast %scan3A_103 : i32 to index
      %swap3A_106 = arith.constant 0 : index
      %swap3A_107 = tpu.vector_load %arg8[%swap3A, %swap3A_106] {strides = array<i32>} : memref<128x128xf32, #tpu.memory_space<vmem>>, vector<1x16xf32>,
      %swap3A_108 = vector.shape_cast %swap3A_107 : vector<1x16xf32> to vector<16xf32>
      %swap3A_109 = vector.shape_cast %broadcast_in_dim3A_105 : vector<16xf32> to vector<1x16xf32>
      tpu.vector_store %arg8[%swap3A, %swap3A_106], %swap3A_109 {strides = array<i32>} : memref<128x128xf32, #tpu.memory_space<vmem>>, vector<1x16xf32>,
      %broadcast_in_dim3A_110 = arith.constant 0.000000e+00 : f32
      %broadcast_in_dim3A_111 = vector.broadcast %broadcast_in_dim3A_110 : f32 to vector<16xf32>
      %swap3A_112 = arith.index_cast %scan3A_103 : i32 to index
      %swap3A_113 = arith.constant 16 : index
      %swap3A_114 = tpu.vector_load %arg8[%swap3A_112, %swap3A_113] {strides = array<i32>} : memref<128x128xf32, #tpu.memory_space<vmem>>, vector<1x16xf32>,
      %swap3A_115 = vector.shape_cast %swap3A_114 : vector<1x16xf32> to vector<16xf32>
      %swap3A_116 = vector.shape_cast %broadcast_in_dim3A_111 : vector<16xf32> to vector<1x16xf32>
      tpu.vector_store %arg8[%swap3A_112, %swap3A_113], %swap3A_116 {strides = array<i32>} : memref<128x128xf32, #tpu.memory_space<vmem>>, vector<1x16xf32>,
      %broadcast_in_dim3A_117 = arith.constant 0.000000e+00 : f32
      %broadcast_in_dim3A_118 = vector.broadcast %broadcast_in_dim3A_117 : f32 to vector<16xf32>
      %swap3A_119 = arith.index_cast %scan3A_103 : i32 to index
      %swap3A_120 = arith.constant 32 : index
      %swap3A_121 = tpu.vector_load %arg8[%swap3A_119, %swap3A_120] {strides = array<i32>} : memref<128x128xf32, #tpu.memory_space<vmem>>, vector<1x16xf32>,
      %swap3A_122 = vector.shape_cast %swap3A_121 : vector<1x16xf32> to vector<16xf32>
      %swap3A_123 = vector.shape_cast %broadcast_in_dim3A_118 : vector<16xf32> to vector<1x16xf32>
      tpu.vector_store %arg8[%swap3A_119, %swap3A_120], %swap3A_123 {strides = array<i32>} : memref<128x128xf32, #tpu.memory_space<vmem>>, vector<1x16xf32>,
      %broadcast_in_dim3A_124 = arith.constant 0.000000e+00 : f32
      %broadcast_in_dim3A_125 = vector.broadcast %broadcast_in_dim3A_124 : f32 to vector<16xf32>
      %swap3A_126 = arith.index_cast %scan3A_103 : i32 to index
      %swap3A_127 = arith.constant 48 : index
      %swap3A_128 = tpu.vector_load %arg8[%swap3A_126, %swap3A_127] {strides = array<i32>} : memref<128x128xf32, #tpu.memory_space<vmem>>, vector<1x16xf32>,
      %swap3A_129 = vector.shape_cast %swap3A_128 : vector<1x16xf32> to vector<16xf32>
      %swap3A_130 = vector.shape_cast %broadcast_in_dim3A_125 : vector<16xf32> to vector<1x16xf32>
      tpu.vector_store %arg8[%swap3A_126, %swap3A_127], %swap3A_130 {strides = array<i32>} : memref<128x128xf32, #tpu.memory_space<vmem>>, vector<1x16xf32>,
      %broadcast_in_dim3A_131 = arith.constant 0.000000e+00 : f32
      %broadcast_in_dim3A_132 = vector.broadcast %broadcast_in_dim3A_131 : f32 to vector<16xf32>
      %swap3A_133 = arith.index_cast %scan3A_103 : i32 to index
      %swap3A_134 = arith.constant 64 : index
      %swap3A_135 = tpu.vector_load %arg8[%swap3A_133, %swap3A_134] {strides = array<i32>} : memref<128x128xf32, #tpu.memory_space<vmem>>, vector<1x16xf32>,
      %swap3A_136 = vector.shape_cast %swap3A_135 : vector<1x16xf32> to vector<16xf32>
      %swap3A_137 = vector.shape_cast %broadcast_in_dim3A_132 : vector<16xf32> to vector<1x16xf32>
      tpu.vector_store %arg8[%swap3A_133, %swap3A_134], %swap3A_137 {strides = array<i32>} : memref<128x128xf32, #tpu.memory_space<vmem>>, vector<1x16xf32>,
      %broadcast_in_dim3A_138 = arith.constant 0.000000e+00 : f32
      %broadcast_in_dim3A_139 = vector.broadcast %broadcast_in_dim3A_138 : f32 to vector<16xf32>
      %swap3A_140 = arith.index_cast %scan3A_103 : i32 to index
      %swap3A_141 = arith.constant 80 : index
      %swap3A_142 = tpu.vector_load %arg8[%swap3A_140, %swap3A_141] {strides = array<i32>} : memref<128x128xf32, #tpu.memory_space<vmem>>, vector<1x16xf32>,
      %swap3A_143 = vector.shape_cast %swap3A_142 : vector<1x16xf32> to vector<16xf32>
      %swap3A_144 = vector.shape_cast %broadcast_in_dim3A_139 : vector<16xf32> to vector<1x16xf32>
      tpu.vector_store %arg8[%swap3A_140, %swap3A_141], %swap3A_144 {strides = array<i32>} : memref<128x128xf32, #tpu.memory_space<vmem>>, vector<1x16xf32>,
      %broadcast_in_dim3A_145 = arith.constant 0.000000e+00 : f32
      %broadcast_in_dim3A_146 = vector.broadcast %broadcast_in_dim3A_145 : f32 to vector<16xf32>
      %swap3A_147 = arith.index_cast %scan3A_103 : i32 to index
      %swap3A_148 = arith.constant 96 : index
      %swap3A_149 = tpu.vector_load %arg8[%swap3A_147, %swap3A_148] {strides = array<i32>} : memref<128x128xf32, #tpu.memory_space<vmem>>, vector<1x16xf32>,
      %swap3A_150 = vector.shape_cast %swap3A_149 : vector<1x16xf32> to vector<16xf32>
      %swap3A_151 = vector.shape_cast %broadcast_in_dim3A_146 : vector<16xf32> to vector<1x16xf32>
      tpu.vector_store %arg8[%swap3A_147, %swap3A_148], %swap3A_151 {strides = array<i32>} : memref<128x128xf32, #tpu.memory_space<vmem>>, vector<1x16xf32>,
      %broadcast_in_dim3A_152 = arith.constant 0.000000e+00 : f32
      %broadcast_in_dim3A_153 = vector.broadcast %broadcast_in_dim3A_152 : f32 to vector<16xf32>
      %swap3A_154 = arith.index_cast %scan3A_103 : i32 to index
      %swap3A_155 = arith.constant 112 : index
      %swap3A_156 = tpu.vector_load %arg8[%swap3A_154, %swap3A_155] {strides = array<i32>} : memref<128x128xf32, #tpu.memory_space<vmem>>, vector<1x16xf32>,
      %swap3A_157 = vector.shape_cast %swap3A_156 : vector<1x16xf32> to vector<16xf32>
      %swap3A_158 = vector.shape_cast %broadcast_in_dim3A_153 : vector<16xf32> to vector<1x16xf32>
      tpu.vector_store %arg8[%swap3A_154, %swap3A_155], %swap3A_158 {strides = array<i32>} : memref<128x128xf32, #tpu.memory_space<vmem>>, vector<1x16xf32>,
      %scan3A_159 = arith.constant 0 : i32
      scf.yield %scan3A_159 : i32
    }
    %scan3A_6 = arith.constant 128 : i32
    %scan3A_7 = arith.constant 0 : i32
    %scan3A_8 = arith.constant 0 : i32
    %scan3A_9 = arith.constant 5 : i32
    %scan3A_10 = arith.addi %scan3A_8, %scan3A_9 : i32
    %scan3A_11 = arith.constant 1 : i32
    %scan3A_12 = scf.for %scan3A_103 = %scan3A_8 to %scan3A_10 step %scan3A_11 iter_args(%scan3A_104 = %scan3A_7) -> (i32)  : i32 {
      %mul3A_105 = arith.constant 640 : i32
      %mul3A_106 = arith.muli %arg1, %mul3A_105 : i32
      %mul3A_107 = arith.constant 128 : i32
      %mul3A_108 = arith.muli %scan3A_103, %mul3A_107 : i32
      %add3A_109 = arith.addi %mul3A_106, %mul3A_108 : i32
      "tpu.region"() ({
        %run_scoped3A = tpu.sem_alloc : memref<!tpu.dma_semaphore, #tpu.memory_space<semaphore_mem>>
        %dma_start3A_111 = arith.constant 0 : i32
        %dma_start3A_112 = tpu.memref_slice %arg10[%add3A_109, %dma_start3A_111] : memref<10240x128xf32, #tpu.memory_space<vmem_shared>> -> memref<128x128xf32, #tpu.memory_space<vmem_shared>>
        %dma_start3A_113 = arith.constant 0 : i32
        %dma_start3A_114 = tpu.memref_slice %arg10[%add3A_109, %dma_start3A_113] : memref<10240x128xf32, #tpu.memory_space<vmem_shared>> -> memref<128x128xf32, #tpu.memory_space<vmem_shared>>
        tpu.enqueue_dma source(%arg8 : memref<128x128xf32, #tpu.memory_space<vmem>>) target(%dma_start3A_114 : memref<128x128xf32, #tpu.memory_space<vmem_shared>>) target_semaphore(%run_scoped3A : memref<!tpu.dma_semaphore, #tpu.memory_space<semaphore_mem>>)
        %dma_wait3A_115 = arith.constant 0 : i32
        %dma_wait3A_116 = tpu.memref_slice %arg10[%add3A_109, %dma_wait3A_115] : memref<10240x128xf32, #tpu.memory_space<vmem_shared>> -> memref<128x128xf32, #tpu.memory_space<vmem_shared>>
        %dma_wait3A_117 = arith.constant 0 : i32
        %dma_wait3A_118 = tpu.memref_slice %arg10[%add3A_109, %dma_wait3A_117] : memref<10240x128xf32, #tpu.memory_space<vmem_shared>> -> memref<128x128xf32, #tpu.memory_space<vmem_shared>>
        tpu.wait_dma2 semaphore(%run_scoped3A : memref<!tpu.dma_semaphore, #tpu.memory_space<semaphore_mem>>) src(%arg8 : memref<128x128xf32, #tpu.memory_space<vmem>>) dst(%dma_wait3A_118 : memref<128x128xf32, #tpu.memory_space<vmem_shared>>)
        tpu.yield
      }) : () -> ()
      %scan3A_110 = arith.constant 0 : i32
      scf.yield %scan3A_110 : i32
    }
    %scan3A_13 = arith.constant 5 : i32
    %barrier3A = arith.constant 0 : index
    tpu.barrier barrier_id(%barrier3A)
    %mul3A_14 = arith.constant 80 : i32
    %mul3A_15 = arith.muli %add3A, %mul3A_14 : i32
    %add3A_16 = arith.constant 0 : i32
    %add3A_17 = arith.addi %mul3A_15, %add3A_16 : i32
    "tpu.region"() ({
      %run_scoped3A = tpu.sem_alloc : memref<!tpu.dma_semaphore, #tpu.memory_space<semaphore_mem>>
      %dma_start3A_103 = arith.constant 0 : i32
      %dma_start3A_104 = tpu.memref_slice %arg3[%add3A_17, %dma_start3A_103] : memref<2560x128xi32, #tpu.memory_space<hbm>> -> memref<40x128xi32, #tpu.memory_space<hbm>>
      %dma_start3A_105 = arith.constant 0 : i32
      %dma_start3A_106 = tpu.memref_slice %arg3[%add3A_17, %dma_start3A_105] : memref<2560x128xi32, #tpu.memory_space<hbm>> -> memref<40x128xi32, #tpu.memory_space<hbm>>
      tpu.enqueue_dma source(%dma_start3A_106 : memref<40x128xi32, #tpu.memory_space<hbm>>) target(%arg6 : memref<40x128xi32, #tpu.memory_space<vmem>>) target_semaphore(%run_scoped3A : memref<!tpu.dma_semaphore, #tpu.memory_space<semaphore_mem>>)
      %dma_wait3A_107 = arith.constant 0 : i32
      %dma_wait3A_108 = tpu.memref_slice %arg3[%add3A_17, %dma_wait3A_107] : memref<2560x128xi32, #tpu.memory_space<hbm>> -> memref<40x128xi32, #tpu.memory_space<hbm>>
      %dma_wait3A_109 = arith.constant 0 : i32
      %dma_wait3A_110 = tpu.memref_slice %arg3[%add3A_17, %dma_wait3A_109] : memref<2560x128xi32, #tpu.memory_space<hbm>> -> memref<40x128xi32, #tpu.memory_space<hbm>>
      tpu.wait_dma2 semaphore(%run_scoped3A : memref<!tpu.dma_semaphore, #tpu.memory_space<semaphore_mem>>) src(%dma_wait3A_110 : memref<40x128xi32, #tpu.memory_space<hbm>>) dst(%arg6 : memref<40x128xi32, #tpu.memory_space<vmem>>)
      tpu.yield
    }) : () -> ()
    %mul3A_18 = arith.constant 80 : i32
    %mul3A_19 = arith.muli %add3A, %mul3A_18 : i32
    %add3A_20 = arith.constant 0 : i32
    %add3A_21 = arith.addi %mul3A_19, %add3A_20 : i32
    "tpu.region"() ({
      %run_scoped3A = tpu.sem_alloc : memref<!tpu.dma_semaphore, #tpu.memory_space<semaphore_mem>>
      %dma_start3A_103 = arith.constant 0 : i32
      %dma_start3A_104 = tpu.memref_slice %arg4[%add3A_21, %dma_start3A_103] : memref<2560x128xi32, #tpu.memory_space<hbm>> -> memref<40x128xi32, #tpu.memory_space<hbm>>
      %dma_start3A_105 = arith.constant 0 : i32
      %dma_start3A_106 = tpu.memref_slice %arg4[%add3A_21, %dma_start3A_105] : memref<2560x128xi32, #tpu.memory_space<hbm>> -> memref<40x128xi32, #tpu.memory_space<hbm>>
      tpu.enqueue_dma source(%dma_start3A_106 : memref<40x128xi32, #tpu.memory_space<hbm>>) target(%arg7 : memref<40x128xi32, #tpu.memory_space<vmem>>) target_semaphore(%run_scoped3A : memref<!tpu.dma_semaphore, #tpu.memory_space<semaphore_mem>>)
      %dma_wait3A_107 = arith.constant 0 : i32
      %dma_wait3A_108 = tpu.memref_slice %arg4[%add3A_21, %dma_wait3A_107] : memref<2560x128xi32, #tpu.memory_space<hbm>> -> memref<40x128xi32, #tpu.memory_space<hbm>>
      %dma_wait3A_109 = arith.constant 0 : i32
      %dma_wait3A_110 = tpu.memref_slice %arg4[%add3A_21, %dma_wait3A_109] : memref<2560x128xi32, #tpu.memory_space<hbm>> -> memref<40x128xi32, #tpu.memory_space<hbm>>
      tpu.wait_dma2 semaphore(%run_scoped3A : memref<!tpu.dma_semaphore, #tpu.memory_space<semaphore_mem>>) src(%dma_wait3A_110 : memref<40x128xi32, #tpu.memory_space<hbm>>) dst(%arg7 : memref<40x128xi32, #tpu.memory_space<vmem>>)
      tpu.yield
    }) : () -> ()
    %dma_start3A = arith.constant 0 : i32
    %dma_start3A_22 = arith.constant 0 : i32
    %dma_start3A_23 = tpu.memref_slice %arg6[%dma_start3A, %dma_start3A_22] : memref<40x128xi32, #tpu.memory_space<vmem>> -> memref<1x128xi32, #tpu.memory_space<vmem>>
    %dma_start3A_24 = tpu.memref_squeeze %dma_start3A_23 : memref<1x128xi32, #tpu.memory_space<vmem>> -> memref<128xi32, #tpu.memory_space<vmem>>
    %dma_start3A_25 = arith.constant 0 : i32
    %dma_start3A_26 = arith.constant 0 : i32
    %dma_start3A_27 = tpu.memref_slice %arg2[%dma_start3A_25, %dma_start3A_26] : memref<10240x128xf32, #tpu.memory_space<hbm>> -> memref<10240x128xf32, #tpu.memory_space<hbm>>
    tpu.enqueue_indirect_dma source(%dma_start3A_27 : memref<10240x128xf32, #tpu.memory_space<hbm>>) target(%arg8 : memref<128x128xf32, #tpu.memory_space<vmem>>) offsets(%dma_start3A_24 : memref<128xi32, #tpu.memory_space<vmem>>) semaphore(%arg11 : memref<!tpu.dma_semaphore, #tpu.memory_space<semaphore_mem>>)
    %dma_start3A_28 = arith.constant 1 : i32
    %dma_start3A_29 = arith.constant 0 : i32
    %dma_start3A_30 = tpu.memref_slice %arg6[%dma_start3A_28, %dma_start3A_29] : memref<40x128xi32, #tpu.memory_space<vmem>> -> memref<1x128xi32, #tpu.memory_space<vmem>>
    %dma_start3A_31 = tpu.memref_squeeze %dma_start3A_30 : memref<1x128xi32, #tpu.memory_space<vmem>> -> memref<128xi32, #tpu.memory_space<vmem>>
    %dma_start3A_32 = arith.constant 0 : i32
    %dma_start3A_33 = arith.constant 0 : i32
    %dma_start3A_34 = tpu.memref_slice %arg2[%dma_start3A_32, %dma_start3A_33] : memref<10240x128xf32, #tpu.memory_space<hbm>> -> memref<10240x128xf32, #tpu.memory_space<hbm>>
    tpu.enqueue_indirect_dma source(%dma_start3A_34 : memref<10240x128xf32, #tpu.memory_space<hbm>>) target(%arg9 : memref<128x128xf32, #tpu.memory_space<vmem>>) offsets(%dma_start3A_31 : memref<128xi32, #tpu.memory_space<vmem>>) semaphore(%arg12 : memref<!tpu.dma_semaphore, #tpu.memory_space<semaphore_mem>>)
    %scan3A_35 = arith.constant 0 : i32
    %scan3A_36 = arith.constant 0 : i32
    %scan3A_37 = arith.constant 20 : i32
    %scan3A_38 = arith.addi %scan3A_36, %scan3A_37 : i32
    %scan3A_39 = arith.constant 1 : i32
    %scan3A_40 = scf.for %scan3A_103 = %scan3A_36 to %scan3A_38 step %scan3A_39 iter_args(%scan3A_104 = %scan3A_35) -> (i32)  : i32 {
      %mul3A_105 = arith.constant 2 : i32
      %mul3A_106 = arith.muli %mul3A_105, %scan3A_103 : i32
      %add3A_107 = arith.constant 0 : i32
      %add3A_108 = arith.addi %mul3A_106, %add3A_107 : i32
      %dma_wait3A_109 = arith.constant 0 : i32
      %dma_wait3A_110 = arith.constant 0 : i32
      %dma_wait3A_111 = tpu.memref_slice %arg6[%dma_wait3A_109, %dma_wait3A_110] : memref<40x128xi32, #tpu.memory_space<vmem>> -> memref<1x128xi32, #tpu.memory_space<vmem>>
      %dma_wait3A_112 = tpu.memref_squeeze %dma_wait3A_111 : memref<1x128xi32, #tpu.memory_space<vmem>> -> memref<128xi32, #tpu.memory_space<vmem>>
      %dma_wait3A_113 = arith.constant 0 : i32
      %dma_wait3A_114 = arith.constant 0 : i32
      %dma_wait3A_115 = tpu.memref_slice %arg2[%dma_wait3A_113, %dma_wait3A_114] : memref<10240x128xf32, #tpu.memory_space<hbm>> -> memref<10240x128xf32, #tpu.memory_space<hbm>>
      tpu.wait_indirect_dma semaphore(%arg11 : memref<!tpu.dma_semaphore, #tpu.memory_space<semaphore_mem>>) src(%dma_wait3A_115 : memref<10240x128xf32, #tpu.memory_space<hbm>>) dst(%arg8 : memref<128x128xf32, #tpu.memory_space<vmem>>)
      %dma_start3A_116 = arith.constant 0 : i32
      %dma_start3A_117 = tpu.memref_slice %arg7[%add3A_108, %dma_start3A_116] : memref<40x128xi32, #tpu.memory_space<vmem>> -> memref<1x128xi32, #tpu.memory_space<vmem>>
      %dma_start3A_118 = tpu.memref_squeeze %dma_start3A_117 : memref<1x128xi32, #tpu.memory_space<vmem>> -> memref<128xi32, #tpu.memory_space<vmem>>
      %dma_start3A_119 = arith.constant 0 : i32
      %dma_start3A_120 = arith.constant 0 : i32
      %dma_start3A_121 = tpu.memref_slice %arg10[%dma_start3A_119, %dma_start3A_120] : memref<10240x128xf32, #tpu.memory_space<vmem_shared>> -> memref<10240x128xf32, #tpu.memory_space<vmem_shared>>
      tpu.enqueue_indirect_dma source(%arg8 : memref<128x128xf32, #tpu.memory_space<vmem>>) target(%dma_start3A_121 : memref<10240x128xf32, #tpu.memory_space<vmem_shared>>) offsets(%dma_start3A_118 : memref<128xi32, #tpu.memory_space<vmem>>) semaphore(%arg13 : memref<!tpu.dma_semaphore, #tpu.memory_space<semaphore_mem>>) {add = true}
      %add3A_122 = arith.constant 2 : i32
      %add3A_123 = arith.addi %add3A_108, %add3A_122 : i32
      %lt3A = arith.constant 40 : i32
      %lt3A_124 = arith.cmpi slt, %add3A_123, %lt3A : i32
      %convert_element_type3A = arith.extui %lt3A_124 : i1 to i32
      %cond3A = arith.constant 0 : i32
      %cond3A_125 = arith.cmpi ne, %convert_element_type3A, %cond3A : i32
      scf.if %cond3A_125 {
        %dma_wait3A_151 = arith.constant 0 : i32
        %dma_wait3A_152 = tpu.memref_slice %arg7[%add3A_108, %dma_wait3A_151] : memref<40x128xi32, #tpu.memory_space<vmem>> -> memref<1x128xi32, #tpu.memory_space<vmem>>
        %dma_wait3A_153 = tpu.memref_squeeze %dma_wait3A_152 : memref<1x128xi32, #tpu.memory_space<vmem>> -> memref<128xi32, #tpu.memory_space<vmem>>
        %dma_wait3A_154 = arith.constant 0 : i32
        %dma_wait3A_155 = arith.constant 0 : i32
        %dma_wait3A_156 = tpu.memref_slice %arg10[%dma_wait3A_154, %dma_wait3A_155] : memref<10240x128xf32, #tpu.memory_space<vmem_shared>> -> memref<10240x128xf32, #tpu.memory_space<vmem_shared>>
        tpu.wait_indirect_dma semaphore(%arg13 : memref<!tpu.dma_semaphore, #tpu.memory_space<semaphore_mem>>) src(%arg8 : memref<128x128xf32, #tpu.memory_space<vmem>>) dst(%dma_wait3A_156 : memref<10240x128xf32, #tpu.memory_space<vmem_shared>>)
        %dma_start3A_157 = arith.constant 0 : i32
        %dma_start3A_158 = tpu.memref_slice %arg6[%add3A_123, %dma_start3A_157] : memref<40x128xi32, #tpu.memory_space<vmem>> -> memref<1x128xi32, #tpu.memory_space<vmem>>
        %dma_start3A_159 = tpu.memref_squeeze %dma_start3A_158 : memref<1x128xi32, #tpu.memory_space<vmem>> -> memref<128xi32, #tpu.memory_space<vmem>>
        %dma_start3A_160 = arith.constant 0 : i32
        %dma_start3A_161 = arith.constant 0 : i32
        %dma_start3A_162 = tpu.memref_slice %arg2[%dma_start3A_160, %dma_start3A_161] : memref<10240x128xf32, #tpu.memory_space<hbm>> -> memref<10240x128xf32, #tpu.memory_space<hbm>>
        tpu.enqueue_indirect_dma source(%dma_start3A_162 : memref<10240x128xf32, #tpu.memory_space<hbm>>) target(%arg8 : memref<128x128xf32, #tpu.memory_space<vmem>>) offsets(%dma_start3A_159 : memref<128xi32, #tpu.memory_space<vmem>>) semaphore(%arg11 : memref<!tpu.dma_semaphore, #tpu.memory_space<semaphore_mem>>)
      } else {
      }
      %mul3A_126 = arith.constant 2 : i32
      %mul3A_127 = arith.muli %mul3A_126, %scan3A_103 : i32
      %add3A_128 = arith.constant 1 : i32
      %add3A_129 = arith.addi %mul3A_127, %add3A_128 : i32
      %dma_wait3A_130 = arith.constant 0 : i32
      %dma_wait3A_131 = arith.constant 0 : i32
      %dma_wait3A_132 = tpu.memref_slice %arg6[%dma_wait3A_130, %dma_wait3A_131] : memref<40x128xi32, #tpu.memory_space<vmem>> -> memref<1x128xi32, #tpu.memory_space<vmem>>
      %dma_wait3A_133 = tpu.memref_squeeze %dma_wait3A_132 : memref<1x128xi32, #tpu.memory_space<vmem>> -> memref<128xi32, #tpu.memory_space<vmem>>
      %dma_wait3A_134 = arith.constant 0 : i32
      %dma_wait3A_135 = arith.constant 0 : i32
      %dma_wait3A_136 = tpu.memref_slice %arg2[%dma_wait3A_134, %dma_wait3A_135] : memref<10240x128xf32, #tpu.memory_space<hbm>> -> memref<10240x128xf32, #tpu.memory_space<hbm>>
      tpu.wait_indirect_dma semaphore(%arg12 : memref<!tpu.dma_semaphore, #tpu.memory_space<semaphore_mem>>) src(%dma_wait3A_136 : memref<10240x128xf32, #tpu.memory_space<hbm>>) dst(%arg9 : memref<128x128xf32, #tpu.memory_space<vmem>>)
      %dma_start3A_137 = arith.constant 0 : i32
      %dma_start3A_138 = tpu.memref_slice %arg7[%add3A_129, %dma_start3A_137] : memref<40x128xi32, #tpu.memory_space<vmem>> -> memref<1x128xi32, #tpu.memory_space<vmem>>
      %dma_start3A_139 = tpu.memref_squeeze %dma_start3A_138 : memref<1x128xi32, #tpu.memory_space<vmem>> -> memref<128xi32, #tpu.memory_space<vmem>>
      %dma_start3A_140 = arith.constant 0 : i32
      %dma_start3A_141 = arith.constant 0 : i32
      %dma_start3A_142 = tpu.memref_slice %arg10[%dma_start3A_140, %dma_start3A_141] : memref<10240x128xf32, #tpu.memory_space<vmem_shared>> -> memref<10240x128xf32, #tpu.memory_space<vmem_shared>>
      tpu.enqueue_indirect_dma source(%arg9 : memref<128x128xf32, #tpu.memory_space<vmem>>) target(%dma_start3A_142 : memref<10240x128xf32, #tpu.memory_space<vmem_shared>>) offsets(%dma_start3A_139 : memref<128xi32, #tpu.memory_space<vmem>>) semaphore(%arg14 : memref<!tpu.dma_semaphore, #tpu.memory_space<semaphore_mem>>) {add = true}
      %add3A_143 = arith.constant 2 : i32
      %add3A_144 = arith.addi %add3A_129, %add3A_143 : i32
      %lt3A_145 = arith.constant 40 : i32
      %lt3A_146 = arith.cmpi slt, %add3A_144, %lt3A_145 : i32
      %convert_element_type3A_147 = arith.extui %lt3A_146 : i1 to i32
      %cond3A_148 = arith.constant 0 : i32
      %cond3A_149 = arith.cmpi ne, %convert_element_type3A_147, %cond3A_148 : i32
      scf.if %cond3A_149 {
        %dma_wait3A_151 = arith.constant 0 : i32
        %dma_wait3A_152 = tpu.memref_slice %arg7[%add3A_129, %dma_wait3A_151] : memref<40x128xi32, #tpu.memory_space<vmem>> -> memref<1x128xi32, #tpu.memory_space<vmem>>
        %dma_wait3A_153 = tpu.memref_squeeze %dma_wait3A_152 : memref<1x128xi32, #tpu.memory_space<vmem>> -> memref<128xi32, #tpu.memory_space<vmem>>
        %dma_wait3A_154 = arith.constant 0 : i32
        %dma_wait3A_155 = arith.constant 0 : i32
        %dma_wait3A_156 = tpu.memref_slice %arg10[%dma_wait3A_154, %dma_wait3A_155] : memref<10240x128xf32, #tpu.memory_space<vmem_shared>> -> memref<10240x128xf32, #tpu.memory_space<vmem_shared>>
        tpu.wait_indirect_dma semaphore(%arg14 : memref<!tpu.dma_semaphore, #tpu.memory_space<semaphore_mem>>) src(%arg9 : memref<128x128xf32, #tpu.memory_space<vmem>>) dst(%dma_wait3A_156 : memref<10240x128xf32, #tpu.memory_space<vmem_shared>>)
        %dma_start3A_157 = arith.constant 0 : i32
        %dma_start3A_158 = tpu.memref_slice %arg6[%add3A_144, %dma_start3A_157] : memref<40x128xi32, #tpu.memory_space<vmem>> -> memref<1x128xi32, #tpu.memory_space<vmem>>
        %dma_start3A_159 = tpu.memref_squeeze %dma_start3A_158 : memref<1x128xi32, #tpu.memory_space<vmem>> -> memref<128xi32, #tpu.memory_space<vmem>>
        %dma_start3A_160 = arith.constant 0 : i32
        %dma_start3A_161 = arith.constant 0 : i32
        %dma_start3A_162 = tpu.memref_slice %arg2[%dma_start3A_160, %dma_start3A_161] : memref<10240x128xf32, #tpu.memory_space<hbm>> -> memref<10240x128xf32, #tpu.memory_space<hbm>>
        tpu.enqueue_indirect_dma source(%dma_start3A_162 : memref<10240x128xf32, #tpu.memory_space<hbm>>) target(%arg9 : memref<128x128xf32, #tpu.memory_space<vmem>>) offsets(%dma_start3A_159 : memref<128xi32, #tpu.memory_space<vmem>>) semaphore(%arg12 : memref<!tpu.dma_semaphore, #tpu.memory_space<semaphore_mem>>)
      } else {
      }
      %scan3A_150 = arith.constant 0 : i32
      scf.yield %scan3A_150 : i32
    }
    %scan3A_41 = arith.constant 20 : i32
    %dma_wait3A = arith.constant 0 : i32
    %dma_wait3A_42 = arith.constant 0 : i32
    %dma_wait3A_43 = tpu.memref_slice %arg7[%dma_wait3A, %dma_wait3A_42] : memref<40x128xi32, #tpu.memory_space<vmem>> -> memref<1x128xi32, #tpu.memory_space<vmem>>
    %dma_wait3A_44 = tpu.memref_squeeze %dma_wait3A_43 : memref<1x128xi32, #tpu.memory_space<vmem>> -> memref<128xi32, #tpu.memory_space<vmem>>
    %dma_wait3A_45 = arith.constant 0 : i32
    %dma_wait3A_46 = arith.constant 0 : i32
    %dma_wait3A_47 = tpu.memref_slice %arg10[%dma_wait3A_45, %dma_wait3A_46] : memref<10240x128xf32, #tpu.memory_space<vmem_shared>> -> memref<10240x128xf32, #tpu.memory_space<vmem_shared>>
    tpu.wait_indirect_dma semaphore(%arg13 : memref<!tpu.dma_semaphore, #tpu.memory_space<semaphore_mem>>) src(%arg8 : memref<128x128xf32, #tpu.memory_space<vmem>>) dst(%dma_wait3A_47 : memref<10240x128xf32, #tpu.memory_space<vmem_shared>>)
    %dma_wait3A_48 = arith.constant 0 : i32
    %dma_wait3A_49 = arith.constant 0 : i32
    %dma_wait3A_50 = tpu.memref_slice %arg7[%dma_wait3A_48, %dma_wait3A_49] : memref<40x128xi32, #tpu.memory_space<vmem>> -> memref<1x128xi32, #tpu.memory_space<vmem>>
    %dma_wait3A_51 = tpu.memref_squeeze %dma_wait3A_50 : memref<1x128xi32, #tpu.memory_space<vmem>> -> memref<128xi32, #tpu.memory_space<vmem>>
    %dma_wait3A_52 = arith.constant 0 : i32
    %dma_wait3A_53 = arith.constant 0 : i32
    %dma_wait3A_54 = tpu.memref_slice %arg10[%dma_wait3A_52, %dma_wait3A_53] : memref<10240x128xf32, #tpu.memory_space<vmem_shared>> -> memref<10240x128xf32, #tpu.memory_space<vmem_shared>>
    tpu.wait_indirect_dma semaphore(%arg14 : memref<!tpu.dma_semaphore, #tpu.memory_space<semaphore_mem>>) src(%arg9 : memref<128x128xf32, #tpu.memory_space<vmem>>) dst(%dma_wait3A_54 : memref<10240x128xf32, #tpu.memory_space<vmem_shared>>)
    %mul3A_55 = arith.constant 80 : i32
    %mul3A_56 = arith.muli %add3A, %mul3A_55 : i32
    %add3A_57 = arith.constant 40 : i32
    %add3A_58 = arith.addi %mul3A_56, %add3A_57 : i32
    "tpu.region"() ({
      %run_scoped3A = tpu.sem_alloc : memref<!tpu.dma_semaphore, #tpu.memory_space<semaphore_mem>>
      %dma_start3A_103 = arith.constant 0 : i32
      %dma_start3A_104 = tpu.memref_slice %arg3[%add3A_58, %dma_start3A_103] : memref<2560x128xi32, #tpu.memory_space<hbm>> -> memref<40x128xi32, #tpu.memory_space<hbm>>
      %dma_start3A_105 = arith.constant 0 : i32
      %dma_start3A_106 = tpu.memref_slice %arg3[%add3A_58, %dma_start3A_105] : memref<2560x128xi32, #tpu.memory_space<hbm>> -> memref<40x128xi32, #tpu.memory_space<hbm>>
      tpu.enqueue_dma source(%dma_start3A_106 : memref<40x128xi32, #tpu.memory_space<hbm>>) target(%arg6 : memref<40x128xi32, #tpu.memory_space<vmem>>) target_semaphore(%run_scoped3A : memref<!tpu.dma_semaphore, #tpu.memory_space<semaphore_mem>>)
      %dma_wait3A_107 = arith.constant 0 : i32
      %dma_wait3A_108 = tpu.memref_slice %arg3[%add3A_58, %dma_wait3A_107] : memref<2560x128xi32, #tpu.memory_space<hbm>> -> memref<40x128xi32, #tpu.memory_space<hbm>>
      %dma_wait3A_109 = arith.constant 0 : i32
      %dma_wait3A_110 = tpu.memref_slice %arg3[%add3A_58, %dma_wait3A_109] : memref<2560x128xi32, #tpu.memory_space<hbm>> -> memref<40x128xi32, #tpu.memory_space<hbm>>
      tpu.wait_dma2 semaphore(%run_scoped3A : memref<!tpu.dma_semaphore, #tpu.memory_space<semaphore_mem>>) src(%dma_wait3A_110 : memref<40x128xi32, #tpu.memory_space<hbm>>) dst(%arg6 : memref<40x128xi32, #tpu.memory_space<vmem>>)
      tpu.yield
    }) : () -> ()
    %mul3A_59 = arith.constant 80 : i32
    %mul3A_60 = arith.muli %add3A, %mul3A_59 : i32
    %add3A_61 = arith.constant 40 : i32
    %add3A_62 = arith.addi %mul3A_60, %add3A_61 : i32
    "tpu.region"() ({
      %run_scoped3A = tpu.sem_alloc : memref<!tpu.dma_semaphore, #tpu.memory_space<semaphore_mem>>
      %dma_start3A_103 = arith.constant 0 : i32
      %dma_start3A_104 = tpu.memref_slice %arg4[%add3A_62, %dma_start3A_103] : memref<2560x128xi32, #tpu.memory_space<hbm>> -> memref<40x128xi32, #tpu.memory_space<hbm>>
      %dma_start3A_105 = arith.constant 0 : i32
      %dma_start3A_106 = tpu.memref_slice %arg4[%add3A_62, %dma_start3A_105] : memref<2560x128xi32, #tpu.memory_space<hbm>> -> memref<40x128xi32, #tpu.memory_space<hbm>>
      tpu.enqueue_dma source(%dma_start3A_106 : memref<40x128xi32, #tpu.memory_space<hbm>>) target(%arg7 : memref<40x128xi32, #tpu.memory_space<vmem>>) target_semaphore(%run_scoped3A : memref<!tpu.dma_semaphore, #tpu.memory_space<semaphore_mem>>)
      %dma_wait3A_107 = arith.constant 0 : i32
      %dma_wait3A_108 = tpu.memref_slice %arg4[%add3A_62, %dma_wait3A_107] : memref<2560x128xi32, #tpu.memory_space<hbm>> -> memref<40x128xi32, #tpu.memory_space<hbm>>
      %dma_wait3A_109 = arith.constant 0 : i32
      %dma_wait3A_110 = tpu.memref_slice %arg4[%add3A_62, %dma_wait3A_109] : memref<2560x128xi32, #tpu.memory_space<hbm>> -> memref<40x128xi32, #tpu.memory_space<hbm>>
      tpu.wait_dma2 semaphore(%run_scoped3A : memref<!tpu.dma_semaphore, #tpu.memory_space<semaphore_mem>>) src(%dma_wait3A_110 : memref<40x128xi32, #tpu.memory_space<hbm>>) dst(%arg7 : memref<40x128xi32, #tpu.memory_space<vmem>>)
      tpu.yield
    }) : () -> ()
    %dma_start3A_63 = arith.constant 0 : i32
    %dma_start3A_64 = arith.constant 0 : i32
    %dma_start3A_65 = tpu.memref_slice %arg6[%dma_start3A_63, %dma_start3A_64] : memref<40x128xi32, #tpu.memory_space<vmem>> -> memref<1x128xi32, #tpu.memory_space<vmem>>
    %dma_start3A_66 = tpu.memref_squeeze %dma_start3A_65 : memref<1x128xi32, #tpu.memory_space<vmem>> -> memref<128xi32, #tpu.memory_space<vmem>>
    %dma_start3A_67 = arith.constant 0 : i32
    %dma_start3A_68 = arith.constant 0 : i32
    %dma_start3A_69 = tpu.memref_slice %arg2[%dma_start3A_67, %dma_start3A_68] : memref<10240x128xf32, #tpu.memory_space<hbm>> -> memref<10240x128xf32, #tpu.memory_space<hbm>>
    tpu.enqueue_indirect_dma source(%dma_start3A_69 : memref<10240x128xf32, #tpu.memory_space<hbm>>) target(%arg8 : memref<128x128xf32, #tpu.memory_space<vmem>>) offsets(%dma_start3A_66 : memref<128xi32, #tpu.memory_space<vmem>>) semaphore(%arg11 : memref<!tpu.dma_semaphore, #tpu.memory_space<semaphore_mem>>)
    %dma_start3A_70 = arith.constant 1 : i32
    %dma_start3A_71 = arith.constant 0 : i32
    %dma_start3A_72 = tpu.memref_slice %arg6[%dma_start3A_70, %dma_start3A_71] : memref<40x128xi32, #tpu.memory_space<vmem>> -> memref<1x128xi32, #tpu.memory_space<vmem>>
    %dma_start3A_73 = tpu.memref_squeeze %dma_start3A_72 : memref<1x128xi32, #tpu.memory_space<vmem>> -> memref<128xi32, #tpu.memory_space<vmem>>
    %dma_start3A_74 = arith.constant 0 : i32
    %dma_start3A_75 = arith.constant 0 : i32
    %dma_start3A_76 = tpu.memref_slice %arg2[%dma_start3A_74, %dma_start3A_75] : memref<10240x128xf32, #tpu.memory_space<hbm>> -> memref<10240x128xf32, #tpu.memory_space<hbm>>
    tpu.enqueue_indirect_dma source(%dma_start3A_76 : memref<10240x128xf32, #tpu.memory_space<hbm>>) target(%arg9 : memref<128x128xf32, #tpu.memory_space<vmem>>) offsets(%dma_start3A_73 : memref<128xi32, #tpu.memory_space<vmem>>) semaphore(%arg12 : memref<!tpu.dma_semaphore, #tpu.memory_space<semaphore_mem>>)
    %scan3A_77 = arith.constant 0 : i32
    %scan3A_78 = arith.constant 0 : i32
    %scan3A_79 = arith.constant 20 : i32
    %scan3A_80 = arith.addi %scan3A_78, %scan3A_79 : i32
    %scan3A_81 = arith.constant 1 : i32
    %scan3A_82 = scf.for %scan3A_103 = %scan3A_78 to %scan3A_80 step %scan3A_81 iter_args(%scan3A_104 = %scan3A_77) -> (i32)  : i32 {
      %mul3A_105 = arith.constant 2 : i32
      %mul3A_106 = arith.muli %mul3A_105, %scan3A_103 : i32
      %add3A_107 = arith.constant 0 : i32
      %add3A_108 = arith.addi %mul3A_106, %add3A_107 : i32
      %dma_wait3A_109 = arith.constant 0 : i32
      %dma_wait3A_110 = arith.constant 0 : i32
      %dma_wait3A_111 = tpu.memref_slice %arg6[%dma_wait3A_109, %dma_wait3A_110] : memref<40x128xi32, #tpu.memory_space<vmem>> -> memref<1x128xi32, #tpu.memory_space<vmem>>
      %dma_wait3A_112 = tpu.memref_squeeze %dma_wait3A_111 : memref<1x128xi32, #tpu.memory_space<vmem>> -> memref<128xi32, #tpu.memory_space<vmem>>
      %dma_wait3A_113 = arith.constant 0 : i32
      %dma_wait3A_114 = arith.constant 0 : i32
      %dma_wait3A_115 = tpu.memref_slice %arg2[%dma_wait3A_113, %dma_wait3A_114] : memref<10240x128xf32, #tpu.memory_space<hbm>> -> memref<10240x128xf32, #tpu.memory_space<hbm>>
      tpu.wait_indirect_dma semaphore(%arg11 : memref<!tpu.dma_semaphore, #tpu.memory_space<semaphore_mem>>) src(%dma_wait3A_115 : memref<10240x128xf32, #tpu.memory_space<hbm>>) dst(%arg8 : memref<128x128xf32, #tpu.memory_space<vmem>>)
      %dma_start3A_116 = arith.constant 0 : i32
      %dma_start3A_117 = tpu.memref_slice %arg7[%add3A_108, %dma_start3A_116] : memref<40x128xi32, #tpu.memory_space<vmem>> -> memref<1x128xi32, #tpu.memory_space<vmem>>
      %dma_start3A_118 = tpu.memref_squeeze %dma_start3A_117 : memref<1x128xi32, #tpu.memory_space<vmem>> -> memref<128xi32, #tpu.memory_space<vmem>>
      %dma_start3A_119 = arith.constant 0 : i32
      %dma_start3A_120 = arith.constant 0 : i32
      %dma_start3A_121 = tpu.memref_slice %arg10[%dma_start3A_119, %dma_start3A_120] : memref<10240x128xf32, #tpu.memory_space<vmem_shared>> -> memref<10240x128xf32, #tpu.memory_space<vmem_shared>>
      tpu.enqueue_indirect_dma source(%arg8 : memref<128x128xf32, #tpu.memory_space<vmem>>) target(%dma_start3A_121 : memref<10240x128xf32, #tpu.memory_space<vmem_shared>>) offsets(%dma_start3A_118 : memref<128xi32, #tpu.memory_space<vmem>>) semaphore(%arg13 : memref<!tpu.dma_semaphore, #tpu.memory_space<semaphore_mem>>) {add = true}
      %add3A_122 = arith.constant 2 : i32
      %add3A_123 = arith.addi %add3A_108, %add3A_122 : i32
      %lt3A = arith.constant 40 : i32
      %lt3A_124 = arith.cmpi slt, %add3A_123, %lt3A : i32
      %convert_element_type3A = arith.extui %lt3A_124 : i1 to i32
      %cond3A = arith.constant 0 : i32
      %cond3A_125 = arith.cmpi ne, %convert_element_type3A, %cond3A : i32
      scf.if %cond3A_125 {
        %dma_wait3A_151 = arith.constant 0 : i32
        %dma_wait3A_152 = tpu.memref_slice %arg7[%add3A_108, %dma_wait3A_151] : memref<40x128xi32, #tpu.memory_space<vmem>> -> memref<1x128xi32, #tpu.memory_space<vmem>>
        %dma_wait3A_153 = tpu.memref_squeeze %dma_wait3A_152 : memref<1x128xi32, #tpu.memory_space<vmem>> -> memref<128xi32, #tpu.memory_space<vmem>>
        %dma_wait3A_154 = arith.constant 0 : i32
        %dma_wait3A_155 = arith.constant 0 : i32
        %dma_wait3A_156 = tpu.memref_slice %arg10[%dma_wait3A_154, %dma_wait3A_155] : memref<10240x128xf32, #tpu.memory_space<vmem_shared>> -> memref<10240x128xf32, #tpu.memory_space<vmem_shared>>
        tpu.wait_indirect_dma semaphore(%arg13 : memref<!tpu.dma_semaphore, #tpu.memory_space<semaphore_mem>>) src(%arg8 : memref<128x128xf32, #tpu.memory_space<vmem>>) dst(%dma_wait3A_156 : memref<10240x128xf32, #tpu.memory_space<vmem_shared>>)
        %dma_start3A_157 = arith.constant 0 : i32
        %dma_start3A_158 = tpu.memref_slice %arg6[%add3A_123, %dma_start3A_157] : memref<40x128xi32, #tpu.memory_space<vmem>> -> memref<1x128xi32, #tpu.memory_space<vmem>>
        %dma_start3A_159 = tpu.memref_squeeze %dma_start3A_158 : memref<1x128xi32, #tpu.memory_space<vmem>> -> memref<128xi32, #tpu.memory_space<vmem>>
        %dma_start3A_160 = arith.constant 0 : i32
        %dma_start3A_161 = arith.constant 0 : i32
        %dma_start3A_162 = tpu.memref_slice %arg2[%dma_start3A_160, %dma_start3A_161] : memref<10240x128xf32, #tpu.memory_space<hbm>> -> memref<10240x128xf32, #tpu.memory_space<hbm>>
        tpu.enqueue_indirect_dma source(%dma_start3A_162 : memref<10240x128xf32, #tpu.memory_space<hbm>>) target(%arg8 : memref<128x128xf32, #tpu.memory_space<vmem>>) offsets(%dma_start3A_159 : memref<128xi32, #tpu.memory_space<vmem>>) semaphore(%arg11 : memref<!tpu.dma_semaphore, #tpu.memory_space<semaphore_mem>>)
      } else {
      }
      %mul3A_126 = arith.constant 2 : i32
      %mul3A_127 = arith.muli %mul3A_126, %scan3A_103 : i32
      %add3A_128 = arith.constant 1 : i32
      %add3A_129 = arith.addi %mul3A_127, %add3A_128 : i32
      %dma_wait3A_130 = arith.constant 0 : i32
      %dma_wait3A_131 = arith.constant 0 : i32
      %dma_wait3A_132 = tpu.memref_slice %arg6[%dma_wait3A_130, %dma_wait3A_131] : memref<40x128xi32, #tpu.memory_space<vmem>> -> memref<1x128xi32, #tpu.memory_space<vmem>>
      %dma_wait3A_133 = tpu.memref_squeeze %dma_wait3A_132 : memref<1x128xi32, #tpu.memory_space<vmem>> -> memref<128xi32, #tpu.memory_space<vmem>>
      %dma_wait3A_134 = arith.constant 0 : i32
      %dma_wait3A_135 = arith.constant 0 : i32
      %dma_wait3A_136 = tpu.memref_slice %arg2[%dma_wait3A_134, %dma_wait3A_135] : memref<10240x128xf32, #tpu.memory_space<hbm>> -> memref<10240x128xf32, #tpu.memory_space<hbm>>
      tpu.wait_indirect_dma semaphore(%arg12 : memref<!tpu.dma_semaphore, #tpu.memory_space<semaphore_mem>>) src(%dma_wait3A_136 : memref<10240x128xf32, #tpu.memory_space<hbm>>) dst(%arg9 : memref<128x128xf32, #tpu.memory_space<vmem>>)
      %dma_start3A_137 = arith.constant 0 : i32
      %dma_start3A_138 = tpu.memref_slice %arg7[%add3A_129, %dma_start3A_137] : memref<40x128xi32, #tpu.memory_space<vmem>> -> memref<1x128xi32, #tpu.memory_space<vmem>>
      %dma_start3A_139 = tpu.memref_squeeze %dma_start3A_138 : memref<1x128xi32, #tpu.memory_space<vmem>> -> memref<128xi32, #tpu.memory_space<vmem>>
      %dma_start3A_140 = arith.constant 0 : i32
      %dma_start3A_141 = arith.constant 0 : i32
      %dma_start3A_142 = tpu.memref_slice %arg10[%dma_start3A_140, %dma_start3A_141] : memref<10240x128xf32, #tpu.memory_space<vmem_shared>> -> memref<10240x128xf32, #tpu.memory_space<vmem_shared>>
      tpu.enqueue_indirect_dma source(%arg9 : memref<128x128xf32, #tpu.memory_space<vmem>>) target(%dma_start3A_142 : memref<10240x128xf32, #tpu.memory_space<vmem_shared>>) offsets(%dma_start3A_139 : memref<128xi32, #tpu.memory_space<vmem>>) semaphore(%arg14 : memref<!tpu.dma_semaphore, #tpu.memory_space<semaphore_mem>>) {add = true}
      %add3A_143 = arith.constant 2 : i32
      %add3A_144 = arith.addi %add3A_129, %add3A_143 : i32
      %lt3A_145 = arith.constant 40 : i32
      %lt3A_146 = arith.cmpi slt, %add3A_144, %lt3A_145 : i32
      %convert_element_type3A_147 = arith.extui %lt3A_146 : i1 to i32
      %cond3A_148 = arith.constant 0 : i32
      %cond3A_149 = arith.cmpi ne, %convert_element_type3A_147, %cond3A_148 : i32
      scf.if %cond3A_149 {
        %dma_wait3A_151 = arith.constant 0 : i32
        %dma_wait3A_152 = tpu.memref_slice %arg7[%add3A_129, %dma_wait3A_151] : memref<40x128xi32, #tpu.memory_space<vmem>> -> memref<1x128xi32, #tpu.memory_space<vmem>>
        %dma_wait3A_153 = tpu.memref_squeeze %dma_wait3A_152 : memref<1x128xi32, #tpu.memory_space<vmem>> -> memref<128xi32, #tpu.memory_space<vmem>>
        %dma_wait3A_154 = arith.constant 0 : i32
        %dma_wait3A_155 = arith.constant 0 : i32
        %dma_wait3A_156 = tpu.memref_slice %arg10[%dma_wait3A_154, %dma_wait3A_155] : memref<10240x128xf32, #tpu.memory_space<vmem_shared>> -> memref<10240x128xf32, #tpu.memory_space<vmem_shared>>
        tpu.wait_indirect_dma semaphore(%arg14 : memref<!tpu.dma_semaphore, #tpu.memory_space<semaphore_mem>>) src(%arg9 : memref<128x128xf32, #tpu.memory_space<vmem>>) dst(%dma_wait3A_156 : memref<10240x128xf32, #tpu.memory_space<vmem_shared>>)
        %dma_start3A_157 = arith.constant 0 : i32
        %dma_start3A_158 = tpu.memref_slice %arg6[%add3A_144, %dma_start3A_157] : memref<40x128xi32, #tpu.memory_space<vmem>> -> memref<1x128xi32, #tpu.memory_space<vmem>>
        %dma_start3A_159 = tpu.memref_squeeze %dma_start3A_158 : memref<1x128xi32, #tpu.memory_space<vmem>> -> memref<128xi32, #tpu.memory_space<vmem>>
        %dma_start3A_160 = arith.constant 0 : i32
        %dma_start3A_161 = arith.constant 0 : i32
        %dma_start3A_162 = tpu.memref_slice %arg2[%dma_start3A_160, %dma_start3A_161] : memref<10240x128xf32, #tpu.memory_space<hbm>> -> memref<10240x128xf32, #tpu.memory_space<hbm>>
        tpu.enqueue_indirect_dma source(%dma_start3A_162 : memref<10240x128xf32, #tpu.memory_space<hbm>>) target(%arg9 : memref<128x128xf32, #tpu.memory_space<vmem>>) offsets(%dma_start3A_159 : memref<128xi32, #tpu.memory_space<vmem>>) semaphore(%arg12 : memref<!tpu.dma_semaphore, #tpu.memory_space<semaphore_mem>>)
      } else {
      }
      %scan3A_150 = arith.constant 0 : i32
      scf.yield %scan3A_150 : i32
    }
    %scan3A_83 = arith.constant 20 : i32
    %dma_wait3A_84 = arith.constant 0 : i32
    %dma_wait3A_85 = arith.constant 0 : i32
    %dma_wait3A_86 = tpu.memref_slice %arg7[%dma_wait3A_84, %dma_wait3A_85] : memref<40x128xi32, #tpu.memory_space<vmem>> -> memref<1x128xi32, #tpu.memory_space<vmem>>
    %dma_wait3A_87 = tpu.memref_squeeze %dma_wait3A_86 : memref<1x128xi32, #tpu.memory_space<vmem>> -> memref<128xi32, #tpu.memory_space<vmem>>
    %dma_wait3A_88 = arith.constant 0 : i32
    %dma_wait3A_89 = arith.constant 0 : i32
    %dma_wait3A_90 = tpu.memref_slice %arg10[%dma_wait3A_88, %dma_wait3A_89] : memref<10240x128xf32, #tpu.memory_space<vmem_shared>> -> memref<10240x128xf32, #tpu.memory_space<vmem_shared>>
    tpu.wait_indirect_dma semaphore(%arg13 : memref<!tpu.dma_semaphore, #tpu.memory_space<semaphore_mem>>) src(%arg8 : memref<128x128xf32, #tpu.memory_space<vmem>>) dst(%dma_wait3A_90 : memref<10240x128xf32, #tpu.memory_space<vmem_shared>>)
    %dma_wait3A_91 = arith.constant 0 : i32
    %dma_wait3A_92 = arith.constant 0 : i32
    %dma_wait3A_93 = tpu.memref_slice %arg7[%dma_wait3A_91, %dma_wait3A_92] : memref<40x128xi32, #tpu.memory_space<vmem>> -> memref<1x128xi32, #tpu.memory_space<vmem>>
    %dma_wait3A_94 = tpu.memref_squeeze %dma_wait3A_93 : memref<1x128xi32, #tpu.memory_space<vmem>> -> memref<128xi32, #tpu.memory_space<vmem>>
    %dma_wait3A_95 = arith.constant 0 : i32
    %dma_wait3A_96 = arith.constant 0 : i32
    %dma_wait3A_97 = tpu.memref_slice %arg10[%dma_wait3A_95, %dma_wait3A_96] : memref<10240x128xf32, #tpu.memory_space<vmem_shared>> -> memref<10240x128xf32, #tpu.memory_space<vmem_shared>>
    tpu.wait_indirect_dma semaphore(%arg14 : memref<!tpu.dma_semaphore, #tpu.memory_space<semaphore_mem>>) src(%arg9 : memref<128x128xf32, #tpu.memory_space<vmem>>) dst(%dma_wait3A_97 : memref<10240x128xf32, #tpu.memory_space<vmem_shared>>)
    %barrier3A_98 = arith.constant 0 : index
    tpu.barrier barrier_id(%barrier3A_98)
    %mul3A_99 = arith.constant 640 : i32
    %mul3A_100 = arith.muli %arg1, %mul3A_99 : i32
    %mul3A_101 = arith.constant 640 : i32
    %mul3A_102 = arith.muli %arg1, %mul3A_101 : i32
    "tpu.region"() ({
      %run_scoped3A = tpu.sem_alloc : memref<!tpu.dma_semaphore, #tpu.memory_space<semaphore_mem>>
      %dma_start3A_103 = arith.constant 0 : i32
      %dma_start3A_104 = tpu.memref_slice %arg5[%arg0, %mul3A_102, %dma_start3A_103] : memref<2x10240x128xf32, #tpu.memory_space<hbm>> -> memref<1x640x128xf32, #tpu.memory_space<hbm>>
      %dma_start3A_105 = tpu.memref_squeeze %dma_start3A_104 : memref<1x640x128xf32, #tpu.memory_space<hbm>> -> memref<640x128xf32, #tpu.memory_space<hbm>>
      %dma_start3A_106 = arith.constant 0 : i32
      %dma_start3A_107 = tpu.memref_slice %arg10[%mul3A_100, %dma_start3A_106] : memref<10240x128xf32, #tpu.memory_space<vmem_shared>> -> memref<640x128xf32, #tpu.memory_space<vmem_shared>>
      tpu.enqueue_dma source(%dma_start3A_107 : memref<640x128xf32, #tpu.memory_space<vmem_shared>>) target(%dma_start3A_105 : memref<640x128xf32, #tpu.memory_space<hbm>>) target_semaphore(%run_scoped3A : memref<!tpu.dma_semaphore, #tpu.memory_space<semaphore_mem>>)
      %dma_wait3A_108 = arith.constant 0 : i32
      %dma_wait3A_109 = tpu.memref_slice %arg5[%arg0, %mul3A_102, %dma_wait3A_108] : memref<2x10240x128xf32, #tpu.memory_space<hbm>> -> memref<1x640x128xf32, #tpu.memory_space<hbm>>
      %dma_wait3A_110 = tpu.memref_squeeze %dma_wait3A_109 : memref<1x640x128xf32, #tpu.memory_space<hbm>> -> memref<640x128xf32, #tpu.memory_space<hbm>>
      %dma_wait3A_111 = arith.constant 0 : i32
      %dma_wait3A_112 = tpu.memref_slice %arg10[%mul3A_100, %dma_wait3A_111] : memref<10240x128xf32, #tpu.memory_space<vmem_shared>> -> memref<640x128xf32, #tpu.memory_space<vmem_shared>>
      tpu.wait_dma2 semaphore(%run_scoped3A : memref<!tpu.dma_semaphore, #tpu.memory_space<semaphore_mem>>) src(%dma_wait3A_112 : memref<640x128xf32, #tpu.memory_space<vmem_shared>>) dst(%dma_wait3A_110 : memref<640x128xf32, #tpu.memory_space<hbm>>)
      tpu.yield
    }) : () -> ()
    return
  }
}

module attributes {stable_mosaic.version = 14 : i64} {
  func.func @_k1_body(%arg0: i32, %arg1: memref<2x2048x128xf32, #tpu.memory_space<vmem>>, %arg2: memref<2048x128xf32, #tpu.memory_space<vmem>>, %arg3: memref<128x128xf32, #tpu.memory_space<vmem>>, %arg4: memref<2048x128xf32, #tpu.memory_space<vmem>>, %arg5: memref<2048x1xf32, #tpu.memory_space<vmem>>) attributes {dimension_semantics = [#tpu.dimension_semantics<arbitrary>], iteration_bounds = array<i64: 5>, scalar_prefetch = 0 : i64, scratch_operands = 0 : i64, tpu.core_type = #tpu.core_type<tc>, window_params = [{transform_indices = @transform_0, window_bounds = array<i64: 2, 2048, 128>}, {transform_indices = @transform_1, window_bounds = array<i64: 2048, 128>}, {pipeline_mode = #tpu.pipeline_mode<synchronous>, transform_indices = @transform_2, window_bounds = array<i64: 128, 128>}, {transform_indices = @transform_3, window_bounds = array<i64: 2048, 128>}, {transform_indices = @transform_4, window_bounds = array<i64: 2048, 1>}]} {
    %get3A = arith.constant 0 : index
    %get3A_0 = arith.constant 0 : index
    %get3A_1 = arith.constant 0 : index
    %get3A_2 = vector.load %arg1[%get3A, %get3A_0, %get3A_1] : memref<2x2048x128xf32, #tpu.memory_space<vmem>>, vector<1x2048x1xf32>
    %get3A_3 = vector.shape_cast %get3A_2 : vector<1x2048x1xf32> to vector<2048x1xf32>
    %get3A_4 = arith.constant 1 : index
    %get3A_5 = arith.constant 0 : index
    %get3A_6 = arith.constant 0 : index
    %get3A_7 = vector.load %arg1[%get3A_4, %get3A_5, %get3A_6] : memref<2x2048x128xf32, #tpu.memory_space<vmem>>, vector<1x2048x1xf32>
    %get3A_8 = vector.shape_cast %get3A_7 : vector<1x2048x1xf32> to vector<2048x1xf32>
    %add3A = arith.addf %get3A_3, %get3A_8 : vector<2048x1xf32>
    %add3A_9 = arith.constant 1.000000e+00 : f32
    %add3A_10 = vector.broadcast %add3A_9 : f32 to vector<2048x1xf32>
    %add3A_11 = arith.addf %add3A, %add3A_10 : vector<2048x1xf32>
    %rsqrt3A = math.rsqrt %add3A_11 : vector<2048x1xf32>
    %get3A_12 = arith.constant 0 : index
    %get3A_13 = arith.constant 0 : index
    %get3A_14 = vector.load %arg2[%get3A_12, %get3A_13] : memref<2048x128xf32, #tpu.memory_space<vmem>>, vector<2048x128xf32>
    %get3A_15 = arith.constant 0 : index
    %get3A_16 = arith.constant 0 : index
    %get3A_17 = vector.load %arg3[%get3A_15, %get3A_16] : memref<128x128xf32, #tpu.memory_space<vmem>>, vector<128x128xf32>
    %dot_general3A = arith.constant dense<0.000000e+00> : vector<2048x128xf32>
    %dot_general3A_18 = tpu.matmul %get3A_14, %get3A_17, %dot_general3A {dimension_numbers = #tpu.dot_dimension_numbers<[1], [0], [0], [1], [0, 0, 1, 1], [], []>, transpose_lhs_hint = false} : vector<2048x128xf32>, vector<128x128xf32>, vector<2048x128xf32> -> vector<2048x128xf32>
    %mul3A = vector.broadcast %rsqrt3A : vector<2048x1xf32> to vector<2048x128xf32>
    %mul3A_19 = arith.mulf %dot_general3A_18, %mul3A : vector<2048x128xf32>
    %swap3A = arith.constant 0 : index
    %swap3A_20 = arith.constant 0 : index
    %swap3A_21 = vector.load %arg4[%swap3A, %swap3A_20] : memref<2048x128xf32, #tpu.memory_space<vmem>>, vector<2048x128xf32>
    tpu.vector_store %arg4[%swap3A, %swap3A_20], %mul3A_19 {strides = array<i32>} : memref<2048x128xf32, #tpu.memory_space<vmem>>, vector<2048x128xf32>,
    %swap3A_22 = arith.constant 0 : index
    %swap3A_23 = arith.constant 0 : index
    %swap3A_24 = vector.load %arg5[%swap3A_22, %swap3A_23] : memref<2048x1xf32, #tpu.memory_space<vmem>>, vector<2048x1xf32>
    tpu.vector_store %arg5[%swap3A_22, %swap3A_23], %rsqrt3A {strides = array<i32>} : memref<2048x1xf32, #tpu.memory_space<vmem>>, vector<2048x1xf32>,
    return
  }
  func.func @transform_0(%arg0: i32) -> (i32, i32, i32) {
    %c0_i32 = arith.constant 0 : i32
    %c0_i32_0 = arith.constant 0 : i32
    %c0_i32_1 = arith.constant 0 : i32
    return %c0_i32, %arg0, %c0_i32_0 : i32, i32, i32
  }
  func.func @transform_1(%arg0: i32) -> (i32, i32) {
    %c0_i32 = arith.constant 0 : i32
    %c0_i32_0 = arith.constant 0 : i32
    return %arg0, %c0_i32 : i32, i32
  }
  func.func @transform_2(%arg0: i32) -> (i32, i32) {
    %c0_i32 = arith.constant 0 : i32
    %c0_i32_0 = arith.constant 0 : i32
    %c0_i32_1 = arith.constant 0 : i32
    return %c0_i32, %c0_i32_0 : i32, i32
  }
  func.func @transform_3(%arg0: i32) -> (i32, i32) {
    %c0_i32 = arith.constant 0 : i32
    %c0_i32_0 = arith.constant 0 : i32
    return %arg0, %c0_i32 : i32, i32
  }
  func.func @transform_4(%arg0: i32) -> (i32, i32) {
    %c0_i32 = arith.constant 0 : i32
    %c0_i32_0 = arith.constant 0 : i32
    return %arg0, %c0_i32 : i32, i32
  }
}

module attributes {stable_mosaic.version = 14 : i64} {
  func.func @_k2_body(%arg0: i32, %arg1: memref<2x2048x128xf32, #tpu.memory_space<vmem>>, %arg2: memref<2048x128xf32, #tpu.memory_space<vmem>>, %arg3: memref<2048x1xf32, #tpu.memory_space<vmem>>, %arg4: memref<1x128xf32, #tpu.memory_space<vmem>>, %arg5: memref<128x128xf32, #tpu.memory_space<vmem>>, %arg6: memref<2048x128xf32, #tpu.memory_space<vmem>>) attributes {dimension_semantics = [#tpu.dimension_semantics<arbitrary>], iteration_bounds = array<i64: 5>, scalar_prefetch = 0 : i64, scratch_operands = 0 : i64, tpu.core_type = #tpu.core_type<tc>, window_params = [{transform_indices = @transform_0, window_bounds = array<i64: 2, 2048, 128>}, {transform_indices = @transform_1, window_bounds = array<i64: 2048, 128>}, {transform_indices = @transform_2, window_bounds = array<i64: 2048, 1>}, {pipeline_mode = #tpu.pipeline_mode<synchronous>, transform_indices = @transform_3, window_bounds = array<i64: 1, 128>}, {pipeline_mode = #tpu.pipeline_mode<synchronous>, transform_indices = @transform_4, window_bounds = array<i64: 128, 128>}, {transform_indices = @transform_5, window_bounds = array<i64: 2048, 128>}]} {
    %get3A = arith.constant 0 : index
    %get3A_0 = arith.constant 0 : index
    %get3A_1 = vector.load %arg3[%get3A, %get3A_0] : memref<2048x1xf32, #tpu.memory_space<vmem>>, vector<2048x1xf32>
    %get3A_2 = arith.constant 0 : index
    %get3A_3 = arith.constant 0 : index
    %get3A_4 = arith.constant 0 : index
    %get3A_5 = vector.load %arg1[%get3A_2, %get3A_3, %get3A_4] : memref<2x2048x128xf32, #tpu.memory_space<vmem>>, vector<1x2048x128xf32>
    %get3A_6 = vector.shape_cast %get3A_5 : vector<1x2048x128xf32> to vector<2048x128xf32>
    %get3A_7 = arith.constant 1 : index
    %get3A_8 = arith.constant 0 : index
    %get3A_9 = arith.constant 0 : index
    %get3A_10 = vector.load %arg1[%get3A_7, %get3A_8, %get3A_9] : memref<2x2048x128xf32, #tpu.memory_space<vmem>>, vector<1x2048x128xf32>
    %get3A_11 = vector.shape_cast %get3A_10 : vector<1x2048x128xf32> to vector<2048x128xf32>
    %add3A = arith.addf %get3A_6, %get3A_11 : vector<2048x128xf32>
    %get3A_12 = arith.constant 0 : index
    %get3A_13 = arith.constant 0 : index
    %get3A_14 = vector.load %arg2[%get3A_12, %get3A_13] : memref<2048x128xf32, #tpu.memory_space<vmem>>, vector<2048x128xf32>
    %add3A_15 = arith.addf %add3A, %get3A_14 : vector<2048x128xf32>
    %mul3A = vector.broadcast %get3A_1 : vector<2048x1xf32> to vector<2048x128xf32>
    %mul3A_16 = arith.mulf %add3A_15, %mul3A : vector<2048x128xf32>
    %get3A_17 = arith.constant 0 : index
    %get3A_18 = arith.constant 0 : index
    %get3A_19 = vector.load %arg4[%get3A_17, %get3A_18] : memref<1x128xf32, #tpu.memory_space<vmem>>, vector<1x128xf32>
    %add3A_20 = vector.broadcast %get3A_19 : vector<1x128xf32> to vector<2048x128xf32>
    %add3A_21 = arith.addf %mul3A_16, %add3A_20 : vector<2048x128xf32>
    %max3A = arith.constant 0.000000e+00 : f32
    %max3A_22 = vector.broadcast %max3A : f32 to vector<2048x128xf32>
    %max3A_23 = arith.maximumf %add3A_21, %max3A_22 : vector<2048x128xf32>
    %get3A_24 = arith.constant 0 : index
    %get3A_25 = arith.constant 0 : index
    %get3A_26 = vector.load %arg5[%get3A_24, %get3A_25] : memref<128x128xf32, #tpu.memory_space<vmem>>, vector<128x128xf32>
    %dot_general3A = arith.constant dense<0.000000e+00> : vector<2048x128xf32>
    %dot_general3A_27 = tpu.matmul %max3A_23, %get3A_26, %dot_general3A {dimension_numbers = #tpu.dot_dimension_numbers<[1], [0], [0], [1], [0, 0, 1, 1], [], []>, transpose_lhs_hint = false} : vector<2048x128xf32>, vector<128x128xf32>, vector<2048x128xf32> -> vector<2048x128xf32>
    %mul3A_28 = vector.broadcast %get3A_1 : vector<2048x1xf32> to vector<2048x128xf32>
    %mul3A_29 = arith.mulf %dot_general3A_27, %mul3A_28 : vector<2048x128xf32>
    %swap3A = arith.constant 0 : index
    %swap3A_30 = arith.constant 0 : index
    %swap3A_31 = vector.load %arg6[%swap3A, %swap3A_30] : memref<2048x128xf32, #tpu.memory_space<vmem>>, vector<2048x128xf32>
    tpu.vector_store %arg6[%swap3A, %swap3A_30], %mul3A_29 {strides = array<i32>} : memref<2048x128xf32, #tpu.memory_space<vmem>>, vector<2048x128xf32>,
    return
  }
  func.func @transform_0(%arg0: i32) -> (i32, i32, i32) {
    %c0_i32 = arith.constant 0 : i32
    %c0_i32_0 = arith.constant 0 : i32
    %c0_i32_1 = arith.constant 0 : i32
    return %c0_i32, %arg0, %c0_i32_0 : i32, i32, i32
  }
  func.func @transform_1(%arg0: i32) -> (i32, i32) {
    %c0_i32 = arith.constant 0 : i32
    %c0_i32_0 = arith.constant 0 : i32
    return %arg0, %c0_i32 : i32, i32
  }
  func.func @transform_2(%arg0: i32) -> (i32, i32) {
    %c0_i32 = arith.constant 0 : i32
    %c0_i32_0 = arith.constant 0 : i32
    return %arg0, %c0_i32 : i32, i32
  }
  func.func @transform_3(%arg0: i32) -> (i32, i32) {
    %c0_i32 = arith.constant 0 : i32
    %c0_i32_0 = arith.constant 0 : i32
    %c0_i32_1 = arith.constant 0 : i32
    return %c0_i32, %c0_i32_0 : i32, i32
  }
  func.func @transform_4(%arg0: i32) -> (i32, i32) {
    %c0_i32 = arith.constant 0 : i32
    %c0_i32_0 = arith.constant 0 : i32
    %c0_i32_1 = arith.constant 0 : i32
    return %c0_i32, %c0_i32_0 : i32, i32
  }
  func.func @transform_5(%arg0: i32) -> (i32, i32) {
    %c0_i32 = arith.constant 0 : i32
    %c0_i32_0 = arith.constant 0 : i32
    return %arg0, %c0_i32 : i32, i32
  }
}

module attributes {stable_mosaic.version = 14 : i64} {
  func.func @_k3_body(%arg0: i32, %arg1: memref<2x2048x128xf32, #tpu.memory_space<vmem>>, %arg2: memref<2048x128xf32, #tpu.memory_space<vmem>>, %arg3: memref<2048x1xf32, #tpu.memory_space<vmem>>, %arg4: memref<1x128xf32, #tpu.memory_space<vmem>>, %arg5: memref<128x128xf32, #tpu.memory_space<vmem>>, %arg6: memref<1x128xf32, #tpu.memory_space<vmem>>, %arg7: memref<2048x8xf32, #tpu.memory_space<vmem>>) attributes {dimension_semantics = [#tpu.dimension_semantics<arbitrary>], iteration_bounds = array<i64: 5>, scalar_prefetch = 0 : i64, scratch_operands = 0 : i64, tpu.core_type = #tpu.core_type<tc>, window_params = [{transform_indices = @transform_0, window_bounds = array<i64: 2, 2048, 128>}, {transform_indices = @transform_1, window_bounds = array<i64: 2048, 128>}, {transform_indices = @transform_2, window_bounds = array<i64: 2048, 1>}, {pipeline_mode = #tpu.pipeline_mode<synchronous>, transform_indices = @transform_3, window_bounds = array<i64: 1, 128>}, {pipeline_mode = #tpu.pipeline_mode<synchronous>, transform_indices = @transform_4, window_bounds = array<i64: 128, 128>}, {pipeline_mode = #tpu.pipeline_mode<synchronous>, transform_indices = @transform_5, window_bounds = array<i64: 1, 128>}, {transform_indices = @transform_6, window_bounds = array<i64: 2048, 8>}]} {
    %get3A = arith.constant 0 : index
    %get3A_0 = arith.constant 0 : index
    %get3A_1 = vector.load %arg3[%get3A, %get3A_0] : memref<2048x1xf32, #tpu.memory_space<vmem>>, vector<2048x1xf32>
    %get3A_2 = arith.constant 0 : index
    %get3A_3 = arith.constant 0 : index
    %get3A_4 = arith.constant 0 : index
    %get3A_5 = vector.load %arg1[%get3A_2, %get3A_3, %get3A_4] : memref<2x2048x128xf32, #tpu.memory_space<vmem>>, vector<1x2048x128xf32>
    %get3A_6 = vector.shape_cast %get3A_5 : vector<1x2048x128xf32> to vector<2048x128xf32>
    %get3A_7 = arith.constant 1 : index
    %get3A_8 = arith.constant 0 : index
    %get3A_9 = arith.constant 0 : index
    %get3A_10 = vector.load %arg1[%get3A_7, %get3A_8, %get3A_9] : memref<2x2048x128xf32, #tpu.memory_space<vmem>>, vector<1x2048x128xf32>
    %get3A_11 = vector.shape_cast %get3A_10 : vector<1x2048x128xf32> to vector<2048x128xf32>
    %add3A = arith.addf %get3A_6, %get3A_11 : vector<2048x128xf32>
    %get3A_12 = arith.constant 0 : index
    %get3A_13 = arith.constant 0 : index
    %get3A_14 = vector.load %arg2[%get3A_12, %get3A_13] : memref<2048x128xf32, #tpu.memory_space<vmem>>, vector<2048x128xf32>
    %add3A_15 = arith.addf %add3A, %get3A_14 : vector<2048x128xf32>
    %mul3A = vector.broadcast %get3A_1 : vector<2048x1xf32> to vector<2048x128xf32>
    %mul3A_16 = arith.mulf %add3A_15, %mul3A : vector<2048x128xf32>
    %get3A_17 = arith.constant 0 : index
    %get3A_18 = arith.constant 0 : index
    %get3A_19 = vector.load %arg4[%get3A_17, %get3A_18] : memref<1x128xf32, #tpu.memory_space<vmem>>, vector<1x128xf32>
    %add3A_20 = vector.broadcast %get3A_19 : vector<1x128xf32> to vector<2048x128xf32>
    %add3A_21 = arith.addf %mul3A_16, %add3A_20 : vector<2048x128xf32>
    %max3A = arith.constant 0.000000e+00 : f32
    %max3A_22 = vector.broadcast %max3A : f32 to vector<2048x128xf32>
    %max3A_23 = arith.maximumf %add3A_21, %max3A_22 : vector<2048x128xf32>
    %get3A_24 = arith.constant 0 : index
    %get3A_25 = arith.constant 0 : index
    %get3A_26 = vector.load %arg5[%get3A_24, %get3A_25] : memref<128x128xf32, #tpu.memory_space<vmem>>, vector<128x128xf32>
    %dot_general3A = arith.constant dense<0.000000e+00> : vector<2048x128xf32>
    %dot_general3A_27 = tpu.matmul %max3A_23, %get3A_26, %dot_general3A {dimension_numbers = #tpu.dot_dimension_numbers<[1], [0], [0], [1], [0, 0, 1, 1], [], []>, transpose_lhs_hint = false} : vector<2048x128xf32>, vector<128x128xf32>, vector<2048x128xf32> -> vector<2048x128xf32>
    %get3A_28 = arith.constant 0 : index
    %get3A_29 = arith.constant 0 : index
    %get3A_30 = vector.load %arg6[%get3A_28, %get3A_29] : memref<1x128xf32, #tpu.memory_space<vmem>>, vector<1x128xf32>
    %add3A_31 = vector.broadcast %get3A_30 : vector<1x128xf32> to vector<2048x128xf32>
    %add3A_32 = arith.addf %dot_general3A_27, %add3A_31 : vector<2048x128xf32>
    %reduce_max3A = arith.constant dense<0xFF800000> : vector<2048xf32>
    %reduce_max3A_33 = vector.multi_reduction <maximumf>, %add3A_32, %reduce_max3A [1] : vector<2048x128xf32> to vector<2048xf32>
    %broadcast_in_dim3A = vector.shape_cast %reduce_max3A_33 : vector<2048xf32> to vector<2048x1xf32>
    %sub3A = vector.broadcast %broadcast_in_dim3A : vector<2048x1xf32> to vector<2048x128xf32>
    %sub3A_34 = arith.subf %add3A_32, %sub3A : vector<2048x128xf32>
    %exp3A = math.exp %sub3A_34 : vector<2048x128xf32>
    %reduce_sum3A = arith.constant dense<0.000000e+00> : vector<2048xf32>
    %reduce_sum3A_35 = vector.multi_reduction <add>, %exp3A, %reduce_sum3A [1] : vector<2048x128xf32> to vector<2048xf32>
    %broadcast_in_dim3A_36 = vector.shape_cast %reduce_sum3A_35 : vector<2048xf32> to vector<2048x1xf32>
    %div3A = vector.broadcast %broadcast_in_dim3A_36 : vector<2048x1xf32> to vector<2048x128xf32>
    %div3A_37 = arith.divf %exp3A, %div3A : vector<2048x128xf32>
    %slice3A = vector.extract_strided_slice %div3A_37 {offsets = [0, 0], sizes = [2048, 8], strides = [1, 1]} : vector<2048x128xf32> to vector<2048x8xf32>
    %swap3A = arith.constant 0 : index
    %swap3A_38 = arith.constant 0 : index
    %swap3A_39 = vector.load %arg7[%swap3A, %swap3A_38] : memref<2048x8xf32, #tpu.memory_space<vmem>>, vector<2048x8xf32>
    tpu.vector_store %arg7[%swap3A, %swap3A_38], %slice3A {strides = array<i32>} : memref<2048x8xf32, #tpu.memory_space<vmem>>, vector<2048x8xf32>,
    return
  }
  func.func @transform_0(%arg0: i32) -> (i32, i32, i32) {
    %c0_i32 = arith.constant 0 : i32
    %c0_i32_0 = arith.constant 0 : i32
    %c0_i32_1 = arith.constant 0 : i32
    return %c0_i32, %arg0, %c0_i32_0 : i32, i32, i32
  }
  func.func @transform_1(%arg0: i32) -> (i32, i32) {
    %c0_i32 = arith.constant 0 : i32
    %c0_i32_0 = arith.constant 0 : i32
    return %arg0, %c0_i32 : i32, i32
  }
  func.func @transform_2(%arg0: i32) -> (i32, i32) {
    %c0_i32 = arith.constant 0 : i32
    %c0_i32_0 = arith.constant 0 : i32
    return %arg0, %c0_i32 : i32, i32
  }
  func.func @transform_3(%arg0: i32) -> (i32, i32) {
    %c0_i32 = arith.constant 0 : i32
    %c0_i32_0 = arith.constant 0 : i32
    %c0_i32_1 = arith.constant 0 : i32
    return %c0_i32, %c0_i32_0 : i32, i32
  }
  func.func @transform_4(%arg0: i32) -> (i32, i32) {
    %c0_i32 = arith.constant 0 : i32
    %c0_i32_0 = arith.constant 0 : i32
    %c0_i32_1 = arith.constant 0 : i32
    return %c0_i32, %c0_i32_0 : i32, i32
  }
  func.func @transform_5(%arg0: i32) -> (i32, i32) {
    %c0_i32 = arith.constant 0 : i32
    %c0_i32_0 = arith.constant 0 : i32
    %c0_i32_1 = arith.constant 0 : i32
    return %c0_i32, %c0_i32_0 : i32, i32
  }
  func.func @transform_6(%arg0: i32) -> (i32, i32) {
    %c0_i32 = arith.constant 0 : i32
    %c0_i32_0 = arith.constant 0 : i32
    return %arg0, %c0_i32 : i32, i32
  }
}

</mosaic_0001>

<sc_bundles>
// kernel: kernel.11.cloned.1.call-start
scs
__scs_entry_jumppad:
0x0: {  	(pc) =	sbr.rel $0x88, $3  }
0x1: {  	(tag) =	ssettag $0x0;
	lr =	simm.s32 $0x1  }
0x2: {  	[smem:$0x3F99] =	sst lr;
	_ =	strace $0xD0000000  }
0x3: {  	_ = 	snop  }
0x4: {  	_ = 	snop  }
0x5: {  	_ = 	snop  }
0x6: {  	_ = 	snop  }
0x7: {  	_ = 	snop  }
__scs_overlays_trampoline_lowered:
0x8: {  	[smem:$0x3FA8] =	sst s0  }
0x9: {  	[smem:$0x3FA9] =	sst s1  }
0xa: {  	[smem:$0x3FAA] =	sst s2  }
0xb: {  	[smem:$0x3FAB] =	sst s3  }
0xc: {  	[smem:$0x3FAC] =	sst s4  }
0xd: {  	[smem:$0x3FAD] =	sst s5  }
0xe: {  	[smem:$0x3FAE] =	sst s6  }
0xf: {  	[smem:$0x3FAF] =	sst s7  }
0x10: {  	[smem:$0x3FB0] =	sst s8  }
0x11: {  	[smem:$0x3FB1] =	sst s9;
	s0 =	simm.s32 @!p0 $0x0  }
0x12: {  	s1 =	sld [smem:$0x3F97];
	s0 =	simm.s32 @p0 $0x1  }
0x13: {  	[smem:$0x3FB2] =	sst s0;
	s0 =	simm.s32 @!p1 $0x0  }
0x14: {  	s2 =	sld [smem:$0x3F96];
	s0 =	simm.s32 @p1 $0x1  }
0x15: {  	[smem:$0x3FB3] =	sst s0;
	s0 =	simm.s32 @!p2 $0x0  }
0x16: {  	s3 =	sld [smem:$0x3FDB];
	s0 =	simm.s32 @p2 $0x1  }
0x17: {  	s4 =	simm.s32 $0x1BF5;
	[smem:$0x3FB5] =	sst s0  }
0x18: {  	s0 =	sld [smem:$0x3F98];
	_ =	swait.ge [sflag:s4], $0x0  }
0x19: {  	s7 =	sld [smem:$0x3F99]  }
0x1a: {  	s8 =	sadd.s32 $0xFFFFE003, lr  }
0x1b: {  	s9 =	sadd.s32 $0xFFFFFEF7, lr;
	s5 =	simm.s32 $0xFFFFFFFF;
	p2 =	slt.u32 s8, $0xFFFFF086  }
0x1c: {  	p1 =	slt.u32 s9, $0xF7A;
	s5 =	simm.s32 @!p2 $0x0  }
0x1d: {  	s5 =	simm.s32 @p1 $0x1;
	p0 =	seq.s32 s7, s2  }
0x1e: {  	s7 =	smul.u32 @!p0 $0xF7A, s2;
	p2 =	seq.s32 @!p0 s5, $0x0  }
0x1f: {  	s9 =	smul.u32 $0xF7A, s1;
	s8 =	simm.s32 @!p0 $0x1BF5;
	p2 =	por !p2, p0  }
0x20: {  	[sflag:s8] =	ssyncset.s32 @!p0 $0xFFFFF086;
	s6 =	sadd.s32 @!p0 s3, s7;
	s7 =	simm.s32 @!p0 $0x108  }
0x21: {  	s3 =	sadd.s32 s3, s9;
	s6 =	sadd.s32 @!p0 $0x88, s6;
	s7 =	simm.s32 @p2 $0x1082  }
0x22: {  	[simem:s7], [sflag:s8] =	dma.local @!p0 [hbm:s6], $0xF7A  }
0x23: {  	s9 =	sor.u32 $0xD0000000, s2;
	s6 =	simm.s32 $0x108;
	_ =	swait.ge @!p0 [sflag:s8], $0x0  }
0x24: {  	s3 =	sadd.s32 $0x88, s3;
	s6 =	simm.s32 @!p1 $0x1082;
	[sflag:s4] =	ssyncset.s32 $0xFFFFF086  }
0x25: {  	[simem:s6], [sflag:s4] =	dma.local [hbm:s3], $0xF7A  }
0x26: {  	[smem:$0x3F99] =	sst s1;
	(tag) =	ssettag s2;
	_ =	strace s9  }
0x27: {  	s1 =	sld [smem:$0x3FA9]  }
0x28: {  	s2 =	sld [smem:$0x3FAA]  }
0x29: {  	s4 =	sld [smem:$0x3FAC]  }
0x2a: {  	p0 =	seq.s32 s5, $0x0;
	s5 =	sld [smem:$0x3FAD]  }
0x2b: {  	s6 =	sld [smem:$0x3FAE]  }
0x2c: {  	s7 =	sld [smem:$0x3FAF]  }
0x2d: {  	s3 =	simm.s32 $0x108;
	s8 =	sld [smem:$0x3FB0]  }
0x2e: {  	s3 =	simm.s32 @!p0 $0x1082;
	s9 =	sld [smem:$0x3FB1]  }
0x2f: {  	lr =	sadd.s32 s0, s3;
	s0 =	sld [smem:$0x3FA8]  }
0x30: {  	s3 =	sld [smem:$0x3FAB]  }
0x31: {  	[smem:$0x3FB4] =	sst s10  }
0x32: {  	s10 =	sld [smem:$0x3FB2];
	_ =	sdelay $0x3  }
0x33: {  	p0 =	seq.s32 s10, $0x1;
	s10 =	sld [smem:$0x3FB4];
	_ =	sdelay $0x3  }
0x34: {  	[smem:$0x3FB4] =	sst s10  }
0x35: {  	s10 =	sld [smem:$0x3FB3];
	_ =	sdelay $0x3  }
0x36: {  	p1 =	seq.s32 s10, $0x1;
	s10 =	sld [smem:$0x3FB4];
	_ =	sdelay $0x3  }
0x37: {  	[smem:$0x3FB4] =	sst s10  }
0x38: {  	s10 =	sld [smem:$0x3FB5]  }
0x39: {  	_ = 	snop;
	(pc) =	sbr.ind lr, $3  }
0x3a: {  	_ = 	snop  }
0x3b: {  	_ = 	snop  }
0x3c: {  	p2 =	seq.s32 s10, $0x1;
	s10 =	sld [smem:$0x3FB4]  }
0x3d: {  	_ =	shalt  }
0x3e: {  	_ =	shalt  }
0x3f: {  	_ =	shalt  }
0x40: {  	_ =	shalt  }
0x41: {  	_ =	shalt  }
0x42: {  	_ =	shalt  }
0x43: {  	_ =	shalt  }
0x44: {  	_ =	shalt  }
0x45: {  	_ =	shalt  }
0x46: {  	_ =	shalt  }
0x47: {  	_ =	shalt  }
0x48: {  	_ =	shalt  }
0x49: {  	_ =	shalt  }
0x4a: {  	_ =	shalt  }
0x4b: {  	_ =	shalt  }
0x4c: {  	_ =	shalt  }
0x4d: {  	_ =	shalt  }
0x4e: {  	_ =	shalt  }
0x4f: {  	_ =	shalt  }
0x50: {  	_ =	shalt  }
0x51: {  	_ =	shalt  }
0x52: {  	_ =	shalt  }
0x53: {  	_ =	shalt  }
0x54: {  	_ =	shalt  }
0x55: {  	_ =	shalt  }
0x56: {  	_ =	shalt  }
0x57: {  	_ =	shalt  }
0x58: {  	_ =	shalt  }
0x59: {  	_ =	shalt  }
0x5a: {  	_ =	shalt  }
0x5b: {  	_ =	shalt  }
0x5c: {  	_ =	shalt  }
0x5d: {  	_ =	shalt  }
0x5e: {  	_ =	shalt  }
0x5f: {  	_ =	shalt  }
0x60: {  	_ =	shalt  }
0x61: {  	_ =	shalt  }
0x62: {  	_ =	shalt  }
0x63: {  	_ =	shalt  }
0x64: {  	_ =	shalt  }
0x65: {  	_ =	shalt  }
0x66: {  	_ =	shalt  }
0x67: {  	_ =	shalt  }
0x68: {  	_ =	shalt  }
0x69: {  	_ =	shalt  }
0x6a: {  	_ =	shalt  }
0x6b: {  	_ =	shalt  }
0x6c: {  	_ =	shalt  }
0x6d: {  	_ =	shalt  }
0x6e: {  	_ =	shalt  }
0x6f: {  	_ =	shalt  }
0x70: {  	_ =	shalt  }
0x71: {  	_ =	shalt  }
0x72: {  	_ =	shalt  }
0x73: {  	_ =	shalt  }
0x74: {  	_ =	shalt  }
0x75: {  	_ =	shalt  }
0x76: {  	_ =	shalt  }
0x77: {  	_ =	shalt  }
0x78: {  	_ =	shalt  }
0x79: {  	_ =	shalt  }
0x7a: {  	_ =	shalt  }
0x7b: {  	_ =	shalt  }
0x7c: {  	_ =	shalt  }
0x7d: {  	_ =	shalt  }
0x7e: {  	_ =	shalt  }
0x7f: {  	_ =	shalt  }
0x80: {  	_ =	shalt  }
0x81: {  	_ =	shalt  }
0x82: {  	_ =	shalt  }
0x83: {  	_ =	shalt  }
0x84: {  	_ =	shalt  }
0x85: {  	_ =	shalt  }
0x86: {  	_ =	shalt  }
0x87: {  	_ =	shalt  }
.Lfunc_end0:
.L_simem_size_0:
called_computation.1_lowered:
.L_overlay_start_0:
0x88: {  	s2 =	sld [smem:$0x3FD9]  }
0x89: {  	s3 =	sld [smem:$0x3FFE];
	_ =	sdelay $0x1  }
0x8a: {  	s1 =	srdreg.scid  }
0x8b: {  	s0 =	sand.u32 $0x1, s1  }
0x8c: {  	s16 =	sshll.u32 s0, $0xA;
	s2 =	sadd.s32 s3, s2  }
0x8d: {  	s2 =	sadd.s32 s2, s16  }
0x8e: {  	[smem:$0x3FC0] =	sst s2  }
0x8f: {  	_ = 	snop  }
0x90: {  	(tm) =	ssettm $0x1  }
0x91: {  	s17 =	sld [smem:$0x3FFB];
	_ =	sdelay $0x3  }
0x92: {  	_ =	strace s17  }
0x93: {  	s2 =	sld [smem:$0x3FFC];
	_ =	sdelay $0x3  }
0x94: {  	_ =	strace s2  }
0x95: {  	s2 =	sld [smem:$0x3FFD];
	_ =	sdelay $0x3  }
0x96: {  	_ =	strace s2  }
0x97: {  	_ =	strace $0x8FFFFFFF  }
0x98: {  	s18 =	sld [smem:$0x3FDB];
	_ =	sdelay $0x1  }
0x99: {  	s19 =	simm.s32 $_scs_section_size  }
0x9a: {  	s4 =	simm.s32 $_size__tile_overlayer_lowered;
	s5 =	simm.s32 $_tile_overlayer_lowered  }
0x9b: {  	s22 =	simm.s32 $0x1BFF;
	s21 =	sshll.u32 s5, $0x1;
	s2 =	sadd.s32 s19, s18  }
0x9c: {  	s6 =	simm.s32 $0x0;
	s20 =	sshll.u32 s4, $0x1;
	s4 =	sadd.s32 s21, s2  }
0x9d: {  	[timem:s6], [sflag:s22] =	dma.local [hbm:s4], s20  }
0x9e: {  	_ =	swait.ge [sflag:s22], s20  }
0x9f: {  	s3 =	ssub.s32 $0x0, s20;
	[sflag:s22] =	ssyncset.done $0x0  }
0xa0: {  	[sflag:s22] =	ssyncadd.s32 s3;
	_ =	sdelay $0x1  }
0xa1: {  	s23 =	simm.s32 $0x1B8B  }
0xa2: {  	_ =	swait.ge [sflag:s23], $0x1  }
0xa3: {  	[sflag:s23] =	ssyncset.done $0x0  }
0xa4: {  	s25 =	simm.s32 $0x1B8E;
	s24 =	sld [smem:$0x3FFE];
	[sflag:s23] =	ssyncadd.s32 $0xFFFFFFFF  }
0xa5: {  	s26 =	simm.s32 $execute0_lowered;
	[smem:$0x3FD2] =	sst s25  }
0xa6: {  	s4 =	sshll.u32 s26, $0x1;
	_ =	strace $0x80000049;
	[dreg:$0x1] =	wrdreg $0xFFFFFFFF  }
0xa7: {  	s28 =	simm.s32 $_size_execute0_lowered;
	s2 =	sadd.s32 s2, s4;
	[dreg:$0x0] =	wrdreg $0x0  }
0xa8: {  	s4 =	sshll.u32 s28, $0x1;
	[dreg:$0x2] =	wrdreg s2  }
0xa9: {  	[dreg:$0x3] =	wrdreg s4  }
0xaa: {  	[dreg:$0x4] =	wrdreg $0xC0  }
0xab: {  	_ =	task [dreg:s6], $0x5FFFF  }
0xac: {  	[dreg:$0x1] =	wrdreg $0xFFFFFFFF  }
0xad: {  	[dreg:$0x0] =	wrdreg $0x60  }
0xae: {  	[dreg:$0x2] =	wrdreg s24  }
0xaf: {  	[dreg:$0x3] =	wrdreg $0xA8000  }
0xb0: {  	[dreg:$0x4] =	wrdreg $0x9  }
0xb1: {  	_ =	task.clear_ibuf [dreg:s6], $0x5FFFF;
	_ =	strace $0x90000049  }
0xb2: {  	s29 =	simm.s32 $0x9;
	_ =	strace $0x8000004B  }
0xb3: {  	_ =	swait.ge [sflag:s29], $0x1  }
0xb4: {  	[sflag:s29] =	ssyncadd.s32 $0xFFFFFFFF  }
0xb5: {  	_ =	strace $0x9000004B  }
0xb6: {  	_ =	sfence  }
0xb7: {  	s30 =	sld [smem:$0x0];
	_ =	sdelay $0x2  }
0xb8: {  	s31 =	sshll.u32 s1, $0xD;
	s1 =	sshrl.u32 s1, $0x2  }
0xb9: {  	s3 =	sand.u32 $0x4000, s31;
	s1 =	sadd.s32 s1, s30  }
0xba: {  	s0 =	sor.u32 s3, s0;
	s1 =	sshll.u32 s1, $0x11  }
0xbb: {  	s0 =	sor.u32 s1, s0  }
0xbc: {  	s0 =	sadd.s32 $0x8F2B, s0  }
0xbd: {  	[sflag:s0] =	ssyncadd.remote.s32 $0x1  }
0xbe: {  	_ =	sfence.sel $0xFFFF  }
0xbf: {  	[dreg:$0x0] =	wrdreg $0xFFFFFFFF;
	(pc) =	sbr.abs _section_cstart, $3  }
0xc0: {  	[dreg:$0x1] =	wrdreg $0xFFFFFFFF  }
0xc1: {  	_ =	task.clear_ibuf [dreg:s6], $0x2FFFF;
	_ =	strace $0x9FFFFFFF  }
0xc2: {  	(tm) =	ssettm $0x7FFFFFFF  }
0xc3: {  	_ =	shalt  }
tec
execute0_lowered:
.L_overlay_start_1:
0x0: {  	(tag) =	ssettag $0x1  }
0x1: {  	s5 =	rddreg [dreg:$0x0]  }
0x2: {  	s1 =	rddreg [dreg:$0x1]  }
0x3: {  	s0 =	rddreg [dreg:$0x2];
	s3 =	simm.s32 $0x0;
	s2 =	srdreg.scid  }
0x4: {  	s16 =	simm.s32 $0x2800;
	s17 =	simm.s32 $0x5;
	s18 =	simm.s32 $0x1400  }
0x5: {  	s19 =	simm.s32 $0x80;
	s20 =	simm.s32 $0x6800;
	s21 =	simm.s32 $0x1  }
0x6: {  	s22 =	simm.s32 $0x3;
	s23 =	simm.s32 $0x2;
	s24 =	simm.s32 $0x4  }
0x7: {  	[smem:$0x7FF] =	sst s3;
	s6 =	sand.u32 $0x1, s2;
	s2 =	stileid.u32  }
0x8: {  	s4 =	sadd.s32 $0x3600, s5;
	s9 =	sadd.s32 $0x71600, s5;
	s7 =	smul.u32 $0x140000, s6  }
0x9: {  	s12 =	sadd.s32 $0x67600, s5;
	s8 =	smul.u32 $0x14000, s2;
	s10 =	sshll.u32 s6, $0x4  }
0xa: {  	s26 =	smul.u32 $0x50000, s2;
	s6 =	ssub.s32 $0x2, s6;
	s25 =	sor.u32 s2, s10  }
0xb: {  	_ =	strace $0x8000004A;
	s28 =	sshrl.u32 s6, $0x1;
	s11 =	smul.u32 $0x2800, s25  }
0xc: {  	s7 =	sadd.s32 s8, s7;
	s29 =	sshrl.u32 s26, $0x2;
	s8 =	smul.u32 $0x500, s25  }
0xd: {  	s31 =	ssub.s32 s6, s28;
	s25 =	simm.s32 $0x2700;
	s7 =	sshrl.u32 s7, $0x3  }
0xe: {  	s26 =	simm.s32 $0x2780;
	s13 =	sadd.s32 s7, s5;
	s30 =	sshrl.u32 s11, $0x3  }
0xf: {  	s5 =	sadd.s32 s29, s1;
	s6 =	sadd.s32 s9, s8;
	s7 =	sadd.s32 s12, s8  }
0x10: {  	s11 =	smax.u32 s31, $0x1;
	s10 =	sadd.s32 $0x280, s30;
	s14 =	sadd.s32 $0xC000, s5  }
0x11: {  	s15 =	sadd.s32 $0x10000, s5;
	s8 =	sadd.s32 s9, s10;
	s9 =	sadd.s32 s12, s10  }
0x12: {  	v0 =	vimm.f32 $0.0e+00;
	s10 =	sadd.s32 $0x7B600, s13;
	s12 =	sadd.s32 $0x4000, s5;
	s13 =	sadd.s32 $0x8000, s5  }
.LBB2_1:
0x13: {  	s28 =	simm.s32 $0x0;
	s29 =	simm.s32 $0x200  }
.LBB2_2:
0x14: {  	p0 =	sne.s32 s29, $0xFE00;
	[tilespmem:s28+$0x2870] =	vst v0  }
0x15: {  	[tilespmem:s28+$0x2800] =	vst v0  }
0x16: {  	[tilespmem:s28+$0x2810] =	vst v0  }
.Ltmp0:
0x17: {  	[tilespmem:s28+$0x2820] =	vst v0;
	(pc) =	sbr.rel @p0 .LBB2_2-.Ltmp0, $4  }
0x18: {  	[tilespmem:s28+$0x2830] =	vst v0  }
0x19: {  	[tilespmem:s28+$0x2840] =	vst v0  }
0x1a: {  	[tilespmem:s28+$0x2850] =	vst v0  }
0x1b: {  	[tilespmem:s28+$0x2860] =	vst v0;
	s28 =	sshra.s32 s29, $0x2;
	s29 =	sadd.s32 $0x200, s29  }
0x1c: {  	[tilespmem:s28+$0x2870] =	vst v0  }
0x1d: {  	[tilespmem:s28+$0x2800] =	vst v0  }
0x1e: {  	[tilespmem:s28+$0x2810] =	vst v0  }
0x1f: {  	[tilespmem:s28+$0x2820] =	vst v0  }
0x20: {  	[tilespmem:s28+$0x2830] =	vst v0  }
0x21: {  	[tilespmem:s28+$0x2840] =	vst v0  }
0x22: {  	[tilespmem:s28+$0x2850] =	vst v0  }
0x23: {  	[tilespmem:s28+$0x2860] =	vst v0  }
0x24: {  	[spmem:s5] =	stream.linear.scatter [tilespmem:s16], [sflag:$0x5], $0x4000, $0x38;
	[tilespmem:$0x1E800] =	vst v63  }
0x25: {  	_ =	swait.ge [sflag:s17], $0x4000  }
0x26: {  	[sflag:s17] =	ssyncset.done $0x0  }
0x27: {  	[sflag:s17] =	ssyncadd.s32 $0xFFFFC000  }
0x28: {  	[spmem:s12] =	stream.linear.scatter [tilespmem:s16], [sflag:$0x5], $0x4000, $0x38;
	[tilespmem:$0x1E800] =	vst v63  }
0x29: {  	_ =	swait.ge [sflag:s17], $0x4000  }
0x2a: {  	[sflag:s17] =	ssyncset.done $0x0  }
0x2b: {  	[sflag:s17] =	ssyncadd.s32 $0xFFFFC000  }
0x2c: {  	[spmem:s13] =	stream.linear.scatter [tilespmem:s16], [sflag:$0x5], $0x4000, $0x38;
	[tilespmem:$0x1E800] =	vst v63  }
0x2d: {  	_ =	swait.ge [sflag:s17], $0x4000  }
0x2e: {  	[sflag:s17] =	ssyncset.done $0x0  }
0x2f: {  	[sflag:s17] =	ssyncadd.s32 $0xFFFFC000  }
0x30: {  	[spmem:s14] =	stream.linear.scatter [tilespmem:s16], [sflag:$0x5], $0x4000, $0x38;
	[tilespmem:$0x1E800] =	vst v63  }
0x31: {  	_ =	swait.ge [sflag:s17], $0x4000  }
0x32: {  	[sflag:s17] =	ssyncset.done $0x0  }
0x33: {  	[sflag:s17] =	ssyncadd.s32 $0xFFFFC000  }
0x34: {  	[spmem:s15] =	stream.linear.scatter [tilespmem:s16], [sflag:$0x5], $0x4000, $0x38;
	[tilespmem:$0x1E800] =	vst v63  }
0x35: {  	_ =	swait.ge [sflag:s17], $0x4000  }
0x36: {  	[sflag:s17] =	ssyncset.done $0x0  }
0x37: {  	[sflag:s17] =	ssyncadd.s32 $0xFFFFC000  }
0x38: {  	s28 =	simm.s32 $0x0;
	[bflag:$0x0] =	sbarrier.arrive $0xFFFF  }
0x39: {  	[tilespmem:s28], [sflag:$0x5] =	stream.linear.gather [hbm4b:s6+s28], $0x1400, $0x38;
	[tilespmem:$0x1E800] =	vst v63  }
0x3a: {  	_ =	swait.ge [sflag:s17], $0x1400  }
0x3b: {  	[sflag:s17] =	ssyncset.done $0x0  }
0x3c: {  	[sflag:s17] =	ssyncadd.s32 $0xFFFFEC00  }
0x3d: {  	[tilespmem:s18], [sflag:$0x5] =	stream.linear.gather [hbm4b:s7+s28], $0x1400, $0x38;
	[tilespmem:$0x1E800] =	vst v63  }
0x3e: {  	_ =	swait.ge [sflag:s17], $0x1400  }
0x3f: {  	[sflag:s17] =	ssyncset.done $0x0  }
0x40: {  	[sflag:s17] =	ssyncadd.s32 $0xFFFFEC00  }
0x41: {  	[tilespmem:s16], [sflag:$0x1] =	stream.indirect.gather [hbm4b:s4+s19], $0x80, s28, s19, $0xb8;
	[tilespmem:$0x1E800] =	vst v63  }
0x42: {  	_ = 	snop  }
0x43: {  	[tilespmem:s20], [sflag:$0x2] =	stream.indirect.gather [hbm4b:s4+s19], $0x80, s19, s19, $0xb8;
	[tilespmem:$0x1E800] =	vst v63  }
0x44: {  	_ =	swait.ge [sflag:s21], $0x4000  }
0x45: {  	[sflag:s21] =	ssyncset.done $0x0  }
0x46: {  	s28 =	simm.s32 $0x1400;
	[sflag:s21] =	ssyncadd.s32 $0xFFFFC000  }
0x47: {  	[spmem:s1] =	stream.indirect.scatter.add.f32 [tilespmem:s16], [sflag:$0x3], $0x80, s28, s19, $0xb8;
	[tilespmem:$0x1E800] =	vst v63  }
0x48: {  	_ =	swait.ge [sflag:s22], $0x4000  }
0x49: {  	[sflag:s22] =	ssyncset.done $0x0  }
0x4a: {  	s28 =	simm.s32 $0x100;
	[sflag:s22] =	ssyncadd.s32 $0xFFFFC000  }
0x4b: {  	[tilespmem:s16], [sflag:$0x1] =	stream.indirect.gather [hbm4b:s4+s19], $0x80, s28, s19, $0xb8;
	[tilespmem:$0x1E800] =	vst v63  }
0x4c: {  	_ =	swait.ge [sflag:s23], $0x4000  }
0x4d: {  	[sflag:s23] =	ssyncset.done $0x0  }
0x4e: {  	s28 =	simm.s32 $0x1480;
	[sflag:s23] =	ssyncadd.s32 $0xFFFFC000  }
0x4f: {  	[spmem:s1] =	stream.indirect.scatter.add.f32 [tilespmem:s20], [sflag:$0x4], $0x80, s28, s19, $0xb8;
	[tilespmem:$0x1E800] =	vst v63  }
0x50: {  	_ =	swait.ge [sflag:s24], $0x4000  }
0x51: {  	[sflag:s24] =	ssyncset.done $0x0  }
0x52: {  	s29 =	simm.s32 $0x180;
	s28 =	simm.s32 $0x400;
	[sflag:s24] =	ssyncadd.s32 $0xFFFFC000  }
.LBB2_4:
0x53: {  	[tilespmem:s20], [sflag:$0x2] =	stream.indirect.gather [hbm4b:s4+s19], $0x80, s29, s19, $0xb8;
	[tilespmem:$0x1E800] =	vst v63  }
0x54: {  	s29 =	smov.u32 s28  }
0x55: {  	p0 =	sne.s32 s28, $0x4800;
	s28 =	sadd.s32 $0x400, s28;
	_ =	swait.ge [sflag:s21], $0x4000  }
0x56: {  	s29 =	sshra.s32 s29, $0x2;
	[sflag:s21] =	ssyncset.done $0x0  }
0x57: {  	s30 =	sadd.s32 $0x1400, s29;
	[sflag:s21] =	ssyncadd.s32 $0xFFFFC000  }
0x58: {  	[spmem:s1] =	stream.indirect.scatter.add.f32 [tilespmem:s16], [sflag:$0x3], $0x80, s30, s19, $0xb8;
	[tilespmem:$0x1E800] =	vst v63  }
0x59: {  	_ =	swait.ge [sflag:s22], $0x4000  }
0x5a: {  	[sflag:s22] =	ssyncset.done $0x0  }
0x5b: {  	s30 =	sadd.s32 $0x100, s29;
	[sflag:s22] =	ssyncadd.s32 $0xFFFFC000  }
0x5c: {  	[tilespmem:s16], [sflag:$0x1] =	stream.indirect.gather [hbm4b:s4+s19], $0x80, s30, s19, $0xb8;
	[tilespmem:$0x1E800] =	vst v63  }
0x5d: {  	_ =	swait.ge [sflag:s23], $0x4000  }
0x5e: {  	[sflag:s23] =	ssyncset.done $0x0  }
.Ltmp1:
0x5f: {  	s30 =	sadd.s32 $0x1480, s29;
	[sflag:s23] =	ssyncadd.s32 $0xFFFFC000;
	(pc) =	sbr.rel @p0 .LBB2_4-.Ltmp1, $4  }
0x60: {  	[spmem:s1] =	stream.indirect.scatter.add.f32 [tilespmem:s20], [sflag:$0x4], $0x80, s30, s19, $0xb8;
	[tilespmem:$0x1E800] =	vst v63  }
0x61: {  	_ =	swait.ge [sflag:s24], $0x4000  }
0x62: {  	[sflag:s24] =	ssyncset.done $0x0  }
0x63: {  	s29 =	sadd.s32 $0x180, s29;
	[sflag:s24] =	ssyncadd.s32 $0xFFFFC000  }
0x64: {  	[tilespmem:s20], [sflag:$0x2] =	stream.indirect.gather [hbm4b:s4+s19], $0x80, s29, s19, $0xb8;
	[tilespmem:$0x1E800] =	vst v63  }
0x65: {  	_ =	swait.ge [sflag:s21], $0x4000  }
0x66: {  	[sflag:s21] =	ssyncset.done $0x0  }
0x67: {  	[sflag:s21] =	ssyncadd.s32 $0xFFFFC000  }
0x68: {  	[spmem:s1] =	stream.indirect.scatter.add.f32 [tilespmem:s16], [sflag:$0x3], $0x80, s25, s19, $0xb8;
	[tilespmem:$0x1E800] =	vst v63  }
0x69: {  	_ =	swait.ge [sflag:s23], $0x4000  }
0x6a: {  	[sflag:s23] =	ssyncset.done $0x0  }
0x6b: {  	[sflag:s23] =	ssyncadd.s32 $0xFFFFC000  }
0x6c: {  	[spmem:s1] =	stream.indirect.scatter.add.f32 [tilespmem:s20], [sflag:$0x4], $0x80, s26, s19, $0xb8;
	[tilespmem:$0x1E800] =	vst v63  }
0x6d: {  	_ =	swait.ge [sflag:s22], $0x4000  }
0x6e: {  	[sflag:s22] =	ssyncset.done $0x0  }
0x6f: {  	[sflag:s22] =	ssyncadd.s32 $0xFFFFC000  }
0x70: {  	_ =	swait.ge [sflag:s24], $0x4000  }
0x71: {  	[sflag:s24] =	ssyncset.done $0x0  }
0x72: {  	s28 =	simm.s32 $0x0;
	[sflag:s24] =	ssyncadd.s32 $0xFFFFC000  }
0x73: {  	[tilespmem:s28], [sflag:$0x5] =	stream.linear.gather [hbm4b:s8+s28], $0x1400, $0x38;
	[tilespmem:$0x1E800] =	vst v63  }
0x74: {  	_ =	swait.ge [sflag:s17], $0x1400  }
0x75: {  	[sflag:s17] =	ssyncset.done $0x0  }
0x76: {  	[sflag:s17] =	ssyncadd.s32 $0xFFFFEC00  }
0x77: {  	[tilespmem:s18], [sflag:$0x5] =	stream.linear.gather [hbm4b:s9+s28], $0x1400, $0x38;
	[tilespmem:$0x1E800] =	vst v63  }
0x78: {  	_ =	swait.ge [sflag:s17], $0x1400  }
0x79: {  	[sflag:s17] =	ssyncset.done $0x0  }
0x7a: {  	[sflag:s17] =	ssyncadd.s32 $0xFFFFEC00  }
0x7b: {  	[tilespmem:s16], [sflag:$0x1] =	stream.indirect.gather [hbm4b:s4+s19], $0x80, s28, s19, $0xb8;
	[tilespmem:$0x1E800] =	vst v63  }
0x7c: {  	_ = 	snop  }
0x7d: {  	[tilespmem:s20], [sflag:$0x2] =	stream.indirect.gather [hbm4b:s4+s19], $0x80, s19, s19, $0xb8;
	[tilespmem:$0x1E800] =	vst v63  }
0x7e: {  	_ =	swait.ge [sflag:s21], $0x4000  }
0x7f: {  	[sflag:s21] =	ssyncset.done $0x0  }
0x80: {  	s28 =	simm.s32 $0x1400;
	[sflag:s21] =	ssyncadd.s32 $0xFFFFC000  }
0x81: {  	[spmem:s1] =	stream.indirect.scatter.add.f32 [tilespmem:s16], [sflag:$0x3], $0x80, s28, s19, $0xb8;
	[tilespmem:$0x1E800] =	vst v63  }
0x82: {  	_ =	swait.ge [sflag:s22], $0x4000  }
0x83: {  	[sflag:s22] =	ssyncset.done $0x0  }
0x84: {  	s28 =	simm.s32 $0x100;
	[sflag:s22] =	ssyncadd.s32 $0xFFFFC000  }
0x85: {  	[tilespmem:s16], [sflag:$0x1] =	stream.indirect.gather [hbm4b:s4+s19], $0x80, s28, s19, $0xb8;
	[tilespmem:$0x1E800] =	vst v63  }
0x86: {  	_ =	swait.ge [sflag:s23], $0x4000  }
0x87: {  	[sflag:s23] =	ssyncset.done $0x0  }
0x88: {  	s28 =	simm.s32 $0x1480;
	[sflag:s23] =	ssyncadd.s32 $0xFFFFC000  }
0x89: {  	[spmem:s1] =	stream.indirect.scatter.add.f32 [tilespmem:s20], [sflag:$0x4], $0x80, s28, s19, $0xb8;
	[tilespmem:$0x1E800] =	vst v63  }
0x8a: {  	_ =	swait.ge [sflag:s24], $0x4000  }
0x8b: {  	[sflag:s24] =	ssyncset.done $0x0  }
0x8c: {  	s29 =	simm.s32 $0x180;
	s28 =	simm.s32 $0x400;
	[sflag:s24] =	ssyncadd.s32 $0xFFFFC000  }
.LBB2_6:
0x8d: {  	[tilespmem:s20], [sflag:$0x2] =	stream.indirect.gather [hbm4b:s4+s19], $0x80, s29, s19, $0xb8;
	[tilespmem:$0x1E800] =	vst v63  }
0x8e: {  	s29 =	smov.u32 s28  }
0x8f: {  	p0 =	sne.s32 s28, $0x4800;
	s28 =	sadd.s32 $0x400, s28;
	_ =	swait.ge [sflag:s21], $0x4000  }
0x90: {  	s29 =	sshra.s32 s29, $0x2;
	[sflag:s21] =	ssyncset.done $0x0  }
0x91: {  	s30 =	sadd.s32 $0x1400, s29;
	[sflag:s21] =	ssyncadd.s32 $0xFFFFC000  }
0x92: {  	[spmem:s1] =	stream.indirect.scatter.add.f32 [tilespmem:s16], [sflag:$0x3], $0x80, s30, s19, $0xb8;
	[tilespmem:$0x1E800] =	vst v63  }
0x93: {  	_ =	swait.ge [sflag:s22], $0x4000  }
0x94: {  	[sflag:s22] =	ssyncset.done $0x0  }
0x95: {  	s30 =	sadd.s32 $0x100, s29;
	[sflag:s22] =	ssyncadd.s32 $0xFFFFC000  }
0x96: {  	[tilespmem:s16], [sflag:$0x1] =	stream.indirect.gather [hbm4b:s4+s19], $0x80, s30, s19, $0xb8;
	[tilespmem:$0x1E800] =	vst v63  }
0x97: {  	_ =	swait.ge [sflag:s23], $0x4000  }
0x98: {  	[sflag:s23] =	ssyncset.done $0x0  }
.Ltmp2:
0x99: {  	s30 =	sadd.s32 $0x1480, s29;
	[sflag:s23] =	ssyncadd.s32 $0xFFFFC000;
	(pc) =	sbr.rel @p0 .LBB2_6-.Ltmp2, $4  }
0x9a: {  	[spmem:s1] =	stream.indirect.scatter.add.f32 [tilespmem:s20], [sflag:$0x4], $0x80, s30, s19, $0xb8;
	[tilespmem:$0x1E800] =	vst v63  }
0x9b: {  	_ =	swait.ge [sflag:s24], $0x4000  }
0x9c: {  	[sflag:s24] =	ssyncset.done $0x0  }
0x9d: {  	s29 =	sadd.s32 $0x180, s29;
	[sflag:s24] =	ssyncadd.s32 $0xFFFFC000  }
0x9e: {  	[tilespmem:s20], [sflag:$0x2] =	stream.indirect.gather [hbm4b:s4+s19], $0x80, s29, s19, $0xb8;
	[tilespmem:$0x1E800] =	vst v63  }
0x9f: {  	_ =	swait.ge [sflag:s21], $0x4000  }
0xa0: {  	[sflag:s21] =	ssyncset.done $0x0  }
0xa1: {  	[sflag:s21] =	ssyncadd.s32 $0xFFFFC000  }
0xa2: {  	[spmem:s1] =	stream.indirect.scatter.add.f32 [tilespmem:s16], [sflag:$0x3], $0x80, s25, s19, $0xb8;
	[tilespmem:$0x1E800] =	vst v63  }
0xa3: {  	_ =	swait.ge [sflag:s23], $0x4000  }
0xa4: {  	[sflag:s23] =	ssyncset.done $0x0  }
0xa5: {  	[sflag:s23] =	ssyncadd.s32 $0xFFFFC000  }
0xa6: {  	[spmem:s1] =	stream.indirect.scatter.add.f32 [tilespmem:s20], [sflag:$0x4], $0x80, s26, s19, $0xb8;
	[tilespmem:$0x1E800] =	vst v63  }
0xa7: {  	_ =	swait.ge [sflag:s22], $0x4000  }
0xa8: {  	[sflag:s22] =	ssyncset.done $0x0  }
0xa9: {  	[sflag:s22] =	ssyncadd.s32 $0xFFFFC000  }
0xaa: {  	_ =	swait.ge [sflag:s24], $0x4000  }
0xab: {  	s28 =	sshll.u32 s2, $0x6;
	s3 =	sadd.s32 $0x1, s3;
	[sflag:s24] =	ssyncset.done $0x0  }
0xac: {  	s31 =	sshrl.u32 s5, $0x3;
	p0 =	sne.s32 s3, s11;
	[sflag:s24] =	ssyncadd.s32 $0xFFFFC000  }
.Ltmp3:
0xad: {  	s28 =	sor.u32 $0x1C05, s28;
	[bflag:$0x0] =	sbarrier.arrive $0xFFFF;
	(pc) =	sbr.rel @p0 .LBB2_1-.Ltmp3, $4  }
0xae: {  	[hbm:s10], [sflag:s28] =	dma.local [spmem:s31], $0x2800  }
0xaf: {  	_ =	swait.ge [sflag:s17], $0x2800  }
0xb0: {  	[sflag:s17] =	ssyncset.done $0x0  }
0xb1: {  	[sflag:s17] =	ssyncadd.s32 $0xFFFFD800  }
0xb2: {  	_ =	sfence.sel $0x180000  }
0xb3: {  	[bflag:$0x0] =	sbarrier.arrive $0xFFFF  }
0xb4: {  	p0 =	sne.s32 s2, $0x0;
	_ =	strace $0x9000004A  }
0xb5: {  	s0 =	sadd.s32 @!p0 $0x100000, s0;
	[bflag:$0x2] =	sbarrier.arrive $0xFFFF  }
0xb6: {  	[sflag:s0] =	ssyncadd.tile.s32 @!p0 $0x1;
	_ =	shalt  }
.Lfunc_end2:
_tile_overlayer_lowered:
.L_overlay_start_2:
0xb7: {  	(tag) =	ssettag $0x2  }
0xb8: {  	s0 =	rddreg [dreg:$0x0];
	s2 =	stileid.u32  }
0xb9: {  	s1 =	rddreg [dreg:$0x1];
	p0 =	sne.s32 s2, $0x0  }
0xba: {  	s3 =	rddreg [dreg:$0x2];
	[bflag:$0x3] =	sbarrier.arrive $0xFFFF;
	s2 =	simm.s32 @!p0 $0x1C05  }
0xbb: {  	[timem:s3], [sflag:s2] =	dma.local @!p0 [hbm:s0], s1  }
0xbc: {  	s0 =	simm.s32 @!p0 $0x5  }
0xbd: {  	_ =	swait.ge @!p0 [sflag:s0], s1  }
0xbe: {  	s1 =	ssub.s32 @!p0 $0x0, s1;
	[sflag:s0] =	ssyncset.done @!p0 $0x0  }
0xbf: {  	[sflag:s0] =	ssyncadd.s32 @!p0 s1  }
0xc0: {  	[bflag:$0x3] =	sbarrier.arrive $0xFFFF  }
0xc1: {  	_ =	shalt  }

// kernel: kernel.14.cloned.1.call-start
scs
__scs_entry_jumppad:
0x0: {  	(pc) =	sbr.rel $0x88, $3  }
0x1: {  	(tag) =	ssettag $0x0;
	lr =	simm.s32 $0x1  }
0x2: {  	[smem:$0x3F99] =	sst lr;
	_ =	strace $0xD0000000  }
0x3: {  	_ = 	snop  }
0x4: {  	_ = 	snop  }
0x5: {  	_ = 	snop  }
0x6: {  	_ = 	snop  }
0x7: {  	_ = 	snop  }
__scs_overlays_trampoline_lowered:
0x8: {  	[smem:$0x3FA8] =	sst s0  }
0x9: {  	[smem:$0x3FA9] =	sst s1  }
0xa: {  	[smem:$0x3FAA] =	sst s2  }
0xb: {  	[smem:$0x3FAB] =	sst s3  }
0xc: {  	[smem:$0x3FAC] =	sst s4  }
0xd: {  	[smem:$0x3FAD] =	sst s5  }
0xe: {  	[smem:$0x3FAE] =	sst s6  }
0xf: {  	[smem:$0x3FAF] =	sst s7  }
0x10: {  	[smem:$0x3FB0] =	sst s8  }
0x11: {  	[smem:$0x3FB1] =	sst s9;
	s0 =	simm.s32 @!p0 $0x0  }
0x12: {  	s1 =	sld [smem:$0x3F97];
	s0 =	simm.s32 @p0 $0x1  }
0x13: {  	[smem:$0x3FB2] =	sst s0;
	s0 =	simm.s32 @!p1 $0x0  }
0x14: {  	s2 =	sld [smem:$0x3F96];
	s0 =	simm.s32 @p1 $0x1  }
0x15: {  	[smem:$0x3FB3] =	sst s0;
	s0 =	simm.s32 @!p2 $0x0  }
0x16: {  	s3 =	sld [smem:$0x3FDB];
	s0 =	simm.s32 @p2 $0x1  }
0x17: {  	s4 =	simm.s32 $0x1BF5;
	[smem:$0x3FB5] =	sst s0  }
0x18: {  	s0 =	sld [smem:$0x3F98];
	_ =	swait.ge [sflag:s4], $0x0  }
0x19: {  	s7 =	sld [smem:$0x3F99]  }
0x1a: {  	s8 =	sadd.s32 $0xFFFFE003, lr  }
0x1b: {  	s9 =	sadd.s32 $0xFFFFFEF7, lr;
	s5 =	simm.s32 $0xFFFFFFFF;
	p2 =	slt.u32 s8, $0xFFFFF086  }
0x1c: {  	p1 =	slt.u32 s9, $0xF7A;
	s5 =	simm.s32 @!p2 $0x0  }
0x1d: {  	s5 =	simm.s32 @p1 $0x1;
	p0 =	seq.s32 s7, s2  }
0x1e: {  	s7 =	smul.u32 @!p0 $0xF7A, s2;
	p2 =	seq.s32 @!p0 s5, $0x0  }
0x1f: {  	s9 =	smul.u32 $0xF7A, s1;
	s8 =	simm.s32 @!p0 $0x1BF5;
	p2 =	por !p2, p0  }
0x20: {  	[sflag:s8] =	ssyncset.s32 @!p0 $0xFFFFF086;
	s6 =	sadd.s32 @!p0 s3, s7;
	s7 =	simm.s32 @!p0 $0x108  }
0x21: {  	s3 =	sadd.s32 s3, s9;
	s6 =	sadd.s32 @!p0 $0x88, s6;
	s7 =	simm.s32 @p2 $0x1082  }
0x22: {  	[simem:s7], [sflag:s8] =	dma.local @!p0 [hbm:s6], $0xF7A  }
0x23: {  	s9 =	sor.u32 $0xD0000000, s2;
	s6 =	simm.s32 $0x108;
	_ =	swait.ge @!p0 [sflag:s8], $0x0  }
0x24: {  	s3 =	sadd.s32 $0x88, s3;
	s6 =	simm.s32 @!p1 $0x1082;
	[sflag:s4] =	ssyncset.s32 $0xFFFFF086  }
0x25: {  	[simem:s6], [sflag:s4] =	dma.local [hbm:s3], $0xF7A  }
0x26: {  	[smem:$0x3F99] =	sst s1;
	(tag) =	ssettag s2;
	_ =	strace s9  }
0x27: {  	s1 =	sld [smem:$0x3FA9]  }
0x28: {  	s2 =	sld [smem:$0x3FAA]  }
0x29: {  	s4 =	sld [smem:$0x3FAC]  }
0x2a: {  	p0 =	seq.s32 s5, $0x0;
	s5 =	sld [smem:$0x3FAD]  }
0x2b: {  	s6 =	sld [smem:$0x3FAE]  }
0x2c: {  	s7 =	sld [smem:$0x3FAF]  }
0x2d: {  	s3 =	simm.s32 $0x108;
	s8 =	sld [smem:$0x3FB0]  }
0x2e: {  	s3 =	simm.s32 @!p0 $0x1082;
	s9 =	sld [smem:$0x3FB1]  }
0x2f: {  	lr =	sadd.s32 s0, s3;
	s0 =	sld [smem:$0x3FA8]  }
0x30: {  	s3 =	sld [smem:$0x3FAB]  }
0x31: {  	[smem:$0x3FB4] =	sst s10  }
0x32: {  	s10 =	sld [smem:$0x3FB2];
	_ =	sdelay $0x3  }
0x33: {  	p0 =	seq.s32 s10, $0x1;
	s10 =	sld [smem:$0x3FB4];
	_ =	sdelay $0x3  }
0x34: {  	[smem:$0x3FB4] =	sst s10  }
0x35: {  	s10 =	sld [smem:$0x3FB3];
	_ =	sdelay $0x3  }
0x36: {  	p1 =	seq.s32 s10, $0x1;
	s10 =	sld [smem:$0x3FB4];
	_ =	sdelay $0x3  }
0x37: {  	[smem:$0x3FB4] =	sst s10  }
0x38: {  	s10 =	sld [smem:$0x3FB5]  }
0x39: {  	_ = 	snop;
	(pc) =	sbr.ind lr, $3  }
0x3a: {  	_ = 	snop  }
0x3b: {  	_ = 	snop  }
0x3c: {  	p2 =	seq.s32 s10, $0x1;
	s10 =	sld [smem:$0x3FB4]  }
0x3d: {  	_ =	shalt  }
0x3e: {  	_ =	shalt  }
0x3f: {  	_ =	shalt  }
0x40: {  	_ =	shalt  }
0x41: {  	_ =	shalt  }
0x42: {  	_ =	shalt  }
0x43: {  	_ =	shalt  }
0x44: {  	_ =	shalt  }
0x45: {  	_ =	shalt  }
0x46: {  	_ =	shalt  }
0x47: {  	_ =	shalt  }
0x48: {  	_ =	shalt  }
0x49: {  	_ =	shalt  }
0x4a: {  	_ =	shalt  }
0x4b: {  	_ =	shalt  }
0x4c: {  	_ =	shalt  }
0x4d: {  	_ =	shalt  }
0x4e: {  	_ =	shalt  }
0x4f: {  	_ =	shalt  }
0x50: {  	_ =	shalt  }
0x51: {  	_ =	shalt  }
0x52: {  	_ =	shalt  }
0x53: {  	_ =	shalt  }
0x54: {  	_ =	shalt  }
0x55: {  	_ =	shalt  }
0x56: {  	_ =	shalt  }
0x57: {  	_ =	shalt  }
0x58: {  	_ =	shalt  }
0x59: {  	_ =	shalt  }
0x5a: {  	_ =	shalt  }
0x5b: {  	_ =	shalt  }
0x5c: {  	_ =	shalt  }
0x5d: {  	_ =	shalt  }
0x5e: {  	_ =	shalt  }
0x5f: {  	_ =	shalt  }
0x60: {  	_ =	shalt  }
0x61: {  	_ =	shalt  }
0x62: {  	_ =	shalt  }
0x63: {  	_ =	shalt  }
0x64: {  	_ =	shalt  }
0x65: {  	_ =	shalt  }
0x66: {  	_ =	shalt  }
0x67: {  	_ =	shalt  }
0x68: {  	_ =	shalt  }
0x69: {  	_ =	shalt  }
0x6a: {  	_ =	shalt  }
0x6b: {  	_ =	shalt  }
0x6c: {  	_ =	shalt  }
0x6d: {  	_ =	shalt  }
0x6e: {  	_ =	shalt  }
0x6f: {  	_ =	shalt  }
0x70: {  	_ =	shalt  }
0x71: {  	_ =	shalt  }
0x72: {  	_ =	shalt  }
0x73: {  	_ =	shalt  }
0x74: {  	_ =	shalt  }
0x75: {  	_ =	shalt  }
0x76: {  	_ =	shalt  }
0x77: {  	_ =	shalt  }
0x78: {  	_ =	shalt  }
0x79: {  	_ =	shalt  }
0x7a: {  	_ =	shalt  }
0x7b: {  	_ =	shalt  }
0x7c: {  	_ =	shalt  }
0x7d: {  	_ =	shalt  }
0x7e: {  	_ =	shalt  }
0x7f: {  	_ =	shalt  }
0x80: {  	_ =	shalt  }
0x81: {  	_ =	shalt  }
0x82: {  	_ =	shalt  }
0x83: {  	_ =	shalt  }
0x84: {  	_ =	shalt  }
0x85: {  	_ =	shalt  }
0x86: {  	_ =	shalt  }
0x87: {  	_ =	shalt  }
.Lfunc_end0:
.L_simem_size_0:
called_computation.2_lowered:
.L_overlay_start_0:
0x88: {  	s2 =	sld [smem:$0x3FD9]  }
0x89: {  	s3 =	sld [smem:$0x3FFE];
	_ =	sdelay $0x1  }
0x8a: {  	s1 =	srdreg.scid  }
0x8b: {  	s0 =	sand.u32 $0x1, s1  }
0x8c: {  	s16 =	sshll.u32 s0, $0xA;
	s2 =	sadd.s32 s3, s2  }
0x8d: {  	s2 =	sadd.s32 s2, s16  }
0x8e: {  	[smem:$0x3FC0] =	sst s2  }
0x8f: {  	_ = 	snop  }
0x90: {  	(tm) =	ssettm $0x1  }
0x91: {  	s17 =	sld [smem:$0x3FFB];
	_ =	sdelay $0x3  }
0x92: {  	_ =	strace s17  }
0x93: {  	s2 =	sld [smem:$0x3FFC];
	_ =	sdelay $0x3  }
0x94: {  	_ =	strace s2  }
0x95: {  	s2 =	sld [smem:$0x3FFD];
	_ =	sdelay $0x3  }
0x96: {  	_ =	strace s2  }
0x97: {  	_ =	strace $0x8FFFFFFF  }
0x98: {  	s18 =	sld [smem:$0x3FDB];
	_ =	sdelay $0x1  }
0x99: {  	s19 =	simm.s32 $_scs_section_size  }
0x9a: {  	s4 =	simm.s32 $_size__tile_overlayer_lowered;
	s5 =	simm.s32 $_tile_overlayer_lowered  }
0x9b: {  	s22 =	simm.s32 $0x1BFF;
	s21 =	sshll.u32 s5, $0x1;
	s2 =	sadd.s32 s19, s18  }
0x9c: {  	s6 =	simm.s32 $0x0;
	s20 =	sshll.u32 s4, $0x1;
	s4 =	sadd.s32 s21, s2  }
0x9d: {  	[timem:s6], [sflag:s22] =	dma.local [hbm:s4], s20  }
0x9e: {  	_ =	swait.ge [sflag:s22], s20  }
0x9f: {  	s3 =	ssub.s32 $0x0, s20;
	[sflag:s22] =	ssyncset.done $0x0  }
0xa0: {  	[sflag:s22] =	ssyncadd.s32 s3;
	_ =	sdelay $0x1  }
0xa1: {  	s23 =	simm.s32 $0x1B8B  }
0xa2: {  	_ =	swait.ge [sflag:s23], $0x1  }
0xa3: {  	[sflag:s23] =	ssyncset.done $0x0  }
0xa4: {  	s25 =	simm.s32 $0x1B8E;
	s24 =	sld [smem:$0x3FFE];
	[sflag:s23] =	ssyncadd.s32 $0xFFFFFFFF  }
0xa5: {  	s26 =	simm.s32 $execute0_lowered;
	[smem:$0x3FD2] =	sst s25  }
0xa6: {  	s4 =	sshll.u32 s26, $0x1;
	_ =	strace $0x8000004C;
	[dreg:$0x1] =	wrdreg $0xFFFFFFFF  }
0xa7: {  	s28 =	simm.s32 $_size_execute0_lowered;
	s2 =	sadd.s32 s2, s4;
	[dreg:$0x0] =	wrdreg $0x0  }
0xa8: {  	s4 =	sshll.u32 s28, $0x1;
	[dreg:$0x2] =	wrdreg s2  }
0xa9: {  	[dreg:$0x3] =	wrdreg s4  }
0xaa: {  	[dreg:$0x4] =	wrdreg $0xC0  }
0xab: {  	_ =	task [dreg:s6], $0x5FFFF  }
0xac: {  	[dreg:$0x1] =	wrdreg $0xFFFFFFFF  }
0xad: {  	[dreg:$0x0] =	wrdreg $0x60  }
0xae: {  	[dreg:$0x2] =	wrdreg s24  }
0xaf: {  	[dreg:$0x3] =	wrdreg $0xA8000  }
0xb0: {  	[dreg:$0x4] =	wrdreg $0x9  }
0xb1: {  	_ =	task.clear_ibuf [dreg:s6], $0x5FFFF;
	_ =	strace $0x9000004C  }
0xb2: {  	s29 =	simm.s32 $0x9;
	_ =	strace $0x8000004E  }
0xb3: {  	_ =	swait.ge [sflag:s29], $0x1  }
0xb4: {  	[sflag:s29] =	ssyncadd.s32 $0xFFFFFFFF  }
0xb5: {  	_ =	strace $0x9000004E  }
0xb6: {  	_ =	sfence  }
0xb7: {  	s30 =	sld [smem:$0x0];
	_ =	sdelay $0x2  }
0xb8: {  	s31 =	sshll.u32 s1, $0xD;
	s1 =	sshrl.u32 s1, $0x2  }
0xb9: {  	s3 =	sand.u32 $0x4000, s31;
	s1 =	sadd.s32 s1, s30  }
0xba: {  	s0 =	sor.u32 s3, s0;
	s1 =	sshll.u32 s1, $0x11  }
0xbb: {  	s0 =	sor.u32 s1, s0  }
0xbc: {  	s0 =	sadd.s32 $0x8F2B, s0  }
0xbd: {  	[sflag:s0] =	ssyncadd.remote.s32 $0x1  }
0xbe: {  	_ =	sfence.sel $0xFFFF  }
0xbf: {  	[dreg:$0x0] =	wrdreg $0xFFFFFFFF;
	(pc) =	sbr.abs _section_cstart, $3  }
0xc0: {  	[dreg:$0x1] =	wrdreg $0xFFFFFFFF  }
0xc1: {  	_ =	task.clear_ibuf [dreg:s6], $0x2FFFF;
	_ =	strace $0x9FFFFFFF  }
0xc2: {  	(tm) =	ssettm $0x7FFFFFFF  }
0xc3: {  	_ =	shalt  }
tec
execute0_lowered:
.L_overlay_start_1:
0x0: {  	(tag) =	ssettag $0x1  }
0x1: {  	s5 =	rddreg [dreg:$0x0]  }
0x2: {  	s1 =	rddreg [dreg:$0x1]  }
0x3: {  	s0 =	rddreg [dreg:$0x2];
	s3 =	simm.s32 $0x0;
	s2 =	srdreg.scid  }
0x4: {  	s16 =	simm.s32 $0x2800;
	s17 =	simm.s32 $0x5;
	s18 =	simm.s32 $0x1400  }
0x5: {  	s19 =	simm.s32 $0x80;
	s20 =	simm.s32 $0x6800;
	s21 =	simm.s32 $0x1  }
0x6: {  	s22 =	simm.s32 $0x3;
	s23 =	simm.s32 $0x2;
	s24 =	simm.s32 $0x4  }
0x7: {  	[smem:$0x7FF] =	sst s3;
	s6 =	sand.u32 $0x1, s2;
	s2 =	stileid.u32  }
0x8: {  	s4 =	sadd.s32 $0x3600, s5;
	s9 =	sadd.s32 $0x71600, s5;
	s7 =	smul.u32 $0x140000, s6  }
0x9: {  	s12 =	sadd.s32 $0x67600, s5;
	s8 =	smul.u32 $0x14000, s2;
	s10 =	sshll.u32 s6, $0x4  }
0xa: {  	s26 =	smul.u32 $0x50000, s2;
	s6 =	ssub.s32 $0x2, s6;
	s25 =	sor.u32 s2, s10  }
0xb: {  	_ =	strace $0x8000004D;
	s28 =	sshrl.u32 s6, $0x1;
	s11 =	smul.u32 $0x2800, s25  }
0xc: {  	s7 =	sadd.s32 s8, s7;
	s29 =	sshrl.u32 s26, $0x2;
	s8 =	smul.u32 $0x500, s25  }
0xd: {  	s31 =	ssub.s32 s6, s28;
	s25 =	simm.s32 $0x2700;
	s7 =	sshrl.u32 s7, $0x3  }
0xe: {  	s26 =	simm.s32 $0x2780;
	s13 =	sadd.s32 s7, s5;
	s30 =	sshrl.u32 s11, $0x3  }
0xf: {  	s5 =	sadd.s32 s29, s1;
	s6 =	sadd.s32 s9, s8;
	s7 =	sadd.s32 s12, s8  }
0x10: {  	s11 =	smax.u32 s31, $0x1;
	s10 =	sadd.s32 $0x280, s30;
	s14 =	sadd.s32 $0xC000, s5  }
0x11: {  	s15 =	sadd.s32 $0x10000, s5;
	s8 =	sadd.s32 s9, s10;
	s9 =	sadd.s32 s12, s10  }
0x12: {  	v0 =	vimm.f32 $0.0e+00;
	s10 =	sadd.s32 $0x7B600, s13;
	s12 =	sadd.s32 $0x4000, s5;
	s13 =	sadd.s32 $0x8000, s5  }
.LBB2_1:
0x13: {  	s28 =	simm.s32 $0x0;
	s29 =	simm.s32 $0x200  }
.LBB2_2:
0x14: {  	p0 =	sne.s32 s29, $0xFE00;
	[tilespmem:s28+$0x2870] =	vst v0  }
0x15: {  	[tilespmem:s28+$0x2800] =	vst v0  }
0x16: {  	[tilespmem:s28+$0x2810] =	vst v0  }
.Ltmp0:
0x17: {  	[tilespmem:s28+$0x2820] =	vst v0;
	(pc) =	sbr.rel @p0 .LBB2_2-.Ltmp0, $4  }
0x18: {  	[tilespmem:s28+$0x2830] =	vst v0  }
0x19: {  	[tilespmem:s28+$0x2840] =	vst v0  }
0x1a: {  	[tilespmem:s28+$0x2850] =	vst v0  }
0x1b: {  	[tilespmem:s28+$0x2860] =	vst v0;
	s28 =	sshra.s32 s29, $0x2;
	s29 =	sadd.s32 $0x200, s29  }
0x1c: {  	[tilespmem:s28+$0x2870] =	vst v0  }
0x1d: {  	[tilespmem:s28+$0x2800] =	vst v0  }
0x1e: {  	[tilespmem:s28+$0x2810] =	vst v0  }
0x1f: {  	[tilespmem:s28+$0x2820] =	vst v0  }
0x20: {  	[tilespmem:s28+$0x2830] =	vst v0  }
0x21: {  	[tilespmem:s28+$0x2840] =	vst v0  }
0x22: {  	[tilespmem:s28+$0x2850] =	vst v0  }
0x23: {  	[tilespmem:s28+$0x2860] =	vst v0  }
0x24: {  	[spmem:s5] =	stream.linear.scatter [tilespmem:s16], [sflag:$0x5], $0x4000, $0x38;
	[tilespmem:$0x1E800] =	vst v63  }
0x25: {  	_ =	swait.ge [sflag:s17], $0x4000  }
0x26: {  	[sflag:s17] =	ssyncset.done $0x0  }
0x27: {  	[sflag:s17] =	ssyncadd.s32 $0xFFFFC000  }
0x28: {  	[spmem:s12] =	stream.linear.scatter [tilespmem:s16], [sflag:$0x5], $0x4000, $0x38;
	[tilespmem:$0x1E800] =	vst v63  }
0x29: {  	_ =	swait.ge [sflag:s17], $0x4000  }
0x2a: {  	[sflag:s17] =	ssyncset.done $0x0  }
0x2b: {  	[sflag:s17] =	ssyncadd.s32 $0xFFFFC000  }
0x2c: {  	[spmem:s13] =	stream.linear.scatter [tilespmem:s16], [sflag:$0x5], $0x4000, $0x38;
	[tilespmem:$0x1E800] =	vst v63  }
0x2d: {  	_ =	swait.ge [sflag:s17], $0x4000  }
0x2e: {  	[sflag:s17] =	ssyncset.done $0x0  }
0x2f: {  	[sflag:s17] =	ssyncadd.s32 $0xFFFFC000  }
0x30: {  	[spmem:s14] =	stream.linear.scatter [tilespmem:s16], [sflag:$0x5], $0x4000, $0x38;
	[tilespmem:$0x1E800] =	vst v63  }
0x31: {  	_ =	swait.ge [sflag:s17], $0x4000  }
0x32: {  	[sflag:s17] =	ssyncset.done $0x0  }
0x33: {  	[sflag:s17] =	ssyncadd.s32 $0xFFFFC000  }
0x34: {  	[spmem:s15] =	stream.linear.scatter [tilespmem:s16], [sflag:$0x5], $0x4000, $0x38;
	[tilespmem:$0x1E800] =	vst v63  }
0x35: {  	_ =	swait.ge [sflag:s17], $0x4000  }
0x36: {  	[sflag:s17] =	ssyncset.done $0x0  }
0x37: {  	[sflag:s17] =	ssyncadd.s32 $0xFFFFC000  }
0x38: {  	s28 =	simm.s32 $0x0;
	[bflag:$0x0] =	sbarrier.arrive $0xFFFF  }
0x39: {  	[tilespmem:s28], [sflag:$0x5] =	stream.linear.gather [hbm4b:s6+s28], $0x1400, $0x38;
	[tilespmem:$0x1E800] =	vst v63  }
0x3a: {  	_ =	swait.ge [sflag:s17], $0x1400  }
0x3b: {  	[sflag:s17] =	ssyncset.done $0x0  }
0x3c: {  	[sflag:s17] =	ssyncadd.s32 $0xFFFFEC00  }
0x3d: {  	[tilespmem:s18], [sflag:$0x5] =	stream.linear.gather [hbm4b:s7+s28], $0x1400, $0x38;
	[tilespmem:$0x1E800] =	vst v63  }
0x3e: {  	_ =	swait.ge [sflag:s17], $0x1400  }
0x3f: {  	[sflag:s17] =	ssyncset.done $0x0  }
0x40: {  	[sflag:s17] =	ssyncadd.s32 $0xFFFFEC00  }
0x41: {  	[tilespmem:s16], [sflag:$0x1] =	stream.indirect.gather [hbm4b:s4+s19], $0x80, s28, s19, $0xb8;
	[tilespmem:$0x1E800] =	vst v63  }
0x42: {  	_ = 	snop  }
0x43: {  	[tilespmem:s20], [sflag:$0x2] =	stream.indirect.gather [hbm4b:s4+s19], $0x80, s19, s19, $0xb8;
	[tilespmem:$0x1E800] =	vst v63  }
0x44: {  	_ =	swait.ge [sflag:s21], $0x4000  }
0x45: {  	[sflag:s21] =	ssyncset.done $0x0  }
0x46: {  	s28 =	simm.s32 $0x1400;
	[sflag:s21] =	ssyncadd.s32 $0xFFFFC000  }
0x47: {  	[spmem:s1] =	stream.indirect.scatter.add.f32 [tilespmem:s16], [sflag:$0x3], $0x80, s28, s19, $0xb8;
	[tilespmem:$0x1E800] =	vst v63  }
0x48: {  	_ =	swait.ge [sflag:s22], $0x4000  }
0x49: {  	[sflag:s22] =	ssyncset.done $0x0  }
0x4a: {  	s28 =	simm.s32 $0x100;
	[sflag:s22] =	ssyncadd.s32 $0xFFFFC000  }
0x4b: {  	[tilespmem:s16], [sflag:$0x1] =	stream.indirect.gather [hbm4b:s4+s19], $0x80, s28, s19, $0xb8;
	[tilespmem:$0x1E800] =	vst v63  }
0x4c: {  	_ =	swait.ge [sflag:s23], $0x4000  }
0x4d: {  	[sflag:s23] =	ssyncset.done $0x0  }
0x4e: {  	s28 =	simm.s32 $0x1480;
	[sflag:s23] =	ssyncadd.s32 $0xFFFFC000  }
0x4f: {  	[spmem:s1] =	stream.indirect.scatter.add.f32 [tilespmem:s20], [sflag:$0x4], $0x80, s28, s19, $0xb8;
	[tilespmem:$0x1E800] =	vst v63  }
0x50: {  	_ =	swait.ge [sflag:s24], $0x4000  }
0x51: {  	[sflag:s24] =	ssyncset.done $0x0  }
0x52: {  	s29 =	simm.s32 $0x180;
	s28 =	simm.s32 $0x400;
	[sflag:s24] =	ssyncadd.s32 $0xFFFFC000  }
.LBB2_4:
0x53: {  	[tilespmem:s20], [sflag:$0x2] =	stream.indirect.gather [hbm4b:s4+s19], $0x80, s29, s19, $0xb8;
	[tilespmem:$0x1E800] =	vst v63  }
0x54: {  	s29 =	smov.u32 s28  }
0x55: {  	p0 =	sne.s32 s28, $0x4800;
	s28 =	sadd.s32 $0x400, s28;
	_ =	swait.ge [sflag:s21], $0x4000  }
0x56: {  	s29 =	sshra.s32 s29, $0x2;
	[sflag:s21] =	ssyncset.done $0x0  }
0x57: {  	s30 =	sadd.s32 $0x1400, s29;
	[sflag:s21] =	ssyncadd.s32 $0xFFFFC000  }
0x58: {  	[spmem:s1] =	stream.indirect.scatter.add.f32 [tilespmem:s16], [sflag:$0x3], $0x80, s30, s19, $0xb8;
	[tilespmem:$0x1E800] =	vst v63  }
0x59: {  	_ =	swait.ge [sflag:s22], $0x4000  }
0x5a: {  	[sflag:s22] =	ssyncset.done $0x0  }
0x5b: {  	s30 =	sadd.s32 $0x100, s29;
	[sflag:s22] =	ssyncadd.s32 $0xFFFFC000  }
0x5c: {  	[tilespmem:s16], [sflag:$0x1] =	stream.indirect.gather [hbm4b:s4+s19], $0x80, s30, s19, $0xb8;
	[tilespmem:$0x1E800] =	vst v63  }
0x5d: {  	_ =	swait.ge [sflag:s23], $0x4000  }
0x5e: {  	[sflag:s23] =	ssyncset.done $0x0  }
.Ltmp1:
0x5f: {  	s30 =	sadd.s32 $0x1480, s29;
	[sflag:s23] =	ssyncadd.s32 $0xFFFFC000;
	(pc) =	sbr.rel @p0 .LBB2_4-.Ltmp1, $4  }
0x60: {  	[spmem:s1] =	stream.indirect.scatter.add.f32 [tilespmem:s20], [sflag:$0x4], $0x80, s30, s19, $0xb8;
	[tilespmem:$0x1E800] =	vst v63  }
0x61: {  	_ =	swait.ge [sflag:s24], $0x4000  }
0x62: {  	[sflag:s24] =	ssyncset.done $0x0  }
0x63: {  	s29 =	sadd.s32 $0x180, s29;
	[sflag:s24] =	ssyncadd.s32 $0xFFFFC000  }
0x64: {  	[tilespmem:s20], [sflag:$0x2] =	stream.indirect.gather [hbm4b:s4+s19], $0x80, s29, s19, $0xb8;
	[tilespmem:$0x1E800] =	vst v63  }
0x65: {  	_ =	swait.ge [sflag:s21], $0x4000  }
0x66: {  	[sflag:s21] =	ssyncset.done $0x0  }
0x67: {  	[sflag:s21] =	ssyncadd.s32 $0xFFFFC000  }
0x68: {  	[spmem:s1] =	stream.indirect.scatter.add.f32 [tilespmem:s16], [sflag:$0x3], $0x80, s25, s19, $0xb8;
	[tilespmem:$0x1E800] =	vst v63  }
0x69: {  	_ =	swait.ge [sflag:s23], $0x4000  }
0x6a: {  	[sflag:s23] =	ssyncset.done $0x0  }
0x6b: {  	[sflag:s23] =	ssyncadd.s32 $0xFFFFC000  }
0x6c: {  	[spmem:s1] =	stream.indirect.scatter.add.f32 [tilespmem:s20], [sflag:$0x4], $0x80, s26, s19, $0xb8;
	[tilespmem:$0x1E800] =	vst v63  }
0x6d: {  	_ =	swait.ge [sflag:s22], $0x4000  }
0x6e: {  	[sflag:s22] =	ssyncset.done $0x0  }
0x6f: {  	[sflag:s22] =	ssyncadd.s32 $0xFFFFC000  }
0x70: {  	_ =	swait.ge [sflag:s24], $0x4000  }
0x71: {  	[sflag:s24] =	ssyncset.done $0x0  }
0x72: {  	s28 =	simm.s32 $0x0;
	[sflag:s24] =	ssyncadd.s32 $0xFFFFC000  }
0x73: {  	[tilespmem:s28], [sflag:$0x5] =	stream.linear.gather [hbm4b:s8+s28], $0x1400, $0x38;
	[tilespmem:$0x1E800] =	vst v63  }
0x74: {  	_ =	swait.ge [sflag:s17], $0x1400  }
0x75: {  	[sflag:s17] =	ssyncset.done $0x0  }
0x76: {  	[sflag:s17] =	ssyncadd.s32 $0xFFFFEC00  }
0x77: {  	[tilespmem:s18], [sflag:$0x5] =	stream.linear.gather [hbm4b:s9+s28], $0x1400, $0x38;
	[tilespmem:$0x1E800] =	vst v63  }
0x78: {  	_ =	swait.ge [sflag:s17], $0x1400  }
0x79: {  	[sflag:s17] =	ssyncset.done $0x0  }
0x7a: {  	[sflag:s17] =	ssyncadd.s32 $0xFFFFEC00  }
0x7b: {  	[tilespmem:s16], [sflag:$0x1] =	stream.indirect.gather [hbm4b:s4+s19], $0x80, s28, s19, $0xb8;
	[tilespmem:$0x1E800] =	vst v63  }
0x7c: {  	_ = 	snop  }
0x7d: {  	[tilespmem:s20], [sflag:$0x2] =	stream.indirect.gather [hbm4b:s4+s19], $0x80, s19, s19, $0xb8;
	[tilespmem:$0x1E800] =	vst v63  }
0x7e: {  	_ =	swait.ge [sflag:s21], $0x4000  }
0x7f: {  	[sflag:s21] =	ssyncset.done $0x0  }
0x80: {  	s28 =	simm.s32 $0x1400;
	[sflag:s21] =	ssyncadd.s32 $0xFFFFC000  }
0x81: {  	[spmem:s1] =	stream.indirect.scatter.add.f32 [tilespmem:s16], [sflag:$0x3], $0x80, s28, s19, $0xb8;
	[tilespmem:$0x1E800] =	vst v63  }
0x82: {  	_ =	swait.ge [sflag:s22], $0x4000  }
0x83: {  	[sflag:s22] =	ssyncset.done $0x0  }
0x84: {  	s28 =	simm.s32 $0x100;
	[sflag:s22] =	ssyncadd.s32 $0xFFFFC000  }
0x85: {  	[tilespmem:s16], [sflag:$0x1] =	stream.indirect.gather [hbm4b:s4+s19], $0x80, s28, s19, $0xb8;
	[tilespmem:$0x1E800] =	vst v63  }
0x86: {  	_ =	swait.ge [sflag:s23], $0x4000  }
0x87: {  	[sflag:s23] =	ssyncset.done $0x0  }
0x88: {  	s28 =	simm.s32 $0x1480;
	[sflag:s23] =	ssyncadd.s32 $0xFFFFC000  }
0x89: {  	[spmem:s1] =	stream.indirect.scatter.add.f32 [tilespmem:s20], [sflag:$0x4], $0x80, s28, s19, $0xb8;
	[tilespmem:$0x1E800] =	vst v63  }
0x8a: {  	_ =	swait.ge [sflag:s24], $0x4000  }
0x8b: {  	[sflag:s24] =	ssyncset.done $0x0  }
0x8c: {  	s29 =	simm.s32 $0x180;
	s28 =	simm.s32 $0x400;
	[sflag:s24] =	ssyncadd.s32 $0xFFFFC000  }
.LBB2_6:
0x8d: {  	[tilespmem:s20], [sflag:$0x2] =	stream.indirect.gather [hbm4b:s4+s19], $0x80, s29, s19, $0xb8;
	[tilespmem:$0x1E800] =	vst v63  }
0x8e: {  	s29 =	smov.u32 s28  }
0x8f: {  	p0 =	sne.s32 s28, $0x4800;
	s28 =	sadd.s32 $0x400, s28;
	_ =	swait.ge [sflag:s21], $0x4000  }
0x90: {  	s29 =	sshra.s32 s29, $0x2;
	[sflag:s21] =	ssyncset.done $0x0  }
0x91: {  	s30 =	sadd.s32 $0x1400, s29;
	[sflag:s21] =	ssyncadd.s32 $0xFFFFC000  }
0x92: {  	[spmem:s1] =	stream.indirect.scatter.add.f32 [tilespmem:s16], [sflag:$0x3], $0x80, s30, s19, $0xb8;
	[tilespmem:$0x1E800] =	vst v63  }
0x93: {  	_ =	swait.ge [sflag:s22], $0x4000  }
0x94: {  	[sflag:s22] =	ssyncset.done $0x0  }
0x95: {  	s30 =	sadd.s32 $0x100, s29;
	[sflag:s22] =	ssyncadd.s32 $0xFFFFC000  }
0x96: {  	[tilespmem:s16], [sflag:$0x1] =	stream.indirect.gather [hbm4b:s4+s19], $0x80, s30, s19, $0xb8;
	[tilespmem:$0x1E800] =	vst v63  }
0x97: {  	_ =	swait.ge [sflag:s23], $0x4000  }
0x98: {  	[sflag:s23] =	ssyncset.done $0x0  }
.Ltmp2:
0x99: {  	s30 =	sadd.s32 $0x1480, s29;
	[sflag:s23] =	ssyncadd.s32 $0xFFFFC000;
	(pc) =	sbr.rel @p0 .LBB2_6-.Ltmp2, $4  }
0x9a: {  	[spmem:s1] =	stream.indirect.scatter.add.f32 [tilespmem:s20], [sflag:$0x4], $0x80, s30, s19, $0xb8;
	[tilespmem:$0x1E800] =	vst v63  }
0x9b: {  	_ =	swait.ge [sflag:s24], $0x4000  }
0x9c: {  	[sflag:s24] =	ssyncset.done $0x0  }
0x9d: {  	s29 =	sadd.s32 $0x180, s29;
	[sflag:s24] =	ssyncadd.s32 $0xFFFFC000  }
0x9e: {  	[tilespmem:s20], [sflag:$0x2] =	stream.indirect.gather [hbm4b:s4+s19], $0x80, s29, s19, $0xb8;
	[tilespmem:$0x1E800] =	vst v63  }
0x9f: {  	_ =	swait.ge [sflag:s21], $0x4000  }
0xa0: {  	[sflag:s21] =	ssyncset.done $0x0  }
0xa1: {  	[sflag:s21] =	ssyncadd.s32 $0xFFFFC000  }
0xa2: {  	[spmem:s1] =	stream.indirect.scatter.add.f32 [tilespmem:s16], [sflag:$0x3], $0x80, s25, s19, $0xb8;
	[tilespmem:$0x1E800] =	vst v63  }
0xa3: {  	_ =	swait.ge [sflag:s23], $0x4000  }
0xa4: {  	[sflag:s23] =	ssyncset.done $0x0  }
0xa5: {  	[sflag:s23] =	ssyncadd.s32 $0xFFFFC000  }
0xa6: {  	[spmem:s1] =	stream.indirect.scatter.add.f32 [tilespmem:s20], [sflag:$0x4], $0x80, s26, s19, $0xb8;
	[tilespmem:$0x1E800] =	vst v63  }
0xa7: {  	_ =	swait.ge [sflag:s22], $0x4000  }
0xa8: {  	[sflag:s22] =	ssyncset.done $0x0  }
0xa9: {  	[sflag:s22] =	ssyncadd.s32 $0xFFFFC000  }
0xaa: {  	_ =	swait.ge [sflag:s24], $0x4000  }
0xab: {  	s28 =	sshll.u32 s2, $0x6;
	s3 =	sadd.s32 $0x1, s3;
	[sflag:s24] =	ssyncset.done $0x0  }
0xac: {  	s31 =	sshrl.u32 s5, $0x3;
	p0 =	sne.s32 s3, s11;
	[sflag:s24] =	ssyncadd.s32 $0xFFFFC000  }
.Ltmp3:
0xad: {  	s28 =	sor.u32 $0x1C05, s28;
	[bflag:$0x0] =	sbarrier.arrive $0xFFFF;
	(pc) =	sbr.rel @p0 .LBB2_1-.Ltmp3, $4  }
0xae: {  	[hbm:s10], [sflag:s28] =	dma.local [spmem:s31], $0x2800  }
0xaf: {  	_ =	swait.ge [sflag:s17], $0x2800  }
0xb0: {  	[sflag:s17] =	ssyncset.done $0x0  }
0xb1: {  	[sflag:s17] =	ssyncadd.s32 $0xFFFFD800  }
0xb2: {  	_ =	sfence.sel $0x180000  }
0xb3: {  	[bflag:$0x0] =	sbarrier.arrive $0xFFFF  }
0xb4: {  	p0 =	sne.s32 s2, $0x0;
	_ =	strace $0x9000004D  }
0xb5: {  	s0 =	sadd.s32 @!p0 $0x100000, s0;
	[bflag:$0x2] =	sbarrier.arrive $0xFFFF  }
0xb6: {  	[sflag:s0] =	ssyncadd.tile.s32 @!p0 $0x1;
	_ =	shalt  }
.Lfunc_end2:
_tile_overlayer_lowered:
.L_overlay_start_2:
0xb7: {  	(tag) =	ssettag $0x2  }
0xb8: {  	s0 =	rddreg [dreg:$0x0];
	s2 =	stileid.u32  }
0xb9: {  	s1 =	rddreg [dreg:$0x1];
	p0 =	sne.s32 s2, $0x0  }
0xba: {  	s3 =	rddreg [dreg:$0x2];
	[bflag:$0x3] =	sbarrier.arrive $0xFFFF;
	s2 =	simm.s32 @!p0 $0x1C05  }
0xbb: {  	[timem:s3], [sflag:s2] =	dma.local @!p0 [hbm:s0], s1  }
0xbc: {  	s0 =	simm.s32 @!p0 $0x5  }
0xbd: {  	_ =	swait.ge @!p0 [sflag:s0], s1  }
0xbe: {  	s1 =	ssub.s32 @!p0 $0x0, s1;
	[sflag:s0] =	ssyncset.done @!p0 $0x0  }
0xbf: {  	[sflag:s0] =	ssyncadd.s32 @!p0 s1  }
0xc0: {  	[bflag:$0x3] =	sbarrier.arrive $0xFFFF  }
0xc1: {  	_ =	shalt  }

// kernel: kernel.8.cloned.1.call-start
scs
__scs_entry_jumppad:
0x0: {  	(pc) =	sbr.rel $0x88, $3  }
0x1: {  	(tag) =	ssettag $0x0;
	lr =	simm.s32 $0x1  }
0x2: {  	[smem:$0x3F99] =	sst lr;
	_ =	strace $0xD0000000  }
0x3: {  	_ = 	snop  }
0x4: {  	_ = 	snop  }
0x5: {  	_ = 	snop  }
0x6: {  	_ = 	snop  }
0x7: {  	_ = 	snop  }
__scs_overlays_trampoline_lowered:
0x8: {  	[smem:$0x3FA8] =	sst s0  }
0x9: {  	[smem:$0x3FA9] =	sst s1  }
0xa: {  	[smem:$0x3FAA] =	sst s2  }
0xb: {  	[smem:$0x3FAB] =	sst s3  }
0xc: {  	[smem:$0x3FAC] =	sst s4  }
0xd: {  	[smem:$0x3FAD] =	sst s5  }
0xe: {  	[smem:$0x3FAE] =	sst s6  }
0xf: {  	[smem:$0x3FAF] =	sst s7  }
0x10: {  	[smem:$0x3FB0] =	sst s8  }
0x11: {  	[smem:$0x3FB1] =	sst s9;
	s0 =	simm.s32 @!p0 $0x0  }
0x12: {  	s1 =	sld [smem:$0x3F97];
	s0 =	simm.s32 @p0 $0x1  }
0x13: {  	[smem:$0x3FB2] =	sst s0;
	s0 =	simm.s32 @!p1 $0x0  }
0x14: {  	s2 =	sld [smem:$0x3F96];
	s0 =	simm.s32 @p1 $0x1  }
0x15: {  	[smem:$0x3FB3] =	sst s0;
	s0 =	simm.s32 @!p2 $0x0  }
0x16: {  	s3 =	sld [smem:$0x3FDB];
	s0 =	simm.s32 @p2 $0x1  }
0x17: {  	s4 =	simm.s32 $0x1BF5;
	[smem:$0x3FB5] =	sst s0  }
0x18: {  	s0 =	sld [smem:$0x3F98];
	_ =	swait.ge [sflag:s4], $0x0  }
0x19: {  	s7 =	sld [smem:$0x3F99]  }
0x1a: {  	s8 =	sadd.s32 $0xFFFFE003, lr  }
0x1b: {  	s9 =	sadd.s32 $0xFFFFFEF7, lr;
	s5 =	simm.s32 $0xFFFFFFFF;
	p2 =	slt.u32 s8, $0xFFFFF086  }
0x1c: {  	p1 =	slt.u32 s9, $0xF7A;
	s5 =	simm.s32 @!p2 $0x0  }
0x1d: {  	s5 =	simm.s32 @p1 $0x1;
	p0 =	seq.s32 s7, s2  }
0x1e: {  	s7 =	smul.u32 @!p0 $0xF7A, s2;
	p2 =	seq.s32 @!p0 s5, $0x0  }
0x1f: {  	s9 =	smul.u32 $0xF7A, s1;
	s8 =	simm.s32 @!p0 $0x1BF5;
	p2 =	por !p2, p0  }
0x20: {  	[sflag:s8] =	ssyncset.s32 @!p0 $0xFFFFF086;
	s6 =	sadd.s32 @!p0 s3, s7;
	s7 =	simm.s32 @!p0 $0x108  }
0x21: {  	s3 =	sadd.s32 s3, s9;
	s6 =	sadd.s32 @!p0 $0x88, s6;
	s7 =	simm.s32 @p2 $0x1082  }
0x22: {  	[simem:s7], [sflag:s8] =	dma.local @!p0 [hbm:s6], $0xF7A  }
0x23: {  	s9 =	sor.u32 $0xD0000000, s2;
	s6 =	simm.s32 $0x108;
	_ =	swait.ge @!p0 [sflag:s8], $0x0  }
0x24: {  	s3 =	sadd.s32 $0x88, s3;
	s6 =	simm.s32 @!p1 $0x1082;
	[sflag:s4] =	ssyncset.s32 $0xFFFFF086  }
0x25: {  	[simem:s6], [sflag:s4] =	dma.local [hbm:s3], $0xF7A  }
0x26: {  	[smem:$0x3F99] =	sst s1;
	(tag) =	ssettag s2;
	_ =	strace s9  }
0x27: {  	s1 =	sld [smem:$0x3FA9]  }
0x28: {  	s2 =	sld [smem:$0x3FAA]  }
0x29: {  	s4 =	sld [smem:$0x3FAC]  }
0x2a: {  	p0 =	seq.s32 s5, $0x0;
	s5 =	sld [smem:$0x3FAD]  }
0x2b: {  	s6 =	sld [smem:$0x3FAE]  }
0x2c: {  	s7 =	sld [smem:$0x3FAF]  }
0x2d: {  	s3 =	simm.s32 $0x108;
	s8 =	sld [smem:$0x3FB0]  }
0x2e: {  	s3 =	simm.s32 @!p0 $0x1082;
	s9 =	sld [smem:$0x3FB1]  }
0x2f: {  	lr =	sadd.s32 s0, s3;
	s0 =	sld [smem:$0x3FA8]  }
0x30: {  	s3 =	sld [smem:$0x3FAB]  }
0x31: {  	[smem:$0x3FB4] =	sst s10  }
0x32: {  	s10 =	sld [smem:$0x3FB2];
	_ =	sdelay $0x3  }
0x33: {  	p0 =	seq.s32 s10, $0x1;
	s10 =	sld [smem:$0x3FB4];
	_ =	sdelay $0x3  }
0x34: {  	[smem:$0x3FB4] =	sst s10  }
0x35: {  	s10 =	sld [smem:$0x3FB3];
	_ =	sdelay $0x3  }
0x36: {  	p1 =	seq.s32 s10, $0x1;
	s10 =	sld [smem:$0x3FB4];
	_ =	sdelay $0x3  }
0x37: {  	[smem:$0x3FB4] =	sst s10  }
0x38: {  	s10 =	sld [smem:$0x3FB5]  }
0x39: {  	_ = 	snop;
	(pc) =	sbr.ind lr, $3  }
0x3a: {  	_ = 	snop  }
0x3b: {  	_ = 	snop  }
0x3c: {  	p2 =	seq.s32 s10, $0x1;
	s10 =	sld [smem:$0x3FB4]  }
0x3d: {  	_ =	shalt  }
0x3e: {  	_ =	shalt  }
0x3f: {  	_ =	shalt  }
0x40: {  	_ =	shalt  }
0x41: {  	_ =	shalt  }
0x42: {  	_ =	shalt  }
0x43: {  	_ =	shalt  }
0x44: {  	_ =	shalt  }
0x45: {  	_ =	shalt  }
0x46: {  	_ =	shalt  }
0x47: {  	_ =	shalt  }
0x48: {  	_ =	shalt  }
0x49: {  	_ =	shalt  }
0x4a: {  	_ =	shalt  }
0x4b: {  	_ =	shalt  }
0x4c: {  	_ =	shalt  }
0x4d: {  	_ =	shalt  }
0x4e: {  	_ =	shalt  }
0x4f: {  	_ =	shalt  }
0x50: {  	_ =	shalt  }
0x51: {  	_ =	shalt  }
0x52: {  	_ =	shalt  }
0x53: {  	_ =	shalt  }
0x54: {  	_ =	shalt  }
0x55: {  	_ =	shalt  }
0x56: {  	_ =	shalt  }
0x57: {  	_ =	shalt  }
0x58: {  	_ =	shalt  }
0x59: {  	_ =	shalt  }
0x5a: {  	_ =	shalt  }
0x5b: {  	_ =	shalt  }
0x5c: {  	_ =	shalt  }
0x5d: {  	_ =	shalt  }
0x5e: {  	_ =	shalt  }
0x5f: {  	_ =	shalt  }
0x60: {  	_ =	shalt  }
0x61: {  	_ =	shalt  }
0x62: {  	_ =	shalt  }
0x63: {  	_ =	shalt  }
0x64: {  	_ =	shalt  }
0x65: {  	_ =	shalt  }
0x66: {  	_ =	shalt  }
0x67: {  	_ =	shalt  }
0x68: {  	_ =	shalt  }
0x69: {  	_ =	shalt  }
0x6a: {  	_ =	shalt  }
0x6b: {  	_ =	shalt  }
0x6c: {  	_ =	shalt  }
0x6d: {  	_ =	shalt  }
0x6e: {  	_ =	shalt  }
0x6f: {  	_ =	shalt  }
0x70: {  	_ =	shalt  }
0x71: {  	_ =	shalt  }
0x72: {  	_ =	shalt  }
0x73: {  	_ =	shalt  }
0x74: {  	_ =	shalt  }
0x75: {  	_ =	shalt  }
0x76: {  	_ =	shalt  }
0x77: {  	_ =	shalt  }
0x78: {  	_ =	shalt  }
0x79: {  	_ =	shalt  }
0x7a: {  	_ =	shalt  }
0x7b: {  	_ =	shalt  }
0x7c: {  	_ =	shalt  }
0x7d: {  	_ =	shalt  }
0x7e: {  	_ =	shalt  }
0x7f: {  	_ =	shalt  }
0x80: {  	_ =	shalt  }
0x81: {  	_ =	shalt  }
0x82: {  	_ =	shalt  }
0x83: {  	_ =	shalt  }
0x84: {  	_ =	shalt  }
0x85: {  	_ =	shalt  }
0x86: {  	_ =	shalt  }
0x87: {  	_ =	shalt  }
.Lfunc_end0:
.L_simem_size_0:
called_computation_lowered:
.L_overlay_start_0:
0x88: {  	s2 =	sld [smem:$0x3FD9]  }
0x89: {  	s3 =	sld [smem:$0x3FFE];
	_ =	sdelay $0x1  }
0x8a: {  	s1 =	srdreg.scid  }
0x8b: {  	s0 =	sand.u32 $0x1, s1  }
0x8c: {  	s16 =	sshll.u32 s0, $0xA;
	s2 =	sadd.s32 s3, s2  }
0x8d: {  	s2 =	sadd.s32 s2, s16  }
0x8e: {  	[smem:$0x3FC0] =	sst s2  }
0x8f: {  	_ = 	snop  }
0x90: {  	(tm) =	ssettm $0x1  }
0x91: {  	s17 =	sld [smem:$0x3FFB];
	_ =	sdelay $0x3  }
0x92: {  	_ =	strace s17  }
0x93: {  	s2 =	sld [smem:$0x3FFC];
	_ =	sdelay $0x3  }
0x94: {  	_ =	strace s2  }
0x95: {  	s2 =	sld [smem:$0x3FFD];
	_ =	sdelay $0x3  }
0x96: {  	_ =	strace s2  }
0x97: {  	_ =	strace $0x8FFFFFFF  }
0x98: {  	s18 =	sld [smem:$0x3FDB];
	_ =	sdelay $0x1  }
0x99: {  	s19 =	simm.s32 $_scs_section_size  }
0x9a: {  	s4 =	simm.s32 $_size__tile_overlayer_lowered;
	s5 =	simm.s32 $_tile_overlayer_lowered  }
0x9b: {  	s22 =	simm.s32 $0x1BFF;
	s21 =	sshll.u32 s5, $0x1;
	s2 =	sadd.s32 s19, s18  }
0x9c: {  	s6 =	simm.s32 $0x0;
	s20 =	sshll.u32 s4, $0x1;
	s4 =	sadd.s32 s21, s2  }
0x9d: {  	[timem:s6], [sflag:s22] =	dma.local [hbm:s4], s20  }
0x9e: {  	_ =	swait.ge [sflag:s22], s20  }
0x9f: {  	s3 =	ssub.s32 $0x0, s20;
	[sflag:s22] =	ssyncset.done $0x0  }
0xa0: {  	[sflag:s22] =	ssyncadd.s32 s3;
	_ =	sdelay $0x1  }
0xa1: {  	s23 =	simm.s32 $0x1B8B  }
0xa2: {  	_ =	swait.ge [sflag:s23], $0x1  }
0xa3: {  	[sflag:s23] =	ssyncset.done $0x0  }
0xa4: {  	s25 =	simm.s32 $0x1B8E;
	s24 =	sld [smem:$0x3FFE];
	[sflag:s23] =	ssyncadd.s32 $0xFFFFFFFF  }
0xa5: {  	s26 =	simm.s32 $execute0_lowered;
	[smem:$0x3FD2] =	sst s25  }
0xa6: {  	s4 =	sshll.u32 s26, $0x1;
	_ =	strace $0x80000046;
	[dreg:$0x1] =	wrdreg $0xFFFFFFFF  }
0xa7: {  	s28 =	simm.s32 $_size_execute0_lowered;
	s2 =	sadd.s32 s2, s4;
	[dreg:$0x0] =	wrdreg $0x0  }
0xa8: {  	s4 =	sshll.u32 s28, $0x1;
	[dreg:$0x2] =	wrdreg s2  }
0xa9: {  	[dreg:$0x3] =	wrdreg s4  }
0xaa: {  	[dreg:$0x4] =	wrdreg $0xC0  }
0xab: {  	_ =	task [dreg:s6], $0x5FFFF  }
0xac: {  	[dreg:$0x1] =	wrdreg $0xFFFFFFFF  }
0xad: {  	[dreg:$0x0] =	wrdreg $0x60  }
0xae: {  	[dreg:$0x2] =	wrdreg s24  }
0xaf: {  	[dreg:$0x3] =	wrdreg $0x88000  }
0xb0: {  	[dreg:$0x4] =	wrdreg $0x9  }
0xb1: {  	_ =	task.clear_ibuf [dreg:s6], $0x5FFFF;
	_ =	strace $0x90000046  }
0xb2: {  	s29 =	simm.s32 $0x9;
	_ =	strace $0x80000048  }
0xb3: {  	_ =	swait.ge [sflag:s29], $0x1  }
0xb4: {  	[sflag:s29] =	ssyncadd.s32 $0xFFFFFFFF  }
0xb5: {  	_ =	strace $0x90000048  }
0xb6: {  	_ =	sfence  }
0xb7: {  	s30 =	sld [smem:$0x0];
	_ =	sdelay $0x2  }
0xb8: {  	s31 =	sshll.u32 s1, $0xD;
	s1 =	sshrl.u32 s1, $0x2  }
0xb9: {  	s3 =	sand.u32 $0x4000, s31;
	s1 =	sadd.s32 s1, s30  }
0xba: {  	s0 =	sor.u32 s3, s0;
	s1 =	sshll.u32 s1, $0x11  }
0xbb: {  	s0 =	sor.u32 s1, s0  }
0xbc: {  	s0 =	sadd.s32 $0x8F2B, s0  }
0xbd: {  	[sflag:s0] =	ssyncadd.remote.s32 $0x1  }
0xbe: {  	_ =	sfence.sel $0xFFFF  }
0xbf: {  	[dreg:$0x0] =	wrdreg $0xFFFFFFFF;
	(pc) =	sbr.abs _section_cstart, $3  }
0xc0: {  	[dreg:$0x1] =	wrdreg $0xFFFFFFFF  }
0xc1: {  	_ =	task.clear_ibuf [dreg:s6], $0x2FFFF;
	_ =	strace $0x9FFFFFFF  }
0xc2: {  	(tm) =	ssettm $0x7FFFFFFF  }
0xc3: {  	_ =	shalt  }
tec
execute0_lowered:
.L_overlay_start_1:
0x0: {  	(tag) =	ssettag $0x1  }
0x1: {  	s4 =	rddreg [dreg:$0x0]  }
0x2: {  	s2 =	rddreg [dreg:$0x1];
	s1 =	srdreg.scid  }
0x3: {  	s0 =	rddreg [dreg:$0x2];
	s3 =	simm.s32 $0x0;
	s17 =	simm.s32 $0x6800  }
0x4: {  	s18 =	simm.s32 $0x2;
	s19 =	simm.s32 $0x80;
	s5 =	sand.u32 $0x1, s1  }
0x5: {  	s20 =	simm.s32 $0x2800;
	s1 =	stileid.u32;
	s6 =	smul.u32 $0x140000, s5  }
0x6: {  	s21 =	simm.s32 $0x1;
	s7 =	smul.u32 $0x14000, s1;
	s8 =	sshll.u32 s5, $0x4  }
0x7: {  	s5 =	ssub.s32 $0x2, s5;
	s30 =	smul.u32 $0x50000, s1;
	s8 =	sor.u32 s1, s8  }
0x8: {  	[smem:$0x7FF] =	sst s3;
	s9 =	sshrl.u32 s5, $0x1;
	s29 =	smul.u32 $0x2800, s8  }
0x9: {  	_ =	strace $0x80000047;
	s6 =	sadd.s32 s7, s6;
	s9 =	ssub.s32 s5, s9  }
0xa: {  	s31 =	sshrl.u32 s30, $0x2;
	s6 =	sshrl.u32 s6, $0x3;
	s7 =	sshrl.u32 s29, $0x3  }
0xb: {  	s6 =	sadd.s32 s6, s4;
	s7 =	sadd.s32 s4, s7;
	s4 =	sadd.s32 s31, s2  }
0xc: {  	s6 =	sadd.s32 $0x17600, s6;
	s5 =	sadd.s32 $0xD600, s7;
	s7 =	smax.u32 s9, $0x1  }
0xd: {  	s8 =	sadd.s32 $0x2000, s4;
	s9 =	sadd.s32 $0x4000, s4;
	s10 =	sadd.s32 $0x6000, s4  }
0xe: {  	s11 =	sadd.s32 $0x8000, s4;
	s12 =	sadd.s32 $0xA000, s4;
	s13 =	sadd.s32 $0xC000, s4  }
0xf: {  	v0 =	vimm.f32 $1.000000000e+00;
	v1 =	vimm.f32 $0.0e+00;
	s14 =	sadd.s32 $0xE000, s4;
	s15 =	sadd.s32 $0x10000, s4;
	s16 =	sadd.s32 $0x12000, s4  }
.LBB2_1:
0x10: {  	s22 =	simm.s32 $0x0;
	s23 =	simm.s32 $0x200  }
.LBB2_2:
0x11: {  	p0 =	sne.s32 s23, $0xFE00;
	[tilespmem:s22+$0x2870] =	vst v0  }
0x12: {  	[tilespmem:s22+$0x2800] =	vst v0  }
0x13: {  	[tilespmem:s22+$0x2810] =	vst v0  }
.Ltmp0:
0x14: {  	[tilespmem:s22+$0x2820] =	vst v0;
	(pc) =	sbr.rel @p0 .LBB2_2-.Ltmp0, $4  }
0x15: {  	[tilespmem:s22+$0x2830] =	vst v0  }
0x16: {  	[tilespmem:s22+$0x2840] =	vst v0  }
0x17: {  	[tilespmem:s22+$0x2850] =	vst v0  }
0x18: {  	[tilespmem:s22+$0x2860] =	vst v0;
	s22 =	sshra.s32 s23, $0x2;
	s23 =	sadd.s32 $0x200, s23  }
0x19: {  	[tilespmem:s22+$0x2870] =	vst v0  }
0x1a: {  	[tilespmem:s22+$0x2800] =	vst v0  }
0x1b: {  	[tilespmem:s22+$0x2810] =	vst v0  }
0x1c: {  	[tilespmem:s22+$0x2820] =	vst v0  }
0x1d: {  	[tilespmem:s22+$0x2830] =	vst v0  }
0x1e: {  	[tilespmem:s22+$0x2840] =	vst v0  }
0x1f: {  	[tilespmem:s22+$0x2850] =	vst v0  }
0x20: {  	[tilespmem:s22+$0x2860] =	vst v0;
	s22 =	simm.s32 $0x0;
	s23 =	simm.s32 $0x200  }
.LBB2_4:
0x21: {  	p0 =	sne.s32 s23, $0x7E00;
	[tilespmem:s22+$0x6870] =	vst v1  }
0x22: {  	[tilespmem:s22+$0x6800] =	vst v1  }
0x23: {  	[tilespmem:s22+$0x6810] =	vst v1  }
.Ltmp1:
0x24: {  	[tilespmem:s22+$0x6820] =	vst v1;
	(pc) =	sbr.rel @p0 .LBB2_4-.Ltmp1, $4  }
0x25: {  	[tilespmem:s22+$0x6830] =	vst v1  }
0x26: {  	[tilespmem:s22+$0x6840] =	vst v1  }
0x27: {  	[tilespmem:s22+$0x6850] =	vst v1  }
0x28: {  	[tilespmem:s22+$0x6860] =	vst v1;
	s22 =	sshra.s32 s23, $0x2;
	s23 =	sadd.s32 $0x200, s23  }
0x29: {  	[tilespmem:s22+$0x6870] =	vst v1  }
0x2a: {  	[tilespmem:s22+$0x6800] =	vst v1  }
0x2b: {  	[tilespmem:s22+$0x6810] =	vst v1  }
0x2c: {  	[tilespmem:s22+$0x6820] =	vst v1  }
0x2d: {  	[tilespmem:s22+$0x6830] =	vst v1  }
0x2e: {  	[tilespmem:s22+$0x6840] =	vst v1  }
0x2f: {  	[tilespmem:s22+$0x6850] =	vst v1  }
0x30: {  	[tilespmem:s22+$0x6860] =	vst v1  }
0x31: {  	[spmem:s4] =	stream.linear.scatter [tilespmem:s17], [sflag:$0x2], $0x2000, $0x38;
	[tilespmem:$0x1C800] =	vst v63  }
0x32: {  	_ =	swait.ge [sflag:s18], $0x2000  }
0x33: {  	[sflag:s18] =	ssyncset.done $0x0  }
0x34: {  	[sflag:s18] =	ssyncadd.s32 $0xFFFFE000  }
0x35: {  	[spmem:s8] =	stream.linear.scatter [tilespmem:s17], [sflag:$0x2], $0x2000, $0x38;
	[tilespmem:$0x1C800] =	vst v63  }
0x36: {  	_ =	swait.ge [sflag:s18], $0x2000  }
0x37: {  	[sflag:s18] =	ssyncset.done $0x0  }
0x38: {  	[sflag:s18] =	ssyncadd.s32 $0xFFFFE000  }
0x39: {  	[spmem:s9] =	stream.linear.scatter [tilespmem:s17], [sflag:$0x2], $0x2000, $0x38;
	[tilespmem:$0x1C800] =	vst v63  }
0x3a: {  	_ =	swait.ge [sflag:s18], $0x2000  }
0x3b: {  	[sflag:s18] =	ssyncset.done $0x0  }
0x3c: {  	[sflag:s18] =	ssyncadd.s32 $0xFFFFE000  }
0x3d: {  	[spmem:s10] =	stream.linear.scatter [tilespmem:s17], [sflag:$0x2], $0x2000, $0x38;
	[tilespmem:$0x1C800] =	vst v63  }
0x3e: {  	_ =	swait.ge [sflag:s18], $0x2000  }
0x3f: {  	[sflag:s18] =	ssyncset.done $0x0  }
0x40: {  	[sflag:s18] =	ssyncadd.s32 $0xFFFFE000  }
0x41: {  	[spmem:s11] =	stream.linear.scatter [tilespmem:s17], [sflag:$0x2], $0x2000, $0x38;
	[tilespmem:$0x1C800] =	vst v63  }
0x42: {  	_ =	swait.ge [sflag:s18], $0x2000  }
0x43: {  	[sflag:s18] =	ssyncset.done $0x0  }
0x44: {  	[sflag:s18] =	ssyncadd.s32 $0xFFFFE000  }
0x45: {  	[spmem:s12] =	stream.linear.scatter [tilespmem:s17], [sflag:$0x2], $0x2000, $0x38;
	[tilespmem:$0x1C800] =	vst v63  }
0x46: {  	_ =	swait.ge [sflag:s18], $0x2000  }
0x47: {  	[sflag:s18] =	ssyncset.done $0x0  }
0x48: {  	[sflag:s18] =	ssyncadd.s32 $0xFFFFE000  }
0x49: {  	[spmem:s13] =	stream.linear.scatter [tilespmem:s17], [sflag:$0x2], $0x2000, $0x38;
	[tilespmem:$0x1C800] =	vst v63  }
0x4a: {  	_ =	swait.ge [sflag:s18], $0x2000  }
0x4b: {  	[sflag:s18] =	ssyncset.done $0x0  }
0x4c: {  	[sflag:s18] =	ssyncadd.s32 $0xFFFFE000  }
0x4d: {  	[spmem:s14] =	stream.linear.scatter [tilespmem:s17], [sflag:$0x2], $0x2000, $0x38;
	[tilespmem:$0x1C800] =	vst v63  }
0x4e: {  	_ =	swait.ge [sflag:s18], $0x2000  }
0x4f: {  	[sflag:s18] =	ssyncset.done $0x0  }
0x50: {  	[sflag:s18] =	ssyncadd.s32 $0xFFFFE000  }
0x51: {  	[spmem:s15] =	stream.linear.scatter [tilespmem:s17], [sflag:$0x2], $0x2000, $0x38;
	[tilespmem:$0x1C800] =	vst v63  }
0x52: {  	_ =	swait.ge [sflag:s18], $0x2000  }
0x53: {  	[sflag:s18] =	ssyncset.done $0x0  }
0x54: {  	[sflag:s18] =	ssyncadd.s32 $0xFFFFE000  }
0x55: {  	[spmem:s16] =	stream.linear.scatter [tilespmem:s17], [sflag:$0x2], $0x2000, $0x38;
	[tilespmem:$0x1C800] =	vst v63  }
0x56: {  	_ =	swait.ge [sflag:s18], $0x2000  }
0x57: {  	[sflag:s18] =	ssyncset.done $0x0  }
0x58: {  	[sflag:s18] =	ssyncadd.s32 $0xFFFFE000  }
0x59: {  	s22 =	simm.s32 $0x0;
	[bflag:$0x0] =	sbarrier.arrive $0xFFFF  }
0x5a: {  	[tilespmem:s22], [sflag:$0x2] =	stream.linear.gather [hbm4b:s5+s22], $0x2800, $0x38;
	[tilespmem:$0x1C800] =	vst v63  }
0x5b: {  	_ =	swait.ge [sflag:s18], $0x2800  }
0x5c: {  	[sflag:s18] =	ssyncset.done $0x0  }
0x5d: {  	[sflag:s18] =	ssyncadd.s32 $0xFFFFD800  }
.LBB2_6:
0x5e: {  	p0 =	sne.s32 s22, $0x9E00  }
.Ltmp2:
0x5f: {  	_ = 	snop;
	(pc) =	sbr.rel @p0 .LBB2_6-.Ltmp2, $3  }
0x60: {  	_ =	sdelay $0x1  }
0x61: {  	s23 =	sshra.s32 s22, $0x2;
	s22 =	sadd.s32 $0x200, s22  }
0x62: {  	[spmem:s2] =	stream.indirect.scatter.add.f32 [tilespmem:s20], [sflag:$0x1], $0x80, s23, s19, $0xb8;
	[tilespmem:$0x1C800] =	vst v63  }
0x63: {  	_ =	swait.ge [sflag:s21], $0x4000  }
0x64: {  	s22 =	simm.s32 $0x4F;
	[sflag:s21] =	ssyncset.done $0x0  }
.LBB2_8:
0x65: {  	p0 =	sne.s32 s22, $0x1;
	s22 =	sadd.s32 $0xFFFFFFFF, s22;
	[sflag:s21] =	ssyncadd.s32 $0xFFFFC000  }
.Ltmp3:
0x66: {  	(pc) =	sbr.rel @p0 .LBB2_8-.Ltmp3, $3  }
0x67: {  	_ =	sdelay $0x1  }
0x68: {  	_ =	swait.ge [sflag:s21], $0x4000  }
0x69: {  	[sflag:s21] =	ssyncset.done $0x0  }
0x6a: {  	[sflag:s21] =	ssyncadd.s32 $0xFFFFC000;
	s3 =	sadd.s32 $0x1, s3  }
0x6b: {  	s22 =	sshll.u32 s1, $0x6;
	s23 =	sshrl.u32 s4, $0x3;
	p0 =	sne.s32 s3, s7  }
.Ltmp4:
0x6c: {  	[bflag:$0x0] =	sbarrier.arrive $0xFFFF;
	s22 =	sor.u32 $0x1C02, s22;
	(pc) =	sbr.rel @p0 .LBB2_1-.Ltmp4, $4  }
0x6d: {  	[hbm:s6], [sflag:s22] =	dma.local [spmem:s23], $0x2800  }
0x6e: {  	_ =	swait.ge [sflag:s18], $0x2800  }
0x6f: {  	[sflag:s18] =	ssyncset.done $0x0  }
0x70: {  	[sflag:s18] =	ssyncadd.s32 $0xFFFFD800  }
0x71: {  	_ =	sfence.sel $0x180000  }
0x72: {  	[bflag:$0x0] =	sbarrier.arrive $0xFFFF  }
0x73: {  	p0 =	sne.s32 s1, $0x0;
	_ =	strace $0x90000047  }
0x74: {  	s0 =	sadd.s32 @!p0 $0x100000, s0;
	[bflag:$0x2] =	sbarrier.arrive $0xFFFF  }
0x75: {  	[sflag:s0] =	ssyncadd.tile.s32 @!p0 $0x1;
	_ =	shalt  }
.Lfunc_end2:
_tile_overlayer_lowered:
.L_overlay_start_2:
0x76: {  	(tag) =	ssettag $0x2  }
0x77: {  	s0 =	rddreg [dreg:$0x0];
	s2 =	stileid.u32  }
0x78: {  	s1 =	rddreg [dreg:$0x1];
	p0 =	sne.s32 s2, $0x0  }
0x79: {  	s3 =	rddreg [dreg:$0x2];
	[bflag:$0x3] =	sbarrier.arrive $0xFFFF;
	s2 =	simm.s32 @!p0 $0x1C02  }
0x7a: {  	[timem:s3], [sflag:s2] =	dma.local @!p0 [hbm:s0], s1  }
0x7b: {  	s0 =	simm.s32 @!p0 $0x2  }
0x7c: {  	_ =	swait.ge @!p0 [sflag:s0], s1  }
0x7d: {  	s1 =	ssub.s32 @!p0 $0x0, s1;
	[sflag:s0] =	ssyncset.done @!p0 $0x0  }
0x7e: {  	[sflag:s0] =	ssyncadd.s32 @!p0 s1  }
0x7f: {  	[bflag:$0x3] =	sbarrier.arrive $0xFFFF  }
0x80: {  	_ =	shalt  }

</sc_bundles>
